<compile_context>
chip_gen: v7x
topology: tpu7x:2x2x1
jax: 0.10.2.dev20260603
libtpu: 0.0.44.dev20260713+nightly
codegen_flags: <defaults>
</compile_context>

<pallas_src>
import dataclasses
import functools

import jax
import jax.numpy as jnp
from jax.experimental import pallas as pl
from jax.experimental.pallas import tpu as pltpu
from jax.experimental.pallas import tpu_sc as plsc

_B, _V, _F = 8, 2048, 64
_K = 40
_KN = _K - 1
_D = 4
_NF = 64
_P = 32
_R = 512
_T = _V // _R
_KPAD = 64

_IDX_BITS = 11
_IDX_MASK = (1 << _IDX_BITS) - 1
_KEY_MAX = 0x7FFFFFFF


def _topk_body(x_ref, xt_ref, ws_ref, bs_ref, wf_ref, bf_ref,
               feats_ref, nbr_ref, wgt_ref):
    t = pl.program_id(1)
    x_all = x_ref[0]

    f = jnp.dot(xt_ref[0], wf_ref[...],
                preferred_element_type=jnp.float32) + bf_ref[...]
    feats_ref[0, 0] = f[:, :_P // 2]
    feats_ref[0, 1] = f[:, _P // 2:]

    coords = jnp.dot(x_all, ws_ref[...],
                     preferred_element_type=jnp.float32) + bs_ref[...]
    ct = jnp.dot(xt_ref[0], ws_ref[...],
                 preferred_element_type=jnp.float32) + bs_ref[...]
    ctT = ct.T
    daT = jnp.sum(ctT * ctT, axis=0, keepdims=True)
    db = jnp.sum(coords * coords, axis=1, keepdims=True)
    def _round_bf16(v):
        b = jax.lax.bitcast_convert_type(v, jnp.int32)
        r = (b + 0x7FFF + jnp.bitwise_and(jax.lax.shift_right_logical(b, 16), 1))
        r = jnp.bitwise_and(r, jnp.int32(-65536))
        return jax.lax.bitcast_convert_type(r, jnp.float32)

    cb = _round_bf16(coords)
    ctbT = _round_bf16(ctT)
    cross = cb[:, 0:1] * ctbT[0:1, :]
    for d in range(1, _D):
        cross = cross + cb[:, d:d + 1] * ctbT[d:d + 1, :]
    dist = jnp.maximum(daT + db - 2.0 * cross, 0.0)

    cols = jax.lax.broadcasted_iota(jnp.int32, (_V, _R), 0)
    bits = jax.lax.bitcast_convert_type(dist, jnp.int32)
    keys = jnp.bitwise_or(jnp.bitwise_and(bits, ~jnp.int32(_IDX_MASK)), cols)

    m_prev = jnp.full((1, _R), -1, jnp.int32)
    for k in range(_K):
        cand = jnp.where(keys > m_prev, keys, _KEY_MAX)
        m = jnp.min(cand, axis=0, keepdims=True)
        if k > 0:
            idx = jnp.bitwise_and(m, jnp.int32(_IDX_MASK))
            dval = jax.lax.bitcast_convert_type(
                jnp.bitwise_and(m, ~jnp.int32(_IDX_MASK)), jnp.float32)
            w = jnp.exp(-10.0 * dval)
            nbr_ref[0, k - 1, :] = idx[0]
            wgt_ref[0, k - 1, :] = w[0]
        m_prev = m


def _topk_stage(x, W_s, b_s, W_flr, b_flr):
    return pl.pallas_call(
        _topk_body,
        grid=(_B, _T),
        compiler_params=pltpu.CompilerParams(
            dimension_semantics=("parallel", "parallel")),
        in_specs=[
            pl.BlockSpec((1, _V, _F), lambda b, t: (b, 0, 0)),
            pl.BlockSpec((1, _R, _F), lambda b, t: (b, t, 0)),
            pl.BlockSpec((_F, _D), lambda b, t: (0, 0)),
            pl.BlockSpec((1, _D), lambda b, t: (0, 0)),
            pl.BlockSpec((_F, _P), lambda b, t: (0, 0)),
            pl.BlockSpec((1, _P), lambda b, t: (0, 0)),
        ],
        out_specs=[
            pl.BlockSpec((1, 2, _R, _P // 2), lambda b, t: (b, 0, t, 0)),
            pl.BlockSpec((1, _KPAD, _R), lambda b, t: (b, 0, t)),
            pl.BlockSpec((1, _KPAD, _R), lambda b, t: (b, 0, t)),
        ],
        out_shape=[
            jax.ShapeDtypeStruct((_B, 2, _V, _P // 2), jnp.float32),
            jax.ShapeDtypeStruct((_B, _KPAD, _V), jnp.int32),
            jax.ShapeDtypeStruct((_B, _KPAD, _V), jnp.float32),
        ],
    )(x, x, W_s, b_s.reshape(1, _D), W_flr, b_flr.reshape(1, _P))


_NC = 2
_NS = 16
_NW = _NC * _NS
_PH = _P // 2
_SEG = 1024
_G = 16


_CB = 128


_PB = 8


def _agg_sc_body(feats_hbm, nbr_hbm, wgt_hbm, out_hbm,
                 table_v, idx_v, wgt_v, out_v):
    c = jax.lax.axis_index("c")
    s = jax.lax.axis_index("s")
    wid = s * _NC + c
    b = wid // 4
    half = (wid // 2) % 2
    vbase = (wid % 2) * _SEG
    pltpu.sync_copy(feats_hbm.at[b, half], table_v)
    lane = jax.lax.broadcasted_iota(jnp.int32, (_G,), 0)

    @pl.loop(0, _SEG // _CB)
    def _(cchunk):
        cb = vbase + cchunk * _CB
        pltpu.sync_copy(nbr_hbm.at[b, pl.ds(0, _KPAD), pl.ds(cb, _CB)], idx_v)
        pltpu.sync_copy(wgt_hbm.at[b, pl.ds(0, _KPAD), pl.ds(cb, _CB)], wgt_v)

        @pl.loop(0, _CB // _G)
        def _(sub):
            col = sub * _G
            rows = lane + col
            for pb in range(_PH // _PB):
                def kbody(k, accs):
                    idx16 = idx_v[k, pl.ds(col, _G)]
                    w16 = wgt_v[k, pl.ds(col, _G)]
                    new = []
                    for j in range(_PB):
                        p = pb * _PB + j
                        g = plsc.load_gather(
                            table_v, [idx16, jnp.full((_G,), p, jnp.int32)])
                        wf = w16 * g
                        new.append(jnp.maximum(accs[2 * j], wf))
                        new.append(accs[2 * j + 1] + wf)
                    return tuple(new)

                init = []
                for j in range(_PB):
                    init.append(jnp.full((_G,), -jnp.inf, jnp.float32))
                    init.append(jnp.zeros((_G,), jnp.float32))
                accs = jax.lax.fori_loop(0, _KN, kbody, tuple(init))
                for j in range(_PB):
                    p = pb * _PB + j
                    plsc.store_scatter(
                        out_v, [rows, jnp.full((_G,), p, jnp.int32)],
                        accs[2 * j])
                    plsc.store_scatter(
                        out_v, [rows, jnp.full((_G,), _PH + p, jnp.int32)],
                        accs[2 * j + 1] * (1.0 / _KN))

        pltpu.sync_copy(out_v, out_hbm.at[half, pl.ds(b * _V + cb, _CB)])


def _agg_stage(feats, nbr, wgt):
    mesh = plsc.VectorSubcoreMesh(core_axis_name="c", subcore_axis_name="s")
    cp = pltpu.CompilerParams()
    if "needs_layout_passes" in pltpu.CompilerParams.__dataclass_fields__:
        cp = dataclasses.replace(cp, needs_layout_passes=False)
    if "use_tc_tiling_on_sc" in pltpu.CompilerParams.__dataclass_fields__:
        cp = dataclasses.replace(cp, use_tc_tiling_on_sc=False)
    f = pl.kernel(
        _agg_sc_body,
        out_type=jax.ShapeDtypeStruct((2, _B * _V, _P), jnp.float32),
        mesh=mesh,
        compiler_params=cp,
        scratch_types=[
            pltpu.VMEM((_V, _PH), jnp.float32),
            pltpu.VMEM((_KPAD, _CB), jnp.int32),
            pltpu.VMEM((_KPAD, _CB), jnp.float32),
            pltpu.VMEM((_CB, _P), jnp.float32),
        ],
    )
    return f(feats, nbr, wgt)


def _final_body(x_ref, c0_ref, c1_ref, w_ref, b_ref, o_ref):
    c0 = c0_ref[0]
    c1 = c1_ref[0]
    u = jnp.concatenate(
        [x_ref[...], c0[:, :_PH], c1[:, :_PH], c0[:, _PH:], c1[:, _PH:]],
        axis=-1)
    o_ref[...] = jnp.tanh(
        jnp.dot(u, w_ref[...], preferred_element_type=jnp.float32) + b_ref[...]
    )


def _final_stage(x, agg, W_out, b_out):
    xf = x.reshape(_B * _V, _F)
    out = pl.pallas_call(
        _final_body,
        out_shape=jax.ShapeDtypeStruct((_B * _V, _NF), jnp.float32),
        grid=(_B,),
        compiler_params=pltpu.CompilerParams(
            dimension_semantics=("parallel",)),
        in_specs=[
            pl.BlockSpec((_V, _F), lambda i: (i, 0)),
            pl.BlockSpec((1, _V, _P), lambda i: (0, i, 0)),
            pl.BlockSpec((1, _V, _P), lambda i: (1, i, 0)),
            pl.BlockSpec((_F + 2 * _P, _NF), lambda i: (0, 0)),
            pl.BlockSpec((1, _NF), lambda i: (0, 0)),
        ],
        out_specs=pl.BlockSpec((_V, _NF), lambda i: (i, 0)),
    )(xf, agg, agg, W_out, b_out.reshape(1, _NF))
    return out.reshape(_B, _V, _NF)


def kernel(x, W_flr, b_flr, W_s, b_s, W_out, b_out):
    feats, nbr, wgt = _topk_stage(x, W_s, b_s, W_flr, b_flr)
    agg = _agg_stage(feats, nbr, wgt)
    return _final_stage(x, agg, W_out, b_out)

# --- scband reference (transcript-rebuilt; emitter-appended) ---
"""Pipeline reference for scband-grav-net-52793738003099 (READ-ONLY COPY).

The authoritative reference and input builder live on the scoring server;
editing this copy changes nothing except your own understanding.
"""

import jax, jax.numpy as jnp
import numpy as np

B, V, F = 8, 2048, 64
N_NEIGHBOURS = 40
N_DIM = 4
N_FILTERS = 64
N_PROP = 32


def euclidean_squared(A, Bm):
    # [B,V,D] x [B,V,D] -> [B,V,V] squared euclidean distances (matmul form)
    dotA = jnp.sum(A * A, axis=-1)[:, :, None]
    dotB = jnp.sum(Bm * Bm, axis=-1)[:, None, :]
    cross = jnp.einsum('bid,bjd->bij', A, Bm)
    return jnp.maximum(dotA + dotB - 2.0 * cross, 0.0)


def gauss_of_lin(x):
    return jnp.exp(-jnp.abs(x))


def setup_inputs(seed: int = 0):
    key = jax.random.key(seed)
    ks = jax.random.split(key, 7)
    x = jax.random.normal(ks[0], (B, V, F), dtype=jnp.float32)
    glorot = jax.nn.initializers.glorot_uniform()
    orth = jax.nn.initializers.orthogonal()
    W_flr = glorot(ks[1], (F, N_PROP), jnp.float32)
    b_flr = jnp.zeros((N_PROP,), jnp.float32)
    W_s = orth(ks[2], (F, N_DIM), jnp.float32)
    b_s = jnp.zeros((N_DIM,), jnp.float32)
    W_out = glorot(ks[3], (F + 2 * N_PROP, N_FILTERS), jnp.float32)
    b_out = jnp.zeros((N_FILTERS,), jnp.float32)
    return {"x": x, "W_flr": W_flr, "b_flr": b_flr, "W_s": W_s, "b_s": b_s,
            "W_out": W_out, "b_out": b_out}


def reference(x, W_flr, b_flr, W_s, b_s, W_out, b_out):
    # input_spatial_transform -> learned coordinates
    coordinates = jnp.dot(x, W_s) + b_s  # [B,V,D]
    # collect_neighbours
    distance_matrix = euclidean_squared(coordinates, coordinates)  # [B,V,V]
    ranked_distances, ranked_indices = jax.lax.top_k(-distance_matrix, N_NEIGHBOURS)
    neighbour_indices = ranked_indices[:, :, 1:]  # drop self, [B,V,K-1]
    distance = -ranked_distances[:, :, 1:]        # [B,V,K-1]
    weights = gauss_of_lin(distance * 10.0)[..., None]  # [B,V,K-1,1]
    # input_feature_transform
    features = jnp.dot(x, W_flr) + b_flr  # [B,V,P]
    # per-batch gather of neighbour features (SparseCore-friendly gather)
    neighbour_features = jax.vmap(lambda f, i: f[i])(features, neighbour_indices)  # [B,V,K-1,P]
    neighbour_features = neighbour_features * weights
    neighbours_max = jnp.max(neighbour_features, axis=2)
    neighbours_mean = jnp.mean(neighbour_features, axis=2)
    collected = jnp.concatenate([neighbours_max, neighbours_mean], axis=-1)  # [B,V,2P]
    updated_features = jnp.concatenate([x, collected], axis=-1)  # [B,V,F+2P]
    output = jnp.tanh(jnp.dot(updated_features, W_out) + b_out)  # [B,V,n_filters]
    return output

if __name__ == "__main__":
    import jax
    _d = setup_inputs()
    print(jax.jit(kernel)(*tuple(_d.values())))

</pallas_src>

<mosaic_0001>
#map = affine_map<(d0, d1) -> (0, 0, 0, 0)>
#map1 = affine_map<(d0, d1) -> (0, 0, 0)>
module attributes {stable_mosaic.version = 14 : i64} {
  func.func @_agg_sc_body(%arg0: i32, %arg1: i32, %arg2: memref<8x2x2048x16xf32, #tpu.memory_space<hbm>>, %arg3: memref<8x64x2048xi32, #tpu.memory_space<hbm>>, %arg4: memref<8x64x2048xf32, #tpu.memory_space<hbm>>, %arg5: memref<2x16384x32xf32, #tpu.memory_space<hbm>>, %arg6: memref<2048x16xf32, #tpu.memory_space<vmem>>, %arg7: memref<64x128xi32, #tpu.memory_space<vmem>>, %arg8: memref<64x128xf32, #tpu.memory_space<vmem>>, %arg9: memref<128x32xf32, #tpu.memory_space<vmem>>) attributes {dimension_semantics = [#tpu.dimension_semantics<core_parallel>, #tpu.dimension_semantics<subcore_parallel>], iteration_bounds = array<i64: 2, 16>, scalar_prefetch = 0 : i64, scratch_operands = 4 : i64, tpu.core_type = #tpu.core_type<sc_vector_subcore>, window_params = [{transform_indices = #map}, {transform_indices = #map1}, {transform_indices = #map1}, {transform_indices = #map1}]} {
    %mul3A = arith.constant 2 : i32
    %mul3A_0 = arith.muli %arg1, %mul3A : i32
    %add3A = arith.addi %mul3A_0, %arg0 : i32
    %jit3A = arith.constant 4 : i32
    %div3A = arith.divsi %add3A, %jit3A : i32
    %sign3A = arith.constant 0 : i32
    %sign3A_1 = arith.cmpi sgt, %add3A, %sign3A : i32
    %sign3A_2 = arith.extui %sign3A_1 : i1 to i32
    %sign3A_3 = arith.constant 0 : i32
    %sign3A_4 = arith.cmpi slt, %add3A, %sign3A_3 : i32
    %sign3A_5 = arith.extui %sign3A_4 : i1 to i32
    %sign3A_6 = arith.subi %sign3A_2, %sign3A_5 : i32
    %sign3A_7 = arith.constant 0 : i32
    %sign3A_8 = arith.cmpi sgt, %jit3A, %sign3A_7 : i32
    %sign3A_9 = arith.extui %sign3A_8 : i1 to i32
    %sign3A_10 = arith.constant 0 : i32
    %sign3A_11 = arith.cmpi slt, %jit3A, %sign3A_10 : i32
    %sign3A_12 = arith.extui %sign3A_11 : i1 to i32
    %sign3A_13 = arith.subi %sign3A_9, %sign3A_12 : i32
    %ne3A = arith.cmpi ne, %sign3A_6, %sign3A_13 : i32
    %rem3A = arith.remsi %add3A, %jit3A : i32
    %ne3A_14 = arith.constant 0 : i32
    %ne3A_15 = arith.cmpi ne, %rem3A, %ne3A_14 : i32
    %and3A = arith.andi %ne3A, %ne3A_15 : i1
    %sub3A = arith.constant 1 : i32
    %sub3A_16 = arith.subi %div3A, %sub3A : i32
    %select_n3A = arith.select %and3A, %sub3A_16, %div3A : i32
    %jit3A_17 = arith.constant 2 : i32
    %div3A_18 = arith.divsi %add3A, %jit3A_17 : i32
    %sign3A_19 = arith.constant 0 : i32
    %sign3A_20 = arith.cmpi sgt, %add3A, %sign3A_19 : i32
    %sign3A_21 = arith.extui %sign3A_20 : i1 to i32
    %sign3A_22 = arith.constant 0 : i32
    %sign3A_23 = arith.cmpi slt, %add3A, %sign3A_22 : i32
    %sign3A_24 = arith.extui %sign3A_23 : i1 to i32
    %sign3A_25 = arith.subi %sign3A_21, %sign3A_24 : i32
    %sign3A_26 = arith.constant 0 : i32
    %sign3A_27 = arith.cmpi sgt, %jit3A_17, %sign3A_26 : i32
    %sign3A_28 = arith.extui %sign3A_27 : i1 to i32
    %sign3A_29 = arith.constant 0 : i32
    %sign3A_30 = arith.cmpi slt, %jit3A_17, %sign3A_29 : i32
    %sign3A_31 = arith.extui %sign3A_30 : i1 to i32
    %sign3A_32 = arith.subi %sign3A_28, %sign3A_31 : i32
    %ne3A_33 = arith.cmpi ne, %sign3A_25, %sign3A_32 : i32
    %rem3A_34 = arith.remsi %add3A, %jit3A_17 : i32
    %ne3A_35 = arith.constant 0 : i32
    %ne3A_36 = arith.cmpi ne, %rem3A_34, %ne3A_35 : i32
    %and3A_37 = arith.andi %ne3A_33, %ne3A_36 : i1
    %sub3A_38 = arith.constant 1 : i32
    %sub3A_39 = arith.subi %div3A_18, %sub3A_38 : i32
    %select_n3A_40 = arith.select %and3A_37, %sub3A_39, %div3A_18 : i32
    %jit3A_41 = arith.constant 2 : i32
    %eq3A = arith.constant 0 : i32
    %eq3A_42 = arith.cmpi eq, %jit3A_41, %eq3A : i32
    %jit3A_43 = arith.constant 1 : i32
    %select_n3A_44 = arith.select %eq3A_42, %jit3A_43, %jit3A_41 : i32
    %rem3A_45 = arith.remsi %select_n3A_40, %select_n3A_44 : i32
    %ne3A_46 = arith.constant 0 : i32
    %ne3A_47 = arith.cmpi ne, %rem3A_45, %ne3A_46 : i32
    %lt3A = arith.constant 0 : i32
    %lt3A_48 = arith.cmpi slt, %rem3A_45, %lt3A : i32
    %lt3A_49 = arith.constant 0 : i32
    %lt3A_50 = arith.cmpi slt, %select_n3A_44, %lt3A_49 : i32
    %ne3A_51 = arith.xori %lt3A_48, %lt3A_50 : i1
    %and3A_52 = arith.andi %ne3A_51, %ne3A_47 : i1
    %add3A_53 = arith.addi %rem3A_45, %select_n3A_44 : i32
    %select_n3A_54 = arith.select %and3A_52, %add3A_53, %rem3A_45 : i32
    %jit3A_55 = arith.constant 2 : i32
    %eq3A_56 = arith.constant 0 : i32
    %eq3A_57 = arith.cmpi eq, %jit3A_55, %eq3A_56 : i32
    %jit3A_58 = arith.constant 1 : i32
    %select_n3A_59 = arith.select %eq3A_57, %jit3A_58, %jit3A_55 : i32
    %rem3A_60 = arith.remsi %add3A, %select_n3A_59 : i32
    %ne3A_61 = arith.constant 0 : i32
    %ne3A_62 = arith.cmpi ne, %rem3A_60, %ne3A_61 : i32
    %lt3A_63 = arith.constant 0 : i32
    %lt3A_64 = arith.cmpi slt, %rem3A_60, %lt3A_63 : i32
    %lt3A_65 = arith.constant 0 : i32
    %lt3A_66 = arith.cmpi slt, %select_n3A_59, %lt3A_65 : i32
    %ne3A_67 = arith.xori %lt3A_64, %lt3A_66 : i1
    %and3A_68 = arith.andi %ne3A_67, %ne3A_62 : i1
    %add3A_69 = arith.addi %rem3A_60, %select_n3A_59 : i32
    %select_n3A_70 = arith.select %and3A_68, %add3A_69, %rem3A_60 : i32
    %mul3A_71 = arith.constant 1024 : i32
    %mul3A_72 = arith.muli %select_n3A_70, %mul3A_71 : i32
    "tpu.region"() ({
      %run_scoped3A = tpu.sem_alloc : memref<!tpu.dma_semaphore, #tpu.memory_space<semaphore_mem>>
      %dma_start3A = arith.constant 0 : i32
      %dma_start3A_77 = arith.constant 0 : i32
      %dma_start3A_78 = tpu.memref_slice %arg2[%select_n3A, %select_n3A_54, %dma_start3A, %dma_start3A_77] : memref<8x2x2048x16xf32, #tpu.memory_space<hbm>> -> memref<1x1x2048x16xf32, #tpu.memory_space<hbm>>
      %dma_start3A_79 = tpu.memref_squeeze %dma_start3A_78 : memref<1x1x2048x16xf32, #tpu.memory_space<hbm>> -> memref<2048x16xf32, #tpu.memory_space<hbm>>
      %dma_start3A_80 = arith.constant 0 : i32
      %dma_start3A_81 = arith.constant 0 : i32
      %dma_start3A_82 = tpu.memref_slice %arg2[%select_n3A, %select_n3A_54, %dma_start3A_80, %dma_start3A_81] : memref<8x2x2048x16xf32, #tpu.memory_space<hbm>> -> memref<1x1x2048x16xf32, #tpu.memory_space<hbm>>
      %dma_start3A_83 = tpu.memref_squeeze %dma_start3A_82 : memref<1x1x2048x16xf32, #tpu.memory_space<hbm>> -> memref<2048x16xf32, #tpu.memory_space<hbm>>
      tpu.enqueue_dma source(%dma_start3A_83 : memref<2048x16xf32, #tpu.memory_space<hbm>>) target(%arg6 : memref<2048x16xf32, #tpu.memory_space<vmem>>) target_semaphore(%run_scoped3A : memref<!tpu.dma_semaphore, #tpu.memory_space<semaphore_mem>>)
      %dma_wait3A = arith.constant 0 : i32
      %dma_wait3A_84 = arith.constant 0 : i32
      %dma_wait3A_85 = tpu.memref_slice %arg2[%select_n3A, %select_n3A_54, %dma_wait3A, %dma_wait3A_84] : memref<8x2x2048x16xf32, #tpu.memory_space<hbm>> -> memref<1x1x2048x16xf32, #tpu.memory_space<hbm>>
      %dma_wait3A_86 = tpu.memref_squeeze %dma_wait3A_85 : memref<1x1x2048x16xf32, #tpu.memory_space<hbm>> -> memref<2048x16xf32, #tpu.memory_space<hbm>>
      %dma_wait3A_87 = arith.constant 0 : i32
      %dma_wait3A_88 = arith.constant 0 : i32
      %dma_wait3A_89 = tpu.memref_slice %arg2[%select_n3A, %select_n3A_54, %dma_wait3A_87, %dma_wait3A_88] : memref<8x2x2048x16xf32, #tpu.memory_space<hbm>> -> memref<1x1x2048x16xf32, #tpu.memory_space<hbm>>
      %dma_wait3A_90 = tpu.memref_squeeze %dma_wait3A_89 : memref<1x1x2048x16xf32, #tpu.memory_space<hbm>> -> memref<2048x16xf32, #tpu.memory_space<hbm>>
      tpu.wait_dma2 semaphore(%run_scoped3A : memref<!tpu.dma_semaphore, #tpu.memory_space<semaphore_mem>>) src(%dma_wait3A_90 : memref<2048x16xf32, #tpu.memory_space<hbm>>) dst(%arg6 : memref<2048x16xf32, #tpu.memory_space<vmem>>)
      tpu.yield
    }) : () -> ()
    %iota3A = tpu.iota {dimensions = array<i32: 0>} : vector<16xi32>
    %scan3A = arith.constant 0 : i32
    %scan3A_73 = arith.constant 8 : i32
    %scan3A_74 = arith.addi %scan3A, %scan3A_73 : i32
    %scan3A_75 = arith.constant 1 : i32
    scf.for %scan3A_77 = %scan3A to %scan3A_74 step %scan3A_75  : i32 {
      %mul3A_78 = arith.constant 1 : i32
      %mul3A_79 = arith.muli %scan3A_77, %mul3A_78 : i32
      %add3A_80 = arith.constant 0 : i32
      %add3A_81 = arith.addi %add3A_80, %mul3A_79 : i32
      %mul3A_82 = arith.constant 128 : i32
      %mul3A_83 = arith.muli %add3A_81, %mul3A_82 : i32
      %add3A_84 = arith.addi %mul3A_72, %mul3A_83 : i32
      "tpu.region"() ({
        %run_scoped3A = tpu.sem_alloc : memref<!tpu.dma_semaphore, #tpu.memory_space<semaphore_mem>>
        %dma_start3A = arith.constant 0 : i32
        %dma_start3A_93 = tpu.memref_slice %arg3[%select_n3A, %dma_start3A, %add3A_84] : memref<8x64x2048xi32, #tpu.memory_space<hbm>> -> memref<1x64x128xi32, #tpu.memory_space<hbm>>
        %dma_start3A_94 = tpu.memref_squeeze %dma_start3A_93 : memref<1x64x128xi32, #tpu.memory_space<hbm>> -> memref<64x128xi32, #tpu.memory_space<hbm>>
        %dma_start3A_95 = arith.constant 0 : i32
        %dma_start3A_96 = tpu.memref_slice %arg3[%select_n3A, %dma_start3A_95, %add3A_84] : memref<8x64x2048xi32, #tpu.memory_space<hbm>> -> memref<1x64x128xi32, #tpu.memory_space<hbm>>
        %dma_start3A_97 = tpu.memref_squeeze %dma_start3A_96 : memref<1x64x128xi32, #tpu.memory_space<hbm>> -> memref<64x128xi32, #tpu.memory_space<hbm>>
        tpu.enqueue_dma source(%dma_start3A_97 : memref<64x128xi32, #tpu.memory_space<hbm>>) target(%arg7 : memref<64x128xi32, #tpu.memory_space<vmem>>) target_semaphore(%run_scoped3A : memref<!tpu.dma_semaphore, #tpu.memory_space<semaphore_mem>>)
        %dma_wait3A = arith.constant 0 : i32
        %dma_wait3A_98 = tpu.memref_slice %arg3[%select_n3A, %dma_wait3A, %add3A_84] : memref<8x64x2048xi32, #tpu.memory_space<hbm>> -> memref<1x64x128xi32, #tpu.memory_space<hbm>>
        %dma_wait3A_99 = tpu.memref_squeeze %dma_wait3A_98 : memref<1x64x128xi32, #tpu.memory_space<hbm>> -> memref<64x128xi32, #tpu.memory_space<hbm>>
        %dma_wait3A_100 = arith.constant 0 : i32
        %dma_wait3A_101 = tpu.memref_slice %arg3[%select_n3A, %dma_wait3A_100, %add3A_84] : memref<8x64x2048xi32, #tpu.memory_space<hbm>> -> memref<1x64x128xi32, #tpu.memory_space<hbm>>
        %dma_wait3A_102 = tpu.memref_squeeze %dma_wait3A_101 : memref<1x64x128xi32, #tpu.memory_space<hbm>> -> memref<64x128xi32, #tpu.memory_space<hbm>>
        tpu.wait_dma2 semaphore(%run_scoped3A : memref<!tpu.dma_semaphore, #tpu.memory_space<semaphore_mem>>) src(%dma_wait3A_102 : memref<64x128xi32, #tpu.memory_space<hbm>>) dst(%arg7 : memref<64x128xi32, #tpu.memory_space<vmem>>)
        tpu.yield
      }) : () -> ()
      "tpu.region"() ({
        %run_scoped3A = tpu.sem_alloc : memref<!tpu.dma_semaphore, #tpu.memory_space<semaphore_mem>>
        %dma_start3A = arith.constant 0 : i32
        %dma_start3A_93 = tpu.memref_slice %arg4[%select_n3A, %dma_start3A, %add3A_84] : memref<8x64x2048xf32, #tpu.memory_space<hbm>> -> memref<1x64x128xf32, #tpu.memory_space<hbm>>
        %dma_start3A_94 = tpu.memref_squeeze %dma_start3A_93 : memref<1x64x128xf32, #tpu.memory_space<hbm>> -> memref<64x128xf32, #tpu.memory_space<hbm>>
        %dma_start3A_95 = arith.constant 0 : i32
        %dma_start3A_96 = tpu.memref_slice %arg4[%select_n3A, %dma_start3A_95, %add3A_84] : memref<8x64x2048xf32, #tpu.memory_space<hbm>> -> memref<1x64x128xf32, #tpu.memory_space<hbm>>
        %dma_start3A_97 = tpu.memref_squeeze %dma_start3A_96 : memref<1x64x128xf32, #tpu.memory_space<hbm>> -> memref<64x128xf32, #tpu.memory_space<hbm>>
        tpu.enqueue_dma source(%dma_start3A_97 : memref<64x128xf32, #tpu.memory_space<hbm>>) target(%arg8 : memref<64x128xf32, #tpu.memory_space<vmem>>) target_semaphore(%run_scoped3A : memref<!tpu.dma_semaphore, #tpu.memory_space<semaphore_mem>>)
        %dma_wait3A = arith.constant 0 : i32
        %dma_wait3A_98 = tpu.memref_slice %arg4[%select_n3A, %dma_wait3A, %add3A_84] : memref<8x64x2048xf32, #tpu.memory_space<hbm>> -> memref<1x64x128xf32, #tpu.memory_space<hbm>>
        %dma_wait3A_99 = tpu.memref_squeeze %dma_wait3A_98 : memref<1x64x128xf32, #tpu.memory_space<hbm>> -> memref<64x128xf32, #tpu.memory_space<hbm>>
        %dma_wait3A_100 = arith.constant 0 : i32
        %dma_wait3A_101 = tpu.memref_slice %arg4[%select_n3A, %dma_wait3A_100, %add3A_84] : memref<8x64x2048xf32, #tpu.memory_space<hbm>> -> memref<1x64x128xf32, #tpu.memory_space<hbm>>
        %dma_wait3A_102 = tpu.memref_squeeze %dma_wait3A_101 : memref<1x64x128xf32, #tpu.memory_space<hbm>> -> memref<64x128xf32, #tpu.memory_space<hbm>>
        tpu.wait_dma2 semaphore(%run_scoped3A : memref<!tpu.dma_semaphore, #tpu.memory_space<semaphore_mem>>) src(%dma_wait3A_102 : memref<64x128xf32, #tpu.memory_space<hbm>>) dst(%arg8 : memref<64x128xf32, #tpu.memory_space<vmem>>)
        tpu.yield
      }) : () -> ()
      %scan3A_85 = arith.constant 0 : i32
      %scan3A_86 = arith.constant 8 : i32
      %scan3A_87 = arith.addi %scan3A_85, %scan3A_86 : i32
      %scan3A_88 = arith.constant 1 : i32
      scf.for %scan3A_93 = %scan3A_85 to %scan3A_87 step %scan3A_88  : i32 {
        %mul3A_94 = arith.constant 1 : i32
        %mul3A_95 = arith.muli %scan3A_93, %mul3A_94 : i32
        %add3A_96 = arith.constant 0 : i32
        %add3A_97 = arith.addi %add3A_96, %mul3A_95 : i32
        %mul3A_98 = arith.constant 16 : i32
        %mul3A_99 = arith.muli %add3A_97, %mul3A_98 : i32
        %add3A_100 = vector.broadcast %mul3A_99 : i32 to vector<16xi32>
        %add3A_101 = arith.addi %iota3A, %add3A_100 : vector<16xi32>
        %broadcast_in_dim3A = arith.constant 0xFF800000 : f32
        %broadcast_in_dim3A_102 = vector.broadcast %broadcast_in_dim3A : f32 to vector<16xf32>
        %broadcast_in_dim3A_103 = arith.constant 0.000000e+00 : f32
        %broadcast_in_dim3A_104 = vector.broadcast %broadcast_in_dim3A_103 : f32 to vector<16xf32>
        %broadcast_in_dim3A_105 = arith.constant 0xFF800000 : f32
        %broadcast_in_dim3A_106 = vector.broadcast %broadcast_in_dim3A_105 : f32 to vector<16xf32>
        %broadcast_in_dim3A_107 = arith.constant 0.000000e+00 : f32
        %broadcast_in_dim3A_108 = vector.broadcast %broadcast_in_dim3A_107 : f32 to vector<16xf32>
        %broadcast_in_dim3A_109 = arith.constant 0xFF800000 : f32
        %broadcast_in_dim3A_110 = vector.broadcast %broadcast_in_dim3A_109 : f32 to vector<16xf32>
        %broadcast_in_dim3A_111 = arith.constant 0.000000e+00 : f32
        %broadcast_in_dim3A_112 = vector.broadcast %broadcast_in_dim3A_111 : f32 to vector<16xf32>
        %broadcast_in_dim3A_113 = arith.constant 0xFF800000 : f32
        %broadcast_in_dim3A_114 = vector.broadcast %broadcast_in_dim3A_113 : f32 to vector<16xf32>
        %broadcast_in_dim3A_115 = arith.constant 0.000000e+00 : f32
        %broadcast_in_dim3A_116 = vector.broadcast %broadcast_in_dim3A_115 : f32 to vector<16xf32>
        %broadcast_in_dim3A_117 = arith.constant 0xFF800000 : f32
        %broadcast_in_dim3A_118 = vector.broadcast %broadcast_in_dim3A_117 : f32 to vector<16xf32>
        %broadcast_in_dim3A_119 = arith.constant 0.000000e+00 : f32
        %broadcast_in_dim3A_120 = vector.broadcast %broadcast_in_dim3A_119 : f32 to vector<16xf32>
        %broadcast_in_dim3A_121 = arith.constant 0xFF800000 : f32
        %broadcast_in_dim3A_122 = vector.broadcast %broadcast_in_dim3A_121 : f32 to vector<16xf32>
        %broadcast_in_dim3A_123 = arith.constant 0.000000e+00 : f32
        %broadcast_in_dim3A_124 = vector.broadcast %broadcast_in_dim3A_123 : f32 to vector<16xf32>
        %broadcast_in_dim3A_125 = arith.constant 0xFF800000 : f32
        %broadcast_in_dim3A_126 = vector.broadcast %broadcast_in_dim3A_125 : f32 to vector<16xf32>
        %broadcast_in_dim3A_127 = arith.constant 0.000000e+00 : f32
        %broadcast_in_dim3A_128 = vector.broadcast %broadcast_in_dim3A_127 : f32 to vector<16xf32>
        %broadcast_in_dim3A_129 = arith.constant 0xFF800000 : f32
        %broadcast_in_dim3A_130 = vector.broadcast %broadcast_in_dim3A_129 : f32 to vector<16xf32>
        %broadcast_in_dim3A_131 = arith.constant 0.000000e+00 : f32
        %broadcast_in_dim3A_132 = vector.broadcast %broadcast_in_dim3A_131 : f32 to vector<16xf32>
        %scan3A_133 = arith.constant 0 : i32
        %scan3A_134 = arith.constant 39 : i32
        %scan3A_135 = arith.addi %scan3A_133, %scan3A_134 : i32
        %scan3A_136 = arith.constant 1 : i32
        %scan3A_137:16 = scf.for %scan3A_289 = %scan3A_133 to %scan3A_135 step %scan3A_136 iter_args(%scan3A_290 = %broadcast_in_dim3A_102, %scan3A_291 = %broadcast_in_dim3A_104, %scan3A_292 = %broadcast_in_dim3A_106, %scan3A_293 = %broadcast_in_dim3A_108, %scan3A_294 = %broadcast_in_dim3A_110, %scan3A_295 = %broadcast_in_dim3A_112, %scan3A_296 = %broadcast_in_dim3A_114, %scan3A_297 = %broadcast_in_dim3A_116, %scan3A_298 = %broadcast_in_dim3A_118, %scan3A_299 = %broadcast_in_dim3A_120, %scan3A_300 = %broadcast_in_dim3A_122, %scan3A_301 = %broadcast_in_dim3A_124, %scan3A_302 = %broadcast_in_dim3A_126, %scan3A_303 = %broadcast_in_dim3A_128, %scan3A_304 = %broadcast_in_dim3A_130, %scan3A_305 = %broadcast_in_dim3A_132) -> (vector<16xf32>, vector<16xf32>, vector<16xf32>, vector<16xf32>, vector<16xf32>, vector<16xf32>, vector<16xf32>, vector<16xf32>, vector<16xf32>, vector<16xf32>, vector<16xf32>, vector<16xf32>, vector<16xf32>, vector<16xf32>, vector<16xf32>, vector<16xf32>)  : i32 {
          %get3A = arith.index_cast %scan3A_289 : i32 to index
          %get3A_306 = arith.index_cast %mul3A_99 : i32 to index
          %get3A_307 = tpu.vector_load %arg7[%get3A, %get3A_306] {strides = array<i32>} : memref<64x128xi32, #tpu.memory_space<vmem>>, vector<16xi32>,
          %get3A_308 = arith.index_cast %scan3A_289 : i32 to index
          %get3A_309 = arith.index_cast %mul3A_99 : i32 to index
          %get3A_310 = tpu.vector_load %arg8[%get3A_308, %get3A_309] {strides = array<i32>} : memref<64x128xf32, #tpu.memory_space<vmem>>, vector<16xf32>,
          %broadcast_in_dim3A_311 = arith.constant 0 : i32
          %broadcast_in_dim3A_312 = vector.broadcast %broadcast_in_dim3A_311 : i32 to vector<16xi32>
          %gather3A = tpu.vector_load_idx %arg6[%get3A_307, %broadcast_in_dim3A_312] : memref<2048x16xf32, #tpu.memory_space<vmem>>[vector<16xi32>, vector<16xi32>], vector<16xf32>,
          %mul3A_313 = arith.mulf %get3A_310, %gather3A : vector<16xf32>
          %max3A = arith.maximumf %scan3A_290, %mul3A_313 : vector<16xf32>
          %add3A_314 = arith.addf %scan3A_291, %mul3A_313 : vector<16xf32>
          %broadcast_in_dim3A_315 = arith.constant 1 : i32
          %broadcast_in_dim3A_316 = vector.broadcast %broadcast_in_dim3A_315 : i32 to vector<16xi32>
          %gather3A_317 = tpu.vector_load_idx %arg6[%get3A_307, %broadcast_in_dim3A_316] : memref<2048x16xf32, #tpu.memory_space<vmem>>[vector<16xi32>, vector<16xi32>], vector<16xf32>,
          %mul3A_318 = arith.mulf %get3A_310, %gather3A_317 : vector<16xf32>
          %max3A_319 = arith.maximumf %scan3A_292, %mul3A_318 : vector<16xf32>
          %add3A_320 = arith.addf %scan3A_293, %mul3A_318 : vector<16xf32>
          %broadcast_in_dim3A_321 = arith.constant 2 : i32
          %broadcast_in_dim3A_322 = vector.broadcast %broadcast_in_dim3A_321 : i32 to vector<16xi32>
          %gather3A_323 = tpu.vector_load_idx %arg6[%get3A_307, %broadcast_in_dim3A_322] : memref<2048x16xf32, #tpu.memory_space<vmem>>[vector<16xi32>, vector<16xi32>], vector<16xf32>,
          %mul3A_324 = arith.mulf %get3A_310, %gather3A_323 : vector<16xf32>
          %max3A_325 = arith.maximumf %scan3A_294, %mul3A_324 : vector<16xf32>
          %add3A_326 = arith.addf %scan3A_295, %mul3A_324 : vector<16xf32>
          %broadcast_in_dim3A_327 = arith.constant 3 : i32
          %broadcast_in_dim3A_328 = vector.broadcast %broadcast_in_dim3A_327 : i32 to vector<16xi32>
          %gather3A_329 = tpu.vector_load_idx %arg6[%get3A_307, %broadcast_in_dim3A_328] : memref<2048x16xf32, #tpu.memory_space<vmem>>[vector<16xi32>, vector<16xi32>], vector<16xf32>,
          %mul3A_330 = arith.mulf %get3A_310, %gather3A_329 : vector<16xf32>
          %max3A_331 = arith.maximumf %scan3A_296, %mul3A_330 : vector<16xf32>
          %add3A_332 = arith.addf %scan3A_297, %mul3A_330 : vector<16xf32>
          %broadcast_in_dim3A_333 = arith.constant 4 : i32
          %broadcast_in_dim3A_334 = vector.broadcast %broadcast_in_dim3A_333 : i32 to vector<16xi32>
          %gather3A_335 = tpu.vector_load_idx %arg6[%get3A_307, %broadcast_in_dim3A_334] : memref<2048x16xf32, #tpu.memory_space<vmem>>[vector<16xi32>, vector<16xi32>], vector<16xf32>,
          %mul3A_336 = arith.mulf %get3A_310, %gather3A_335 : vector<16xf32>
          %max3A_337 = arith.maximumf %scan3A_298, %mul3A_336 : vector<16xf32>
          %add3A_338 = arith.addf %scan3A_299, %mul3A_336 : vector<16xf32>
          %broadcast_in_dim3A_339 = arith.constant 5 : i32
          %broadcast_in_dim3A_340 = vector.broadcast %broadcast_in_dim3A_339 : i32 to vector<16xi32>
          %gather3A_341 = tpu.vector_load_idx %arg6[%get3A_307, %broadcast_in_dim3A_340] : memref<2048x16xf32, #tpu.memory_space<vmem>>[vector<16xi32>, vector<16xi32>], vector<16xf32>,
          %mul3A_342 = arith.mulf %get3A_310, %gather3A_341 : vector<16xf32>
          %max3A_343 = arith.maximumf %scan3A_300, %mul3A_342 : vector<16xf32>
          %add3A_344 = arith.addf %scan3A_301, %mul3A_342 : vector<16xf32>
          %broadcast_in_dim3A_345 = arith.constant 6 : i32
          %broadcast_in_dim3A_346 = vector.broadcast %broadcast_in_dim3A_345 : i32 to vector<16xi32>
          %gather3A_347 = tpu.vector_load_idx %arg6[%get3A_307, %broadcast_in_dim3A_346] : memref<2048x16xf32, #tpu.memory_space<vmem>>[vector<16xi32>, vector<16xi32>], vector<16xf32>,
          %mul3A_348 = arith.mulf %get3A_310, %gather3A_347 : vector<16xf32>
          %max3A_349 = arith.maximumf %scan3A_302, %mul3A_348 : vector<16xf32>
          %add3A_350 = arith.addf %scan3A_303, %mul3A_348 : vector<16xf32>
          %broadcast_in_dim3A_351 = arith.constant 7 : i32
          %broadcast_in_dim3A_352 = vector.broadcast %broadcast_in_dim3A_351 : i32 to vector<16xi32>
          %gather3A_353 = tpu.vector_load_idx %arg6[%get3A_307, %broadcast_in_dim3A_352] : memref<2048x16xf32, #tpu.memory_space<vmem>>[vector<16xi32>, vector<16xi32>], vector<16xf32>,
          %mul3A_354 = arith.mulf %get3A_310, %gather3A_353 : vector<16xf32>
          %max3A_355 = arith.maximumf %scan3A_304, %mul3A_354 : vector<16xf32>
          %add3A_356 = arith.addf %scan3A_305, %mul3A_354 : vector<16xf32>
          scf.yield %max3A, %add3A_314, %max3A_319, %add3A_320, %max3A_325, %add3A_326, %max3A_331, %add3A_332, %max3A_337, %add3A_338, %max3A_343, %add3A_344, %max3A_349, %add3A_350, %max3A_355, %add3A_356 : vector<16xf32>, vector<16xf32>, vector<16xf32>, vector<16xf32>, vector<16xf32>, vector<16xf32>, vector<16xf32>, vector<16xf32>, vector<16xf32>, vector<16xf32>, vector<16xf32>, vector<16xf32>, vector<16xf32>, vector<16xf32>, vector<16xf32>, vector<16xf32>
        }
        %scan3A_138 = arith.constant 39 : i32
        %broadcast_in_dim3A_139 = arith.constant 0 : i32
        %broadcast_in_dim3A_140 = vector.broadcast %broadcast_in_dim3A_139 : i32 to vector<16xi32>
        tpu.vector_store_idx %arg9[%add3A_101, %broadcast_in_dim3A_140], %scan3A_137#0 : memref<128x32xf32, #tpu.memory_space<vmem>>[vector<16xi32>, vector<16xi32>], vector<16xf32>,
        %broadcast_in_dim3A_141 = arith.constant 16 : i32
        %broadcast_in_dim3A_142 = vector.broadcast %broadcast_in_dim3A_141 : i32 to vector<16xi32>
        %mul3A_143 = arith.constant 0.025641026 : f32
        %mul3A_144 = vector.broadcast %mul3A_143 : f32 to vector<16xf32>
        %mul3A_145 = arith.mulf %scan3A_137#1, %mul3A_144 : vector<16xf32>
        tpu.vector_store_idx %arg9[%add3A_101, %broadcast_in_dim3A_142], %mul3A_145 : memref<128x32xf32, #tpu.memory_space<vmem>>[vector<16xi32>, vector<16xi32>], vector<16xf32>,
        %broadcast_in_dim3A_146 = arith.constant 1 : i32
        %broadcast_in_dim3A_147 = vector.broadcast %broadcast_in_dim3A_146 : i32 to vector<16xi32>
        tpu.vector_store_idx %arg9[%add3A_101, %broadcast_in_dim3A_147], %scan3A_137#2 : memref<128x32xf32, #tpu.memory_space<vmem>>[vector<16xi32>, vector<16xi32>], vector<16xf32>,
        %broadcast_in_dim3A_148 = arith.constant 17 : i32
        %broadcast_in_dim3A_149 = vector.broadcast %broadcast_in_dim3A_148 : i32 to vector<16xi32>
        %mul3A_150 = arith.constant 0.025641026 : f32
        %mul3A_151 = vector.broadcast %mul3A_150 : f32 to vector<16xf32>
        %mul3A_152 = arith.mulf %scan3A_137#3, %mul3A_151 : vector<16xf32>
        tpu.vector_store_idx %arg9[%add3A_101, %broadcast_in_dim3A_149], %mul3A_152 : memref<128x32xf32, #tpu.memory_space<vmem>>[vector<16xi32>, vector<16xi32>], vector<16xf32>,
        %broadcast_in_dim3A_153 = arith.constant 2 : i32
        %broadcast_in_dim3A_154 = vector.broadcast %broadcast_in_dim3A_153 : i32 to vector<16xi32>
        tpu.vector_store_idx %arg9[%add3A_101, %broadcast_in_dim3A_154], %scan3A_137#4 : memref<128x32xf32, #tpu.memory_space<vmem>>[vector<16xi32>, vector<16xi32>], vector<16xf32>,
        %broadcast_in_dim3A_155 = arith.constant 18 : i32
        %broadcast_in_dim3A_156 = vector.broadcast %broadcast_in_dim3A_155 : i32 to vector<16xi32>
        %mul3A_157 = arith.constant 0.025641026 : f32
        %mul3A_158 = vector.broadcast %mul3A_157 : f32 to vector<16xf32>
        %mul3A_159 = arith.mulf %scan3A_137#5, %mul3A_158 : vector<16xf32>
        tpu.vector_store_idx %arg9[%add3A_101, %broadcast_in_dim3A_156], %mul3A_159 : memref<128x32xf32, #tpu.memory_space<vmem>>[vector<16xi32>, vector<16xi32>], vector<16xf32>,
        %broadcast_in_dim3A_160 = arith.constant 3 : i32
        %broadcast_in_dim3A_161 = vector.broadcast %broadcast_in_dim3A_160 : i32 to vector<16xi32>
        tpu.vector_store_idx %arg9[%add3A_101, %broadcast_in_dim3A_161], %scan3A_137#6 : memref<128x32xf32, #tpu.memory_space<vmem>>[vector<16xi32>, vector<16xi32>], vector<16xf32>,
        %broadcast_in_dim3A_162 = arith.constant 19 : i32
        %broadcast_in_dim3A_163 = vector.broadcast %broadcast_in_dim3A_162 : i32 to vector<16xi32>
        %mul3A_164 = arith.constant 0.025641026 : f32
        %mul3A_165 = vector.broadcast %mul3A_164 : f32 to vector<16xf32>
        %mul3A_166 = arith.mulf %scan3A_137#7, %mul3A_165 : vector<16xf32>
        tpu.vector_store_idx %arg9[%add3A_101, %broadcast_in_dim3A_163], %mul3A_166 : memref<128x32xf32, #tpu.memory_space<vmem>>[vector<16xi32>, vector<16xi32>], vector<16xf32>,
        %broadcast_in_dim3A_167 = arith.constant 4 : i32
        %broadcast_in_dim3A_168 = vector.broadcast %broadcast_in_dim3A_167 : i32 to vector<16xi32>
        tpu.vector_store_idx %arg9[%add3A_101, %broadcast_in_dim3A_168], %scan3A_137#8 : memref<128x32xf32, #tpu.memory_space<vmem>>[vector<16xi32>, vector<16xi32>], vector<16xf32>,
        %broadcast_in_dim3A_169 = arith.constant 20 : i32
        %broadcast_in_dim3A_170 = vector.broadcast %broadcast_in_dim3A_169 : i32 to vector<16xi32>
        %mul3A_171 = arith.constant 0.025641026 : f32
        %mul3A_172 = vector.broadcast %mul3A_171 : f32 to vector<16xf32>
        %mul3A_173 = arith.mulf %scan3A_137#9, %mul3A_172 : vector<16xf32>
        tpu.vector_store_idx %arg9[%add3A_101, %broadcast_in_dim3A_170], %mul3A_173 : memref<128x32xf32, #tpu.memory_space<vmem>>[vector<16xi32>, vector<16xi32>], vector<16xf32>,
        %broadcast_in_dim3A_174 = arith.constant 5 : i32
        %broadcast_in_dim3A_175 = vector.broadcast %broadcast_in_dim3A_174 : i32 to vector<16xi32>
        tpu.vector_store_idx %arg9[%add3A_101, %broadcast_in_dim3A_175], %scan3A_137#10 : memref<128x32xf32, #tpu.memory_space<vmem>>[vector<16xi32>, vector<16xi32>], vector<16xf32>,
        %broadcast_in_dim3A_176 = arith.constant 21 : i32
        %broadcast_in_dim3A_177 = vector.broadcast %broadcast_in_dim3A_176 : i32 to vector<16xi32>
        %mul3A_178 = arith.constant 0.025641026 : f32
        %mul3A_179 = vector.broadcast %mul3A_178 : f32 to vector<16xf32>
        %mul3A_180 = arith.mulf %scan3A_137#11, %mul3A_179 : vector<16xf32>
        tpu.vector_store_idx %arg9[%add3A_101, %broadcast_in_dim3A_177], %mul3A_180 : memref<128x32xf32, #tpu.memory_space<vmem>>[vector<16xi32>, vector<16xi32>], vector<16xf32>,
        %broadcast_in_dim3A_181 = arith.constant 6 : i32
        %broadcast_in_dim3A_182 = vector.broadcast %broadcast_in_dim3A_181 : i32 to vector<16xi32>
        tpu.vector_store_idx %arg9[%add3A_101, %broadcast_in_dim3A_182], %scan3A_137#12 : memref<128x32xf32, #tpu.memory_space<vmem>>[vector<16xi32>, vector<16xi32>], vector<16xf32>,
        %broadcast_in_dim3A_183 = arith.constant 22 : i32
        %broadcast_in_dim3A_184 = vector.broadcast %broadcast_in_dim3A_183 : i32 to vector<16xi32>
        %mul3A_185 = arith.constant 0.025641026 : f32
        %mul3A_186 = vector.broadcast %mul3A_185 : f32 to vector<16xf32>
        %mul3A_187 = arith.mulf %scan3A_137#13, %mul3A_186 : vector<16xf32>
        tpu.vector_store_idx %arg9[%add3A_101, %broadcast_in_dim3A_184], %mul3A_187 : memref<128x32xf32, #tpu.memory_space<vmem>>[vector<16xi32>, vector<16xi32>], vector<16xf32>,
        %broadcast_in_dim3A_188 = arith.constant 7 : i32
        %broadcast_in_dim3A_189 = vector.broadcast %broadcast_in_dim3A_188 : i32 to vector<16xi32>
        tpu.vector_store_idx %arg9[%add3A_101, %broadcast_in_dim3A_189], %scan3A_137#14 : memref<128x32xf32, #tpu.memory_space<vmem>>[vector<16xi32>, vector<16xi32>], vector<16xf32>,
        %broadcast_in_dim3A_190 = arith.constant 23 : i32
        %broadcast_in_dim3A_191 = vector.broadcast %broadcast_in_dim3A_190 : i32 to vector<16xi32>
        %mul3A_192 = arith.constant 0.025641026 : f32
        %mul3A_193 = vector.broadcast %mul3A_192 : f32 to vector<16xf32>
        %mul3A_194 = arith.mulf %scan3A_137#15, %mul3A_193 : vector<16xf32>
        tpu.vector_store_idx %arg9[%add3A_101, %broadcast_in_dim3A_191], %mul3A_194 : memref<128x32xf32, #tpu.memory_space<vmem>>[vector<16xi32>, vector<16xi32>], vector<16xf32>,
        %broadcast_in_dim3A_195 = arith.constant 0xFF800000 : f32
        %broadcast_in_dim3A_196 = vector.broadcast %broadcast_in_dim3A_195 : f32 to vector<16xf32>
        %broadcast_in_dim3A_197 = arith.constant 0.000000e+00 : f32
        %broadcast_in_dim3A_198 = vector.broadcast %broadcast_in_dim3A_197 : f32 to vector<16xf32>
        %broadcast_in_dim3A_199 = arith.constant 0xFF800000 : f32
        %broadcast_in_dim3A_200 = vector.broadcast %broadcast_in_dim3A_199 : f32 to vector<16xf32>
        %broadcast_in_dim3A_201 = arith.constant 0.000000e+00 : f32
        %broadcast_in_dim3A_202 = vector.broadcast %broadcast_in_dim3A_201 : f32 to vector<16xf32>
        %broadcast_in_dim3A_203 = arith.constant 0xFF800000 : f32
        %broadcast_in_dim3A_204 = vector.broadcast %broadcast_in_dim3A_203 : f32 to vector<16xf32>
        %broadcast_in_dim3A_205 = arith.constant 0.000000e+00 : f32
        %broadcast_in_dim3A_206 = vector.broadcast %broadcast_in_dim3A_205 : f32 to vector<16xf32>
        %broadcast_in_dim3A_207 = arith.constant 0xFF800000 : f32
        %broadcast_in_dim3A_208 = vector.broadcast %broadcast_in_dim3A_207 : f32 to vector<16xf32>
        %broadcast_in_dim3A_209 = arith.constant 0.000000e+00 : f32
        %broadcast_in_dim3A_210 = vector.broadcast %broadcast_in_dim3A_209 : f32 to vector<16xf32>
        %broadcast_in_dim3A_211 = arith.constant 0xFF800000 : f32
        %broadcast_in_dim3A_212 = vector.broadcast %broadcast_in_dim3A_211 : f32 to vector<16xf32>
        %broadcast_in_dim3A_213 = arith.constant 0.000000e+00 : f32
        %broadcast_in_dim3A_214 = vector.broadcast %broadcast_in_dim3A_213 : f32 to vector<16xf32>
        %broadcast_in_dim3A_215 = arith.constant 0xFF800000 : f32
        %broadcast_in_dim3A_216 = vector.broadcast %broadcast_in_dim3A_215 : f32 to vector<16xf32>
        %broadcast_in_dim3A_217 = arith.constant 0.000000e+00 : f32
        %broadcast_in_dim3A_218 = vector.broadcast %broadcast_in_dim3A_217 : f32 to vector<16xf32>
        %broadcast_in_dim3A_219 = arith.constant 0xFF800000 : f32
        %broadcast_in_dim3A_220 = vector.broadcast %broadcast_in_dim3A_219 : f32 to vector<16xf32>
        %broadcast_in_dim3A_221 = arith.constant 0.000000e+00 : f32
        %broadcast_in_dim3A_222 = vector.broadcast %broadcast_in_dim3A_221 : f32 to vector<16xf32>
        %broadcast_in_dim3A_223 = arith.constant 0xFF800000 : f32
        %broadcast_in_dim3A_224 = vector.broadcast %broadcast_in_dim3A_223 : f32 to vector<16xf32>
        %broadcast_in_dim3A_225 = arith.constant 0.000000e+00 : f32
        %broadcast_in_dim3A_226 = vector.broadcast %broadcast_in_dim3A_225 : f32 to vector<16xf32>
        %scan3A_227 = arith.constant 0 : i32
        %scan3A_228 = arith.constant 39 : i32
        %scan3A_229 = arith.addi %scan3A_227, %scan3A_228 : i32
        %scan3A_230 = arith.constant 1 : i32
        %scan3A_231:16 = scf.for %scan3A_289 = %scan3A_227 to %scan3A_229 step %scan3A_230 iter_args(%scan3A_290 = %broadcast_in_dim3A_196, %scan3A_291 = %broadcast_in_dim3A_198, %scan3A_292 = %broadcast_in_dim3A_200, %scan3A_293 = %broadcast_in_dim3A_202, %scan3A_294 = %broadcast_in_dim3A_204, %scan3A_295 = %broadcast_in_dim3A_206, %scan3A_296 = %broadcast_in_dim3A_208, %scan3A_297 = %broadcast_in_dim3A_210, %scan3A_298 = %broadcast_in_dim3A_212, %scan3A_299 = %broadcast_in_dim3A_214, %scan3A_300 = %broadcast_in_dim3A_216, %scan3A_301 = %broadcast_in_dim3A_218, %scan3A_302 = %broadcast_in_dim3A_220, %scan3A_303 = %broadcast_in_dim3A_222, %scan3A_304 = %broadcast_in_dim3A_224, %scan3A_305 = %broadcast_in_dim3A_226) -> (vector<16xf32>, vector<16xf32>, vector<16xf32>, vector<16xf32>, vector<16xf32>, vector<16xf32>, vector<16xf32>, vector<16xf32>, vector<16xf32>, vector<16xf32>, vector<16xf32>, vector<16xf32>, vector<16xf32>, vector<16xf32>, vector<16xf32>, vector<16xf32>)  : i32 {
          %get3A = arith.index_cast %scan3A_289 : i32 to index
          %get3A_306 = arith.index_cast %mul3A_99 : i32 to index
          %get3A_307 = tpu.vector_load %arg7[%get3A, %get3A_306] {strides = array<i32>} : memref<64x128xi32, #tpu.memory_space<vmem>>, vector<16xi32>,
          %get3A_308 = arith.index_cast %scan3A_289 : i32 to index
          %get3A_309 = arith.index_cast %mul3A_99 : i32 to index
          %get3A_310 = tpu.vector_load %arg8[%get3A_308, %get3A_309] {strides = array<i32>} : memref<64x128xf32, #tpu.memory_space<vmem>>, vector<16xf32>,
          %broadcast_in_dim3A_311 = arith.constant 8 : i32
          %broadcast_in_dim3A_312 = vector.broadcast %broadcast_in_dim3A_311 : i32 to vector<16xi32>
          %gather3A = tpu.vector_load_idx %arg6[%get3A_307, %broadcast_in_dim3A_312] : memref<2048x16xf32, #tpu.memory_space<vmem>>[vector<16xi32>, vector<16xi32>], vector<16xf32>,
          %mul3A_313 = arith.mulf %get3A_310, %gather3A : vector<16xf32>
          %max3A = arith.maximumf %scan3A_290, %mul3A_313 : vector<16xf32>
          %add3A_314 = arith.addf %scan3A_291, %mul3A_313 : vector<16xf32>
          %broadcast_in_dim3A_315 = arith.constant 9 : i32
          %broadcast_in_dim3A_316 = vector.broadcast %broadcast_in_dim3A_315 : i32 to vector<16xi32>
          %gather3A_317 = tpu.vector_load_idx %arg6[%get3A_307, %broadcast_in_dim3A_316] : memref<2048x16xf32, #tpu.memory_space<vmem>>[vector<16xi32>, vector<16xi32>], vector<16xf32>,
          %mul3A_318 = arith.mulf %get3A_310, %gather3A_317 : vector<16xf32>
          %max3A_319 = arith.maximumf %scan3A_292, %mul3A_318 : vector<16xf32>
          %add3A_320 = arith.addf %scan3A_293, %mul3A_318 : vector<16xf32>
          %broadcast_in_dim3A_321 = arith.constant 10 : i32
          %broadcast_in_dim3A_322 = vector.broadcast %broadcast_in_dim3A_321 : i32 to vector<16xi32>
          %gather3A_323 = tpu.vector_load_idx %arg6[%get3A_307, %broadcast_in_dim3A_322] : memref<2048x16xf32, #tpu.memory_space<vmem>>[vector<16xi32>, vector<16xi32>], vector<16xf32>,
          %mul3A_324 = arith.mulf %get3A_310, %gather3A_323 : vector<16xf32>
          %max3A_325 = arith.maximumf %scan3A_294, %mul3A_324 : vector<16xf32>
          %add3A_326 = arith.addf %scan3A_295, %mul3A_324 : vector<16xf32>
          %broadcast_in_dim3A_327 = arith.constant 11 : i32
          %broadcast_in_dim3A_328 = vector.broadcast %broadcast_in_dim3A_327 : i32 to vector<16xi32>
          %gather3A_329 = tpu.vector_load_idx %arg6[%get3A_307, %broadcast_in_dim3A_328] : memref<2048x16xf32, #tpu.memory_space<vmem>>[vector<16xi32>, vector<16xi32>], vector<16xf32>,
          %mul3A_330 = arith.mulf %get3A_310, %gather3A_329 : vector<16xf32>
          %max3A_331 = arith.maximumf %scan3A_296, %mul3A_330 : vector<16xf32>
          %add3A_332 = arith.addf %scan3A_297, %mul3A_330 : vector<16xf32>
          %broadcast_in_dim3A_333 = arith.constant 12 : i32
          %broadcast_in_dim3A_334 = vector.broadcast %broadcast_in_dim3A_333 : i32 to vector<16xi32>
          %gather3A_335 = tpu.vector_load_idx %arg6[%get3A_307, %broadcast_in_dim3A_334] : memref<2048x16xf32, #tpu.memory_space<vmem>>[vector<16xi32>, vector<16xi32>], vector<16xf32>,
          %mul3A_336 = arith.mulf %get3A_310, %gather3A_335 : vector<16xf32>
          %max3A_337 = arith.maximumf %scan3A_298, %mul3A_336 : vector<16xf32>
          %add3A_338 = arith.addf %scan3A_299, %mul3A_336 : vector<16xf32>
          %broadcast_in_dim3A_339 = arith.constant 13 : i32
          %broadcast_in_dim3A_340 = vector.broadcast %broadcast_in_dim3A_339 : i32 to vector<16xi32>
          %gather3A_341 = tpu.vector_load_idx %arg6[%get3A_307, %broadcast_in_dim3A_340] : memref<2048x16xf32, #tpu.memory_space<vmem>>[vector<16xi32>, vector<16xi32>], vector<16xf32>,
          %mul3A_342 = arith.mulf %get3A_310, %gather3A_341 : vector<16xf32>
          %max3A_343 = arith.maximumf %scan3A_300, %mul3A_342 : vector<16xf32>
          %add3A_344 = arith.addf %scan3A_301, %mul3A_342 : vector<16xf32>
          %broadcast_in_dim3A_345 = arith.constant 14 : i32
          %broadcast_in_dim3A_346 = vector.broadcast %broadcast_in_dim3A_345 : i32 to vector<16xi32>
          %gather3A_347 = tpu.vector_load_idx %arg6[%get3A_307, %broadcast_in_dim3A_346] : memref<2048x16xf32, #tpu.memory_space<vmem>>[vector<16xi32>, vector<16xi32>], vector<16xf32>,
          %mul3A_348 = arith.mulf %get3A_310, %gather3A_347 : vector<16xf32>
          %max3A_349 = arith.maximumf %scan3A_302, %mul3A_348 : vector<16xf32>
          %add3A_350 = arith.addf %scan3A_303, %mul3A_348 : vector<16xf32>
          %broadcast_in_dim3A_351 = arith.constant 15 : i32
          %broadcast_in_dim3A_352 = vector.broadcast %broadcast_in_dim3A_351 : i32 to vector<16xi32>
          %gather3A_353 = tpu.vector_load_idx %arg6[%get3A_307, %broadcast_in_dim3A_352] : memref<2048x16xf32, #tpu.memory_space<vmem>>[vector<16xi32>, vector<16xi32>], vector<16xf32>,
          %mul3A_354 = arith.mulf %get3A_310, %gather3A_353 : vector<16xf32>
          %max3A_355 = arith.maximumf %scan3A_304, %mul3A_354 : vector<16xf32>
          %add3A_356 = arith.addf %scan3A_305, %mul3A_354 : vector<16xf32>
          scf.yield %max3A, %add3A_314, %max3A_319, %add3A_320, %max3A_325, %add3A_326, %max3A_331, %add3A_332, %max3A_337, %add3A_338, %max3A_343, %add3A_344, %max3A_349, %add3A_350, %max3A_355, %add3A_356 : vector<16xf32>, vector<16xf32>, vector<16xf32>, vector<16xf32>, vector<16xf32>, vector<16xf32>, vector<16xf32>, vector<16xf32>, vector<16xf32>, vector<16xf32>, vector<16xf32>, vector<16xf32>, vector<16xf32>, vector<16xf32>, vector<16xf32>, vector<16xf32>
        }
        %scan3A_232 = arith.constant 39 : i32
        %broadcast_in_dim3A_233 = arith.constant 8 : i32
        %broadcast_in_dim3A_234 = vector.broadcast %broadcast_in_dim3A_233 : i32 to vector<16xi32>
        tpu.vector_store_idx %arg9[%add3A_101, %broadcast_in_dim3A_234], %scan3A_231#0 : memref<128x32xf32, #tpu.memory_space<vmem>>[vector<16xi32>, vector<16xi32>], vector<16xf32>,
        %broadcast_in_dim3A_235 = arith.constant 24 : i32
        %broadcast_in_dim3A_236 = vector.broadcast %broadcast_in_dim3A_235 : i32 to vector<16xi32>
        %mul3A_237 = arith.constant 0.025641026 : f32
        %mul3A_238 = vector.broadcast %mul3A_237 : f32 to vector<16xf32>
        %mul3A_239 = arith.mulf %scan3A_231#1, %mul3A_238 : vector<16xf32>
        tpu.vector_store_idx %arg9[%add3A_101, %broadcast_in_dim3A_236], %mul3A_239 : memref<128x32xf32, #tpu.memory_space<vmem>>[vector<16xi32>, vector<16xi32>], vector<16xf32>,
        %broadcast_in_dim3A_240 = arith.constant 9 : i32
        %broadcast_in_dim3A_241 = vector.broadcast %broadcast_in_dim3A_240 : i32 to vector<16xi32>
        tpu.vector_store_idx %arg9[%add3A_101, %broadcast_in_dim3A_241], %scan3A_231#2 : memref<128x32xf32, #tpu.memory_space<vmem>>[vector<16xi32>, vector<16xi32>], vector<16xf32>,
        %broadcast_in_dim3A_242 = arith.constant 25 : i32
        %broadcast_in_dim3A_243 = vector.broadcast %broadcast_in_dim3A_242 : i32 to vector<16xi32>
        %mul3A_244 = arith.constant 0.025641026 : f32
        %mul3A_245 = vector.broadcast %mul3A_244 : f32 to vector<16xf32>
        %mul3A_246 = arith.mulf %scan3A_231#3, %mul3A_245 : vector<16xf32>
        tpu.vector_store_idx %arg9[%add3A_101, %broadcast_in_dim3A_243], %mul3A_246 : memref<128x32xf32, #tpu.memory_space<vmem>>[vector<16xi32>, vector<16xi32>], vector<16xf32>,
        %broadcast_in_dim3A_247 = arith.constant 10 : i32
        %broadcast_in_dim3A_248 = vector.broadcast %broadcast_in_dim3A_247 : i32 to vector<16xi32>
        tpu.vector_store_idx %arg9[%add3A_101, %broadcast_in_dim3A_248], %scan3A_231#4 : memref<128x32xf32, #tpu.memory_space<vmem>>[vector<16xi32>, vector<16xi32>], vector<16xf32>,
        %broadcast_in_dim3A_249 = arith.constant 26 : i32
        %broadcast_in_dim3A_250 = vector.broadcast %broadcast_in_dim3A_249 : i32 to vector<16xi32>
        %mul3A_251 = arith.constant 0.025641026 : f32
        %mul3A_252 = vector.broadcast %mul3A_251 : f32 to vector<16xf32>
        %mul3A_253 = arith.mulf %scan3A_231#5, %mul3A_252 : vector<16xf32>
        tpu.vector_store_idx %arg9[%add3A_101, %broadcast_in_dim3A_250], %mul3A_253 : memref<128x32xf32, #tpu.memory_space<vmem>>[vector<16xi32>, vector<16xi32>], vector<16xf32>,
        %broadcast_in_dim3A_254 = arith.constant 11 : i32
        %broadcast_in_dim3A_255 = vector.broadcast %broadcast_in_dim3A_254 : i32 to vector<16xi32>
        tpu.vector_store_idx %arg9[%add3A_101, %broadcast_in_dim3A_255], %scan3A_231#6 : memref<128x32xf32, #tpu.memory_space<vmem>>[vector<16xi32>, vector<16xi32>], vector<16xf32>,
        %broadcast_in_dim3A_256 = arith.constant 27 : i32
        %broadcast_in_dim3A_257 = vector.broadcast %broadcast_in_dim3A_256 : i32 to vector<16xi32>
        %mul3A_258 = arith.constant 0.025641026 : f32
        %mul3A_259 = vector.broadcast %mul3A_258 : f32 to vector<16xf32>
        %mul3A_260 = arith.mulf %scan3A_231#7, %mul3A_259 : vector<16xf32>
        tpu.vector_store_idx %arg9[%add3A_101, %broadcast_in_dim3A_257], %mul3A_260 : memref<128x32xf32, #tpu.memory_space<vmem>>[vector<16xi32>, vector<16xi32>], vector<16xf32>,
        %broadcast_in_dim3A_261 = arith.constant 12 : i32
        %broadcast_in_dim3A_262 = vector.broadcast %broadcast_in_dim3A_261 : i32 to vector<16xi32>
        tpu.vector_store_idx %arg9[%add3A_101, %broadcast_in_dim3A_262], %scan3A_231#8 : memref<128x32xf32, #tpu.memory_space<vmem>>[vector<16xi32>, vector<16xi32>], vector<16xf32>,
        %broadcast_in_dim3A_263 = arith.constant 28 : i32
        %broadcast_in_dim3A_264 = vector.broadcast %broadcast_in_dim3A_263 : i32 to vector<16xi32>
        %mul3A_265 = arith.constant 0.025641026 : f32
        %mul3A_266 = vector.broadcast %mul3A_265 : f32 to vector<16xf32>
        %mul3A_267 = arith.mulf %scan3A_231#9, %mul3A_266 : vector<16xf32>
        tpu.vector_store_idx %arg9[%add3A_101, %broadcast_in_dim3A_264], %mul3A_267 : memref<128x32xf32, #tpu.memory_space<vmem>>[vector<16xi32>, vector<16xi32>], vector<16xf32>,
        %broadcast_in_dim3A_268 = arith.constant 13 : i32
        %broadcast_in_dim3A_269 = vector.broadcast %broadcast_in_dim3A_268 : i32 to vector<16xi32>
        tpu.vector_store_idx %arg9[%add3A_101, %broadcast_in_dim3A_269], %scan3A_231#10 : memref<128x32xf32, #tpu.memory_space<vmem>>[vector<16xi32>, vector<16xi32>], vector<16xf32>,
        %broadcast_in_dim3A_270 = arith.constant 29 : i32
        %broadcast_in_dim3A_271 = vector.broadcast %broadcast_in_dim3A_270 : i32 to vector<16xi32>
        %mul3A_272 = arith.constant 0.025641026 : f32
        %mul3A_273 = vector.broadcast %mul3A_272 : f32 to vector<16xf32>
        %mul3A_274 = arith.mulf %scan3A_231#11, %mul3A_273 : vector<16xf32>
        tpu.vector_store_idx %arg9[%add3A_101, %broadcast_in_dim3A_271], %mul3A_274 : memref<128x32xf32, #tpu.memory_space<vmem>>[vector<16xi32>, vector<16xi32>], vector<16xf32>,
        %broadcast_in_dim3A_275 = arith.constant 14 : i32
        %broadcast_in_dim3A_276 = vector.broadcast %broadcast_in_dim3A_275 : i32 to vector<16xi32>
        tpu.vector_store_idx %arg9[%add3A_101, %broadcast_in_dim3A_276], %scan3A_231#12 : memref<128x32xf32, #tpu.memory_space<vmem>>[vector<16xi32>, vector<16xi32>], vector<16xf32>,
        %broadcast_in_dim3A_277 = arith.constant 30 : i32
        %broadcast_in_dim3A_278 = vector.broadcast %broadcast_in_dim3A_277 : i32 to vector<16xi32>
        %mul3A_279 = arith.constant 0.025641026 : f32
        %mul3A_280 = vector.broadcast %mul3A_279 : f32 to vector<16xf32>
        %mul3A_281 = arith.mulf %scan3A_231#13, %mul3A_280 : vector<16xf32>
        tpu.vector_store_idx %arg9[%add3A_101, %broadcast_in_dim3A_278], %mul3A_281 : memref<128x32xf32, #tpu.memory_space<vmem>>[vector<16xi32>, vector<16xi32>], vector<16xf32>,
        %broadcast_in_dim3A_282 = arith.constant 15 : i32
        %broadcast_in_dim3A_283 = vector.broadcast %broadcast_in_dim3A_282 : i32 to vector<16xi32>
        tpu.vector_store_idx %arg9[%add3A_101, %broadcast_in_dim3A_283], %scan3A_231#14 : memref<128x32xf32, #tpu.memory_space<vmem>>[vector<16xi32>, vector<16xi32>], vector<16xf32>,
        %broadcast_in_dim3A_284 = arith.constant 31 : i32
        %broadcast_in_dim3A_285 = vector.broadcast %broadcast_in_dim3A_284 : i32 to vector<16xi32>
        %mul3A_286 = arith.constant 0.025641026 : f32
        %mul3A_287 = vector.broadcast %mul3A_286 : f32 to vector<16xf32>
        %mul3A_288 = arith.mulf %scan3A_231#15, %mul3A_287 : vector<16xf32>
        tpu.vector_store_idx %arg9[%add3A_101, %broadcast_in_dim3A_285], %mul3A_288 : memref<128x32xf32, #tpu.memory_space<vmem>>[vector<16xi32>, vector<16xi32>], vector<16xf32>,
      }
      %scan3A_89 = arith.constant 8 : i32
      %mul3A_90 = arith.constant 2048 : i32
      %mul3A_91 = arith.muli %select_n3A, %mul3A_90 : i32
      %add3A_92 = arith.addi %mul3A_91, %add3A_84 : i32
      "tpu.region"() ({
        %run_scoped3A = tpu.sem_alloc : memref<!tpu.dma_semaphore, #tpu.memory_space<semaphore_mem>>
        %dma_start3A = arith.constant 0 : i32
        %dma_start3A_93 = tpu.memref_slice %arg5[%select_n3A_54, %add3A_92, %dma_start3A] : memref<2x16384x32xf32, #tpu.memory_space<hbm>> -> memref<1x128x32xf32, #tpu.memory_space<hbm>>
        %dma_start3A_94 = tpu.memref_squeeze %dma_start3A_93 : memref<1x128x32xf32, #tpu.memory_space<hbm>> -> memref<128x32xf32, #tpu.memory_space<hbm>>
        %dma_start3A_95 = arith.constant 0 : i32
        %dma_start3A_96 = tpu.memref_slice %arg5[%select_n3A_54, %add3A_92, %dma_start3A_95] : memref<2x16384x32xf32, #tpu.memory_space<hbm>> -> memref<1x128x32xf32, #tpu.memory_space<hbm>>
        %dma_start3A_97 = tpu.memref_squeeze %dma_start3A_96 : memref<1x128x32xf32, #tpu.memory_space<hbm>> -> memref<128x32xf32, #tpu.memory_space<hbm>>
        tpu.enqueue_dma source(%arg9 : memref<128x32xf32, #tpu.memory_space<vmem>>) target(%dma_start3A_97 : memref<128x32xf32, #tpu.memory_space<hbm>>) target_semaphore(%run_scoped3A : memref<!tpu.dma_semaphore, #tpu.memory_space<semaphore_mem>>)
        %dma_wait3A = arith.constant 0 : i32
        %dma_wait3A_98 = tpu.memref_slice %arg5[%select_n3A_54, %add3A_92, %dma_wait3A] : memref<2x16384x32xf32, #tpu.memory_space<hbm>> -> memref<1x128x32xf32, #tpu.memory_space<hbm>>
        %dma_wait3A_99 = tpu.memref_squeeze %dma_wait3A_98 : memref<1x128x32xf32, #tpu.memory_space<hbm>> -> memref<128x32xf32, #tpu.memory_space<hbm>>
        %dma_wait3A_100 = arith.constant 0 : i32
        %dma_wait3A_101 = tpu.memref_slice %arg5[%select_n3A_54, %add3A_92, %dma_wait3A_100] : memref<2x16384x32xf32, #tpu.memory_space<hbm>> -> memref<1x128x32xf32, #tpu.memory_space<hbm>>
        %dma_wait3A_102 = tpu.memref_squeeze %dma_wait3A_101 : memref<1x128x32xf32, #tpu.memory_space<hbm>> -> memref<128x32xf32, #tpu.memory_space<hbm>>
        tpu.wait_dma2 semaphore(%run_scoped3A : memref<!tpu.dma_semaphore, #tpu.memory_space<semaphore_mem>>) src(%arg9 : memref<128x32xf32, #tpu.memory_space<vmem>>) dst(%dma_wait3A_102 : memref<128x32xf32, #tpu.memory_space<hbm>>)
        tpu.yield
      }) : () -> ()
    }
    %scan3A_76 = arith.constant 8 : i32
    return
  }
}

module attributes {stable_mosaic.version = 14 : i64} {
  func.func @_topk_body(%arg0: i32, %arg1: i32, %arg2: memref<1x2048x64xf32, #tpu.memory_space<vmem>>, %arg3: memref<1x512x64xf32, #tpu.memory_space<vmem>>, %arg4: memref<64x4xf32, #tpu.memory_space<vmem>>, %arg5: memref<1x4xf32, #tpu.memory_space<vmem>>, %arg6: memref<64x32xf32, #tpu.memory_space<vmem>>, %arg7: memref<1x32xf32, #tpu.memory_space<vmem>>, %arg8: memref<1x2x512x16xf32, #tpu.memory_space<vmem>>, %arg9: memref<1x64x512xi32, #tpu.memory_space<vmem>>, %arg10: memref<1x64x512xf32, #tpu.memory_space<vmem>>) attributes {dimension_semantics = [#tpu.dimension_semantics<parallel>, #tpu.dimension_semantics<parallel>], iteration_bounds = array<i64: 8, 4>, scalar_prefetch = 0 : i64, scratch_operands = 0 : i64, tpu.core_type = #tpu.core_type<tc>, window_params = [{transform_indices = @transform_0, window_bounds = array<i64: 1, 2048, 64>}, {transform_indices = @transform_1, window_bounds = array<i64: 1, 512, 64>}, {pipeline_mode = #tpu.pipeline_mode<synchronous>, transform_indices = @transform_2, window_bounds = array<i64: 64, 4>}, {pipeline_mode = #tpu.pipeline_mode<synchronous>, transform_indices = @transform_3, window_bounds = array<i64: 1, 4>}, {pipeline_mode = #tpu.pipeline_mode<synchronous>, transform_indices = @transform_4, window_bounds = array<i64: 64, 32>}, {pipeline_mode = #tpu.pipeline_mode<synchronous>, transform_indices = @transform_5, window_bounds = array<i64: 1, 32>}, {transform_indices = @transform_6, window_bounds = array<i64: 1, 2, 512, 16>}, {transform_indices = @transform_7, window_bounds = array<i64: 1, 64, 512>}, {transform_indices = @transform_8, window_bounds = array<i64: 1, 64, 512>}]} {
    %get3A = arith.constant 0 : index
    %get3A_0 = arith.constant 0 : index
    %get3A_1 = arith.constant 0 : index
    %get3A_2 = vector.load %arg2[%get3A, %get3A_0, %get3A_1] : memref<1x2048x64xf32, #tpu.memory_space<vmem>>, vector<1x2048x64xf32>
    %get3A_3 = vector.shape_cast %get3A_2 : vector<1x2048x64xf32> to vector<2048x64xf32>
    %get3A_4 = arith.constant 0 : index
    %get3A_5 = arith.constant 0 : index
    %get3A_6 = arith.constant 0 : index
    %get3A_7 = vector.load %arg3[%get3A_4, %get3A_5, %get3A_6] : memref<1x512x64xf32, #tpu.memory_space<vmem>>, vector<1x512x64xf32>
    %get3A_8 = vector.shape_cast %get3A_7 : vector<1x512x64xf32> to vector<512x64xf32>
    %get3A_9 = arith.constant 0 : index
    %get3A_10 = arith.constant 0 : index
    %get3A_11 = vector.load %arg6[%get3A_9, %get3A_10] : memref<64x32xf32, #tpu.memory_space<vmem>>, vector<64x32xf32>
    %dot_general3A = arith.constant dense<0.000000e+00> : vector<512x32xf32>
    %dot_general3A_12 = tpu.matmul %get3A_8, %get3A_11, %dot_general3A {dimension_numbers = #tpu.dot_dimension_numbers<[1], [0], [0], [1], [0, 0, 1, 1], [], []>, transpose_lhs_hint = false} : vector<512x64xf32>, vector<64x32xf32>, vector<512x32xf32> -> vector<512x32xf32>
    %get3A_13 = arith.constant 0 : index
    %get3A_14 = arith.constant 0 : index
    %get3A_15 = vector.load %arg7[%get3A_13, %get3A_14] : memref<1x32xf32, #tpu.memory_space<vmem>>, vector<1x32xf32>
    %add3A = vector.broadcast %get3A_15 : vector<1x32xf32> to vector<512x32xf32>
    %add3A_16 = arith.addf %dot_general3A_12, %add3A : vector<512x32xf32>
    %slice3A = vector.extract_strided_slice %add3A_16 {offsets = [0, 0], sizes = [512, 16], strides = [1, 1]} : vector<512x32xf32> to vector<512x16xf32>
    %swap3A = arith.constant 0 : index
    %swap3A_17 = arith.constant 0 : index
    %swap3A_18 = arith.constant 0 : index
    %swap3A_19 = arith.constant 0 : index
    %swap3A_20 = vector.load %arg8[%swap3A, %swap3A_17, %swap3A_18, %swap3A_19] : memref<1x2x512x16xf32, #tpu.memory_space<vmem>>, vector<1x1x512x16xf32>
    %swap3A_21 = vector.shape_cast %swap3A_20 : vector<1x1x512x16xf32> to vector<512x16xf32>
    %swap3A_22 = vector.shape_cast %slice3A : vector<512x16xf32> to vector<1x1x512x16xf32>
    tpu.vector_store %arg8[%swap3A, %swap3A_17, %swap3A_18, %swap3A_19], %swap3A_22 {strides = array<i32>} : memref<1x2x512x16xf32, #tpu.memory_space<vmem>>, vector<1x1x512x16xf32>,
    %slice3A_23 = vector.extract_strided_slice %add3A_16 {offsets = [0, 16], sizes = [512, 16], strides = [1, 1]} : vector<512x32xf32> to vector<512x16xf32>
    %swap3A_24 = arith.constant 0 : index
    %swap3A_25 = arith.constant 1 : index
    %swap3A_26 = arith.constant 0 : index
    %swap3A_27 = arith.constant 0 : index
    %swap3A_28 = vector.load %arg8[%swap3A_24, %swap3A_25, %swap3A_26, %swap3A_27] : memref<1x2x512x16xf32, #tpu.memory_space<vmem>>, vector<1x1x512x16xf32>
    %swap3A_29 = vector.shape_cast %swap3A_28 : vector<1x1x512x16xf32> to vector<512x16xf32>
    %swap3A_30 = vector.shape_cast %slice3A_23 : vector<512x16xf32> to vector<1x1x512x16xf32>
    tpu.vector_store %arg8[%swap3A_24, %swap3A_25, %swap3A_26, %swap3A_27], %swap3A_30 {strides = array<i32>} : memref<1x2x512x16xf32, #tpu.memory_space<vmem>>, vector<1x1x512x16xf32>,
    %get3A_31 = arith.constant 0 : index
    %get3A_32 = arith.constant 0 : index
    %get3A_33 = vector.load %arg4[%get3A_31, %get3A_32] : memref<64x4xf32, #tpu.memory_space<vmem>>, vector<64x4xf32>
    %dot_general3A_34 = arith.constant dense<0.000000e+00> : vector<2048x4xf32>
    %dot_general3A_35 = tpu.matmul %get3A_3, %get3A_33, %dot_general3A_34 {dimension_numbers = #tpu.dot_dimension_numbers<[1], [0], [0], [1], [0, 0, 1, 1], [], []>, transpose_lhs_hint = false} : vector<2048x64xf32>, vector<64x4xf32>, vector<2048x4xf32> -> vector<2048x4xf32>
    %get3A_36 = arith.constant 0 : index
    %get3A_37 = arith.constant 0 : index
    %get3A_38 = vector.load %arg5[%get3A_36, %get3A_37] : memref<1x4xf32, #tpu.memory_space<vmem>>, vector<1x4xf32>
    %add3A_39 = vector.broadcast %get3A_38 : vector<1x4xf32> to vector<2048x4xf32>
    %add3A_40 = arith.addf %dot_general3A_35, %add3A_39 : vector<2048x4xf32>
    %get3A_41 = arith.constant 0 : index
    %get3A_42 = arith.constant 0 : index
    %get3A_43 = arith.constant 0 : index
    %get3A_44 = vector.load %arg3[%get3A_41, %get3A_42, %get3A_43] : memref<1x512x64xf32, #tpu.memory_space<vmem>>, vector<1x512x64xf32>
    %get3A_45 = vector.shape_cast %get3A_44 : vector<1x512x64xf32> to vector<512x64xf32>
    %get3A_46 = arith.constant 0 : index
    %get3A_47 = arith.constant 0 : index
    %get3A_48 = vector.load %arg4[%get3A_46, %get3A_47] : memref<64x4xf32, #tpu.memory_space<vmem>>, vector<64x4xf32>
    %dot_general3A_49 = arith.constant dense<0.000000e+00> : vector<512x4xf32>
    %dot_general3A_50 = tpu.matmul %get3A_45, %get3A_48, %dot_general3A_49 {dimension_numbers = #tpu.dot_dimension_numbers<[1], [0], [0], [1], [0, 0, 1, 1], [], []>, transpose_lhs_hint = false} : vector<512x64xf32>, vector<64x4xf32>, vector<512x4xf32> -> vector<512x4xf32>
    %get3A_51 = arith.constant 0 : index
    %get3A_52 = arith.constant 0 : index
    %get3A_53 = vector.load %arg5[%get3A_51, %get3A_52] : memref<1x4xf32, #tpu.memory_space<vmem>>, vector<1x4xf32>
    %add3A_54 = vector.broadcast %get3A_53 : vector<1x4xf32> to vector<512x4xf32>
    %add3A_55 = arith.addf %dot_general3A_50, %add3A_54 : vector<512x4xf32>
    %transpose3A = tpu.transpose %add3A_55, [1, 0] : vector<512x4xf32> -> vector<4x512xf32>
    %mul3A = arith.mulf %transpose3A, %transpose3A : vector<4x512xf32>
    %reduce_sum3A = arith.constant dense<0.000000e+00> : vector<512xf32>
    %reduce_sum3A_56 = vector.multi_reduction <add>, %mul3A, %reduce_sum3A [0] : vector<4x512xf32> to vector<512xf32>
    %broadcast_in_dim3A = vector.shape_cast %reduce_sum3A_56 : vector<512xf32> to vector<1x512xf32>
    %mul3A_57 = arith.mulf %add3A_40, %add3A_40 : vector<2048x4xf32>
    %reduce_sum3A_58 = arith.constant dense<0.000000e+00> : vector<2048xf32>
    %reduce_sum3A_59 = vector.multi_reduction <add>, %mul3A_57, %reduce_sum3A_58 [1] : vector<2048x4xf32> to vector<2048xf32>
    %broadcast_in_dim3A_60 = vector.shape_cast %reduce_sum3A_59 : vector<2048xf32> to vector<2048x1xf32>
    %bitcast_convert_type3A = tpu.bitcast %add3A_40 : vector<2048x4xf32> -> vector<2048x4xi32>
    %add3A_61 = arith.constant 32767 : i32
    %add3A_62 = vector.broadcast %add3A_61 : i32 to vector<2048x4xi32>
    %add3A_63 = arith.addi %bitcast_convert_type3A, %add3A_62 : vector<2048x4xi32>
    %shift_right_logical3A = arith.constant 16 : i32
    %shift_right_logical3A_64 = vector.broadcast %shift_right_logical3A : i32 to vector<2048x4xi32>
    %shift_right_logical3A_65 = arith.shrui %bitcast_convert_type3A, %shift_right_logical3A_64 : vector<2048x4xi32>
    %and3A = arith.constant 1 : i32
    %and3A_66 = vector.broadcast %and3A : i32 to vector<2048x4xi32>
    %and3A_67 = arith.andi %shift_right_logical3A_65, %and3A_66 : vector<2048x4xi32>
    %add3A_68 = arith.addi %add3A_63, %and3A_67 : vector<2048x4xi32>
    %and3A_69 = arith.constant -65536 : i32
    %and3A_70 = vector.broadcast %and3A_69 : i32 to vector<2048x4xi32>
    %and3A_71 = arith.andi %add3A_68, %and3A_70 : vector<2048x4xi32>
    %bitcast_convert_type3A_72 = tpu.bitcast %and3A_71 : vector<2048x4xi32> -> vector<2048x4xf32>
    %bitcast_convert_type3A_73 = tpu.bitcast %transpose3A : vector<4x512xf32> -> vector<4x512xi32>
    %add3A_74 = arith.constant 32767 : i32
    %add3A_75 = vector.broadcast %add3A_74 : i32 to vector<4x512xi32>
    %add3A_76 = arith.addi %bitcast_convert_type3A_73, %add3A_75 : vector<4x512xi32>
    %shift_right_logical3A_77 = arith.constant 16 : i32
    %shift_right_logical3A_78 = vector.broadcast %shift_right_logical3A_77 : i32 to vector<4x512xi32>
    %shift_right_logical3A_79 = arith.shrui %bitcast_convert_type3A_73, %shift_right_logical3A_78 : vector<4x512xi32>
    %and3A_80 = arith.constant 1 : i32
    %and3A_81 = vector.broadcast %and3A_80 : i32 to vector<4x512xi32>
    %and3A_82 = arith.andi %shift_right_logical3A_79, %and3A_81 : vector<4x512xi32>
    %add3A_83 = arith.addi %add3A_76, %and3A_82 : vector<4x512xi32>
    %and3A_84 = arith.constant -65536 : i32
    %and3A_85 = vector.broadcast %and3A_84 : i32 to vector<4x512xi32>
    %and3A_86 = arith.andi %add3A_83, %and3A_85 : vector<4x512xi32>
    %bitcast_convert_type3A_87 = tpu.bitcast %and3A_86 : vector<4x512xi32> -> vector<4x512xf32>
    %slice3A_88 = vector.extract_strided_slice %bitcast_convert_type3A_72 {offsets = [0, 0], sizes = [2048, 1], strides = [1, 1]} : vector<2048x4xf32> to vector<2048x1xf32>
    %slice3A_89 = vector.extract_strided_slice %bitcast_convert_type3A_87 {offsets = [0, 0], sizes = [1, 512], strides = [1, 1]} : vector<4x512xf32> to vector<1x512xf32>
    %mul3A_90 = vector.broadcast %slice3A_88 : vector<2048x1xf32> to vector<2048x512xf32>
    %mul3A_91 = vector.broadcast %slice3A_89 : vector<1x512xf32> to vector<2048x512xf32>
    %mul3A_92 = arith.mulf %mul3A_90, %mul3A_91 : vector<2048x512xf32>
    %slice3A_93 = vector.extract_strided_slice %bitcast_convert_type3A_72 {offsets = [0, 1], sizes = [2048, 1], strides = [1, 1]} : vector<2048x4xf32> to vector<2048x1xf32>
    %slice3A_94 = vector.extract_strided_slice %bitcast_convert_type3A_87 {offsets = [1, 0], sizes = [1, 512], strides = [1, 1]} : vector<4x512xf32> to vector<1x512xf32>
    %mul3A_95 = vector.broadcast %slice3A_93 : vector<2048x1xf32> to vector<2048x512xf32>
    %mul3A_96 = vector.broadcast %slice3A_94 : vector<1x512xf32> to vector<2048x512xf32>
    %mul3A_97 = arith.mulf %mul3A_95, %mul3A_96 : vector<2048x512xf32>
    %add3A_98 = arith.addf %mul3A_92, %mul3A_97 : vector<2048x512xf32>
    %slice3A_99 = vector.extract_strided_slice %bitcast_convert_type3A_72 {offsets = [0, 2], sizes = [2048, 1], strides = [1, 1]} : vector<2048x4xf32> to vector<2048x1xf32>
    %slice3A_100 = vector.extract_strided_slice %bitcast_convert_type3A_87 {offsets = [2, 0], sizes = [1, 512], strides = [1, 1]} : vector<4x512xf32> to vector<1x512xf32>
    %mul3A_101 = vector.broadcast %slice3A_99 : vector<2048x1xf32> to vector<2048x512xf32>
    %mul3A_102 = vector.broadcast %slice3A_100 : vector<1x512xf32> to vector<2048x512xf32>
    %mul3A_103 = arith.mulf %mul3A_101, %mul3A_102 : vector<2048x512xf32>
    %add3A_104 = arith.addf %add3A_98, %mul3A_103 : vector<2048x512xf32>
    %slice3A_105 = vector.extract_strided_slice %bitcast_convert_type3A_72 {offsets = [0, 3], sizes = [2048, 1], strides = [1, 1]} : vector<2048x4xf32> to vector<2048x1xf32>
    %slice3A_106 = vector.extract_strided_slice %bitcast_convert_type3A_87 {offsets = [3, 0], sizes = [1, 512], strides = [1, 1]} : vector<4x512xf32> to vector<1x512xf32>
    %mul3A_107 = vector.broadcast %slice3A_105 : vector<2048x1xf32> to vector<2048x512xf32>
    %mul3A_108 = vector.broadcast %slice3A_106 : vector<1x512xf32> to vector<2048x512xf32>
    %mul3A_109 = arith.mulf %mul3A_107, %mul3A_108 : vector<2048x512xf32>
    %add3A_110 = arith.addf %add3A_104, %mul3A_109 : vector<2048x512xf32>
    %add3A_111 = vector.broadcast %broadcast_in_dim3A : vector<1x512xf32> to vector<2048x512xf32>
    %add3A_112 = vector.broadcast %broadcast_in_dim3A_60 : vector<2048x1xf32> to vector<2048x512xf32>
    %add3A_113 = arith.addf %add3A_111, %add3A_112 : vector<2048x512xf32>
    %mul3A_114 = arith.constant 2.000000e+00 : f32
    %mul3A_115 = vector.broadcast %mul3A_114 : f32 to vector<2048x512xf32>
    %mul3A_116 = arith.mulf %mul3A_115, %add3A_110 : vector<2048x512xf32>
    %sub3A = arith.subf %add3A_113, %mul3A_116 : vector<2048x512xf32>
    %max3A = arith.constant 0.000000e+00 : f32
    %max3A_117 = vector.broadcast %max3A : f32 to vector<2048x512xf32>
    %max3A_118 = arith.maximumf %sub3A, %max3A_117 : vector<2048x512xf32>
    %iota3A = tpu.iota {dimensions = array<i32: 0>} : vector<2048x512xi32>
    %bitcast_convert_type3A_119 = tpu.bitcast %max3A_118 : vector<2048x512xf32> -> vector<2048x512xi32>
    %not3A = arith.constant 2047 : i32
    %not3A_120 = arith.constant -1 : i32
    %not3A_121 = arith.xori %not3A, %not3A_120 : i32
    %and3A_122 = vector.broadcast %not3A_121 : i32 to vector<2048x512xi32>
    %and3A_123 = arith.andi %bitcast_convert_type3A_119, %and3A_122 : vector<2048x512xi32>
    %or3A = arith.ori %and3A_123, %iota3A : vector<2048x512xi32>
    %broadcast_in_dim3A_124 = arith.constant -1 : i32
    %broadcast_in_dim3A_125 = vector.broadcast %broadcast_in_dim3A_124 : i32 to vector<1x512xi32>
    %gt3A = vector.broadcast %broadcast_in_dim3A_125 : vector<1x512xi32> to vector<2048x512xi32>
    %gt3A_126 = arith.cmpi sgt, %or3A, %gt3A : vector<2048x512xi32>
    %jit3A = arith.constant 2147483647 : i32
    %broadcast_in_dim3A_127 = vector.broadcast %jit3A : i32 to vector<2048x512xi32>
    %select_n3A = arith.select %gt3A_126, %or3A, %broadcast_in_dim3A_127 : vector<2048x512xi1>, vector<2048x512xi32>
    %reduce_min3A = arith.constant dense<2147483647> : vector<512xi32>
    %reduce_min3A_128 = vector.multi_reduction <minsi>, %select_n3A, %reduce_min3A [0] : vector<2048x512xi32> to vector<512xi32>
    %broadcast_in_dim3A_129 = vector.shape_cast %reduce_min3A_128 : vector<512xi32> to vector<1x512xi32>
    %gt3A_130 = vector.broadcast %broadcast_in_dim3A_129 : vector<1x512xi32> to vector<2048x512xi32>
    %gt3A_131 = arith.cmpi sgt, %or3A, %gt3A_130 : vector<2048x512xi32>
    %jit3A_132 = arith.constant 2147483647 : i32
    %broadcast_in_dim3A_133 = vector.broadcast %jit3A_132 : i32 to vector<2048x512xi32>
    %select_n3A_134 = arith.select %gt3A_131, %or3A, %broadcast_in_dim3A_133 : vector<2048x512xi1>, vector<2048x512xi32>
    %reduce_min3A_135 = arith.constant dense<2147483647> : vector<512xi32>
    %reduce_min3A_136 = vector.multi_reduction <minsi>, %select_n3A_134, %reduce_min3A_135 [0] : vector<2048x512xi32> to vector<512xi32>
    %broadcast_in_dim3A_137 = vector.shape_cast %reduce_min3A_136 : vector<512xi32> to vector<1x512xi32>
    %and3A_138 = arith.constant 2047 : i32
    %and3A_139 = vector.broadcast %and3A_138 : i32 to vector<1x512xi32>
    %and3A_140 = arith.andi %broadcast_in_dim3A_137, %and3A_139 : vector<1x512xi32>
    %not3A_141 = arith.constant 2047 : i32
    %not3A_142 = arith.constant -1 : i32
    %not3A_143 = arith.xori %not3A_141, %not3A_142 : i32
    %and3A_144 = vector.broadcast %not3A_143 : i32 to vector<1x512xi32>
    %and3A_145 = arith.andi %broadcast_in_dim3A_137, %and3A_144 : vector<1x512xi32>
    %bitcast_convert_type3A_146 = tpu.bitcast %and3A_145 : vector<1x512xi32> -> vector<1x512xf32>
    %mul3A_147 = arith.constant -1.000000e+01 : f32
    %mul3A_148 = vector.broadcast %mul3A_147 : f32 to vector<1x512xf32>
    %mul3A_149 = arith.mulf %mul3A_148, %bitcast_convert_type3A_146 : vector<1x512xf32>
    %exp3A = math.exp %mul3A_149 : vector<1x512xf32>
    %squeeze3A = vector.shape_cast %and3A_140 : vector<1x512xi32> to vector<512xi32>
    %swap3A_150 = arith.constant 0 : index
    %swap3A_151 = arith.constant 0 : index
    %swap3A_152 = arith.constant 0 : index
    %swap3A_153 = vector.load %arg9[%swap3A_150, %swap3A_151, %swap3A_152] : memref<1x64x512xi32, #tpu.memory_space<vmem>>, vector<1x1x512xi32>
    %swap3A_154 = vector.shape_cast %swap3A_153 : vector<1x1x512xi32> to vector<512xi32>
    %swap3A_155 = vector.shape_cast %squeeze3A : vector<512xi32> to vector<1x1x512xi32>
    tpu.vector_store %arg9[%swap3A_150, %swap3A_151, %swap3A_152], %swap3A_155 {strides = array<i32>} : memref<1x64x512xi32, #tpu.memory_space<vmem>>, vector<1x1x512xi32>,
    %squeeze3A_156 = vector.shape_cast %exp3A : vector<1x512xf32> to vector<512xf32>
    %swap3A_157 = arith.constant 0 : index
    %swap3A_158 = arith.constant 0 : index
    %swap3A_159 = arith.constant 0 : index
    %swap3A_160 = vector.load %arg10[%swap3A_157, %swap3A_158, %swap3A_159] : memref<1x64x512xf32, #tpu.memory_space<vmem>>, vector<1x1x512xf32>
    %swap3A_161 = vector.shape_cast %swap3A_160 : vector<1x1x512xf32> to vector<512xf32>
    %swap3A_162 = vector.shape_cast %squeeze3A_156 : vector<512xf32> to vector<1x1x512xf32>
    tpu.vector_store %arg10[%swap3A_157, %swap3A_158, %swap3A_159], %swap3A_162 {strides = array<i32>} : memref<1x64x512xf32, #tpu.memory_space<vmem>>, vector<1x1x512xf32>,
    %gt3A_163 = vector.broadcast %broadcast_in_dim3A_137 : vector<1x512xi32> to vector<2048x512xi32>
    %gt3A_164 = arith.cmpi sgt, %or3A, %gt3A_163 : vector<2048x512xi32>
    %jit3A_165 = arith.constant 2147483647 : i32
    %broadcast_in_dim3A_166 = vector.broadcast %jit3A_165 : i32 to vector<2048x512xi32>
    %select_n3A_167 = arith.select %gt3A_164, %or3A, %broadcast_in_dim3A_166 : vector<2048x512xi1>, vector<2048x512xi32>
    %reduce_min3A_168 = arith.constant dense<2147483647> : vector<512xi32>
    %reduce_min3A_169 = vector.multi_reduction <minsi>, %select_n3A_167, %reduce_min3A_168 [0] : vector<2048x512xi32> to vector<512xi32>
    %broadcast_in_dim3A_170 = vector.shape_cast %reduce_min3A_169 : vector<512xi32> to vector<1x512xi32>
    %and3A_171 = arith.constant 2047 : i32
    %and3A_172 = vector.broadcast %and3A_171 : i32 to vector<1x512xi32>
    %and3A_173 = arith.andi %broadcast_in_dim3A_170, %and3A_172 : vector<1x512xi32>
    %not3A_174 = arith.constant 2047 : i32
    %not3A_175 = arith.constant -1 : i32
    %not3A_176 = arith.xori %not3A_174, %not3A_175 : i32
    %and3A_177 = vector.broadcast %not3A_176 : i32 to vector<1x512xi32>
    %and3A_178 = arith.andi %broadcast_in_dim3A_170, %and3A_177 : vector<1x512xi32>
    %bitcast_convert_type3A_179 = tpu.bitcast %and3A_178 : vector<1x512xi32> -> vector<1x512xf32>
    %mul3A_180 = arith.constant -1.000000e+01 : f32
    %mul3A_181 = vector.broadcast %mul3A_180 : f32 to vector<1x512xf32>
    %mul3A_182 = arith.mulf %mul3A_181, %bitcast_convert_type3A_179 : vector<1x512xf32>
    %exp3A_183 = math.exp %mul3A_182 : vector<1x512xf32>
    %squeeze3A_184 = vector.shape_cast %and3A_173 : vector<1x512xi32> to vector<512xi32>
    %swap3A_185 = arith.constant 0 : index
    %swap3A_186 = arith.constant 1 : index
    %swap3A_187 = arith.constant 0 : index
    %swap3A_188 = vector.load %arg9[%swap3A_185, %swap3A_186, %swap3A_187] : memref<1x64x512xi32, #tpu.memory_space<vmem>>, vector<1x1x512xi32>
    %swap3A_189 = vector.shape_cast %swap3A_188 : vector<1x1x512xi32> to vector<512xi32>
    %swap3A_190 = vector.shape_cast %squeeze3A_184 : vector<512xi32> to vector<1x1x512xi32>
    tpu.vector_store %arg9[%swap3A_185, %swap3A_186, %swap3A_187], %swap3A_190 {strides = array<i32>} : memref<1x64x512xi32, #tpu.memory_space<vmem>>, vector<1x1x512xi32>,
    %squeeze3A_191 = vector.shape_cast %exp3A_183 : vector<1x512xf32> to vector<512xf32>
    %swap3A_192 = arith.constant 0 : index
    %swap3A_193 = arith.constant 1 : index
    %swap3A_194 = arith.constant 0 : index
    %swap3A_195 = vector.load %arg10[%swap3A_192, %swap3A_193, %swap3A_194] : memref<1x64x512xf32, #tpu.memory_space<vmem>>, vector<1x1x512xf32>
    %swap3A_196 = vector.shape_cast %swap3A_195 : vector<1x1x512xf32> to vector<512xf32>
    %swap3A_197 = vector.shape_cast %squeeze3A_191 : vector<512xf32> to vector<1x1x512xf32>
    tpu.vector_store %arg10[%swap3A_192, %swap3A_193, %swap3A_194], %swap3A_197 {strides = array<i32>} : memref<1x64x512xf32, #tpu.memory_space<vmem>>, vector<1x1x512xf32>,
    %gt3A_198 = vector.broadcast %broadcast_in_dim3A_170 : vector<1x512xi32> to vector<2048x512xi32>
    %gt3A_199 = arith.cmpi sgt, %or3A, %gt3A_198 : vector<2048x512xi32>
    %jit3A_200 = arith.constant 2147483647 : i32
    %broadcast_in_dim3A_201 = vector.broadcast %jit3A_200 : i32 to vector<2048x512xi32>
    %select_n3A_202 = arith.select %gt3A_199, %or3A, %broadcast_in_dim3A_201 : vector<2048x512xi1>, vector<2048x512xi32>
    %reduce_min3A_203 = arith.constant dense<2147483647> : vector<512xi32>
    %reduce_min3A_204 = vector.multi_reduction <minsi>, %select_n3A_202, %reduce_min3A_203 [0] : vector<2048x512xi32> to vector<512xi32>
    %broadcast_in_dim3A_205 = vector.shape_cast %reduce_min3A_204 : vector<512xi32> to vector<1x512xi32>
    %and3A_206 = arith.constant 2047 : i32
    %and3A_207 = vector.broadcast %and3A_206 : i32 to vector<1x512xi32>
    %and3A_208 = arith.andi %broadcast_in_dim3A_205, %and3A_207 : vector<1x512xi32>
    %not3A_209 = arith.constant 2047 : i32
    %not3A_210 = arith.constant -1 : i32
    %not3A_211 = arith.xori %not3A_209, %not3A_210 : i32
    %and3A_212 = vector.broadcast %not3A_211 : i32 to vector<1x512xi32>
    %and3A_213 = arith.andi %broadcast_in_dim3A_205, %and3A_212 : vector<1x512xi32>
    %bitcast_convert_type3A_214 = tpu.bitcast %and3A_213 : vector<1x512xi32> -> vector<1x512xf32>
    %mul3A_215 = arith.constant -1.000000e+01 : f32
    %mul3A_216 = vector.broadcast %mul3A_215 : f32 to vector<1x512xf32>
    %mul3A_217 = arith.mulf %mul3A_216, %bitcast_convert_type3A_214 : vector<1x512xf32>
    %exp3A_218 = math.exp %mul3A_217 : vector<1x512xf32>
    %squeeze3A_219 = vector.shape_cast %and3A_208 : vector<1x512xi32> to vector<512xi32>
    %swap3A_220 = arith.constant 0 : index
    %swap3A_221 = arith.constant 2 : index
    %swap3A_222 = arith.constant 0 : index
    %swap3A_223 = vector.load %arg9[%swap3A_220, %swap3A_221, %swap3A_222] : memref<1x64x512xi32, #tpu.memory_space<vmem>>, vector<1x1x512xi32>
    %swap3A_224 = vector.shape_cast %swap3A_223 : vector<1x1x512xi32> to vector<512xi32>
    %swap3A_225 = vector.shape_cast %squeeze3A_219 : vector<512xi32> to vector<1x1x512xi32>
    tpu.vector_store %arg9[%swap3A_220, %swap3A_221, %swap3A_222], %swap3A_225 {strides = array<i32>} : memref<1x64x512xi32, #tpu.memory_space<vmem>>, vector<1x1x512xi32>,
    %squeeze3A_226 = vector.shape_cast %exp3A_218 : vector<1x512xf32> to vector<512xf32>
    %swap3A_227 = arith.constant 0 : index
    %swap3A_228 = arith.constant 2 : index
    %swap3A_229 = arith.constant 0 : index
    %swap3A_230 = vector.load %arg10[%swap3A_227, %swap3A_228, %swap3A_229] : memref<1x64x512xf32, #tpu.memory_space<vmem>>, vector<1x1x512xf32>
    %swap3A_231 = vector.shape_cast %swap3A_230 : vector<1x1x512xf32> to vector<512xf32>
    %swap3A_232 = vector.shape_cast %squeeze3A_226 : vector<512xf32> to vector<1x1x512xf32>
    tpu.vector_store %arg10[%swap3A_227, %swap3A_228, %swap3A_229], %swap3A_232 {strides = array<i32>} : memref<1x64x512xf32, #tpu.memory_space<vmem>>, vector<1x1x512xf32>,
    %gt3A_233 = vector.broadcast %broadcast_in_dim3A_205 : vector<1x512xi32> to vector<2048x512xi32>
    %gt3A_234 = arith.cmpi sgt, %or3A, %gt3A_233 : vector<2048x512xi32>
    %jit3A_235 = arith.constant 2147483647 : i32
    %broadcast_in_dim3A_236 = vector.broadcast %jit3A_235 : i32 to vector<2048x512xi32>
    %select_n3A_237 = arith.select %gt3A_234, %or3A, %broadcast_in_dim3A_236 : vector<2048x512xi1>, vector<2048x512xi32>
    %reduce_min3A_238 = arith.constant dense<2147483647> : vector<512xi32>
    %reduce_min3A_239 = vector.multi_reduction <minsi>, %select_n3A_237, %reduce_min3A_238 [0] : vector<2048x512xi32> to vector<512xi32>
    %broadcast_in_dim3A_240 = vector.shape_cast %reduce_min3A_239 : vector<512xi32> to vector<1x512xi32>
    %and3A_241 = arith.constant 2047 : i32
    %and3A_242 = vector.broadcast %and3A_241 : i32 to vector<1x512xi32>
    %and3A_243 = arith.andi %broadcast_in_dim3A_240, %and3A_242 : vector<1x512xi32>
    %not3A_244 = arith.constant 2047 : i32
    %not3A_245 = arith.constant -1 : i32
    %not3A_246 = arith.xori %not3A_244, %not3A_245 : i32
    %and3A_247 = vector.broadcast %not3A_246 : i32 to vector<1x512xi32>
    %and3A_248 = arith.andi %broadcast_in_dim3A_240, %and3A_247 : vector<1x512xi32>
    %bitcast_convert_type3A_249 = tpu.bitcast %and3A_248 : vector<1x512xi32> -> vector<1x512xf32>
    %mul3A_250 = arith.constant -1.000000e+01 : f32
    %mul3A_251 = vector.broadcast %mul3A_250 : f32 to vector<1x512xf32>
    %mul3A_252 = arith.mulf %mul3A_251, %bitcast_convert_type3A_249 : vector<1x512xf32>
    %exp3A_253 = math.exp %mul3A_252 : vector<1x512xf32>
    %squeeze3A_254 = vector.shape_cast %and3A_243 : vector<1x512xi32> to vector<512xi32>
    %swap3A_255 = arith.constant 0 : index
    %swap3A_256 = arith.constant 3 : index
    %swap3A_257 = arith.constant 0 : index
    %swap3A_258 = vector.load %arg9[%swap3A_255, %swap3A_256, %swap3A_257] : memref<1x64x512xi32, #tpu.memory_space<vmem>>, vector<1x1x512xi32>
    %swap3A_259 = vector.shape_cast %swap3A_258 : vector<1x1x512xi32> to vector<512xi32>
    %swap3A_260 = vector.shape_cast %squeeze3A_254 : vector<512xi32> to vector<1x1x512xi32>
    tpu.vector_store %arg9[%swap3A_255, %swap3A_256, %swap3A_257], %swap3A_260 {strides = array<i32>} : memref<1x64x512xi32, #tpu.memory_space<vmem>>, vector<1x1x512xi32>,
    %squeeze3A_261 = vector.shape_cast %exp3A_253 : vector<1x512xf32> to vector<512xf32>
    %swap3A_262 = arith.constant 0 : index
    %swap3A_263 = arith.constant 3 : index
    %swap3A_264 = arith.constant 0 : index
    %swap3A_265 = vector.load %arg10[%swap3A_262, %swap3A_263, %swap3A_264] : memref<1x64x512xf32, #tpu.memory_space<vmem>>, vector<1x1x512xf32>
    %swap3A_266 = vector.shape_cast %swap3A_265 : vector<1x1x512xf32> to vector<512xf32>
    %swap3A_267 = vector.shape_cast %squeeze3A_261 : vector<512xf32> to vector<1x1x512xf32>
    tpu.vector_store %arg10[%swap3A_262, %swap3A_263, %swap3A_264], %swap3A_267 {strides = array<i32>} : memref<1x64x512xf32, #tpu.memory_space<vmem>>, vector<1x1x512xf32>,
    %gt3A_268 = vector.broadcast %broadcast_in_dim3A_240 : vector<1x512xi32> to vector<2048x512xi32>
    %gt3A_269 = arith.cmpi sgt, %or3A, %gt3A_268 : vector<2048x512xi32>
    %jit3A_270 = arith.constant 2147483647 : i32
    %broadcast_in_dim3A_271 = vector.broadcast %jit3A_270 : i32 to vector<2048x512xi32>
    %select_n3A_272 = arith.select %gt3A_269, %or3A, %broadcast_in_dim3A_271 : vector<2048x512xi1>, vector<2048x512xi32>
    %reduce_min3A_273 = arith.constant dense<2147483647> : vector<512xi32>
    %reduce_min3A_274 = vector.multi_reduction <minsi>, %select_n3A_272, %reduce_min3A_273 [0] : vector<2048x512xi32> to vector<512xi32>
    %broadcast_in_dim3A_275 = vector.shape_cast %reduce_min3A_274 : vector<512xi32> to vector<1x512xi32>
    %and3A_276 = arith.constant 2047 : i32
    %and3A_277 = vector.broadcast %and3A_276 : i32 to vector<1x512xi32>
    %and3A_278 = arith.andi %broadcast_in_dim3A_275, %and3A_277 : vector<1x512xi32>
    %not3A_279 = arith.constant 2047 : i32
    %not3A_280 = arith.constant -1 : i32
    %not3A_281 = arith.xori %not3A_279, %not3A_280 : i32
    %and3A_282 = vector.broadcast %not3A_281 : i32 to vector<1x512xi32>
    %and3A_283 = arith.andi %broadcast_in_dim3A_275, %and3A_282 : vector<1x512xi32>
    %bitcast_convert_type3A_284 = tpu.bitcast %and3A_283 : vector<1x512xi32> -> vector<1x512xf32>
    %mul3A_285 = arith.constant -1.000000e+01 : f32
    %mul3A_286 = vector.broadcast %mul3A_285 : f32 to vector<1x512xf32>
    %mul3A_287 = arith.mulf %mul3A_286, %bitcast_convert_type3A_284 : vector<1x512xf32>
    %exp3A_288 = math.exp %mul3A_287 : vector<1x512xf32>
    %squeeze3A_289 = vector.shape_cast %and3A_278 : vector<1x512xi32> to vector<512xi32>
    %swap3A_290 = arith.constant 0 : index
    %swap3A_291 = arith.constant 4 : index
    %swap3A_292 = arith.constant 0 : index
    %swap3A_293 = vector.load %arg9[%swap3A_290, %swap3A_291, %swap3A_292] : memref<1x64x512xi32, #tpu.memory_space<vmem>>, vector<1x1x512xi32>
    %swap3A_294 = vector.shape_cast %swap3A_293 : vector<1x1x512xi32> to vector<512xi32>
    %swap3A_295 = vector.shape_cast %squeeze3A_289 : vector<512xi32> to vector<1x1x512xi32>
    tpu.vector_store %arg9[%swap3A_290, %swap3A_291, %swap3A_292], %swap3A_295 {strides = array<i32>} : memref<1x64x512xi32, #tpu.memory_space<vmem>>, vector<1x1x512xi32>,
    %squeeze3A_296 = vector.shape_cast %exp3A_288 : vector<1x512xf32> to vector<512xf32>
    %swap3A_297 = arith.constant 0 : index
    %swap3A_298 = arith.constant 4 : index
    %swap3A_299 = arith.constant 0 : index
    %swap3A_300 = vector.load %arg10[%swap3A_297, %swap3A_298, %swap3A_299] : memref<1x64x512xf32, #tpu.memory_space<vmem>>, vector<1x1x512xf32>
    %swap3A_301 = vector.shape_cast %swap3A_300 : vector<1x1x512xf32> to vector<512xf32>
    %swap3A_302 = vector.shape_cast %squeeze3A_296 : vector<512xf32> to vector<1x1x512xf32>
    tpu.vector_store %arg10[%swap3A_297, %swap3A_298, %swap3A_299], %swap3A_302 {strides = array<i32>} : memref<1x64x512xf32, #tpu.memory_space<vmem>>, vector<1x1x512xf32>,
    %gt3A_303 = vector.broadcast %broadcast_in_dim3A_275 : vector<1x512xi32> to vector<2048x512xi32>
    %gt3A_304 = arith.cmpi sgt, %or3A, %gt3A_303 : vector<2048x512xi32>
    %jit3A_305 = arith.constant 2147483647 : i32
    %broadcast_in_dim3A_306 = vector.broadcast %jit3A_305 : i32 to vector<2048x512xi32>
    %select_n3A_307 = arith.select %gt3A_304, %or3A, %broadcast_in_dim3A_306 : vector<2048x512xi1>, vector<2048x512xi32>
    %reduce_min3A_308 = arith.constant dense<2147483647> : vector<512xi32>
    %reduce_min3A_309 = vector.multi_reduction <minsi>, %select_n3A_307, %reduce_min3A_308 [0] : vector<2048x512xi32> to vector<512xi32>
    %broadcast_in_dim3A_310 = vector.shape_cast %reduce_min3A_309 : vector<512xi32> to vector<1x512xi32>
    %and3A_311 = arith.constant 2047 : i32
    %and3A_312 = vector.broadcast %and3A_311 : i32 to vector<1x512xi32>
    %and3A_313 = arith.andi %broadcast_in_dim3A_310, %and3A_312 : vector<1x512xi32>
    %not3A_314 = arith.constant 2047 : i32
    %not3A_315 = arith.constant -1 : i32
    %not3A_316 = arith.xori %not3A_314, %not3A_315 : i32
    %and3A_317 = vector.broadcast %not3A_316 : i32 to vector<1x512xi32>
    %and3A_318 = arith.andi %broadcast_in_dim3A_310, %and3A_317 : vector<1x512xi32>
    %bitcast_convert_type3A_319 = tpu.bitcast %and3A_318 : vector<1x512xi32> -> vector<1x512xf32>
    %mul3A_320 = arith.constant -1.000000e+01 : f32
    %mul3A_321 = vector.broadcast %mul3A_320 : f32 to vector<1x512xf32>
    %mul3A_322 = arith.mulf %mul3A_321, %bitcast_convert_type3A_319 : vector<1x512xf32>
    %exp3A_323 = math.exp %mul3A_322 : vector<1x512xf32>
    %squeeze3A_324 = vector.shape_cast %and3A_313 : vector<1x512xi32> to vector<512xi32>
    %swap3A_325 = arith.constant 0 : index
    %swap3A_326 = arith.constant 5 : index
    %swap3A_327 = arith.constant 0 : index
    %swap3A_328 = vector.load %arg9[%swap3A_325, %swap3A_326, %swap3A_327] : memref<1x64x512xi32, #tpu.memory_space<vmem>>, vector<1x1x512xi32>
    %swap3A_329 = vector.shape_cast %swap3A_328 : vector<1x1x512xi32> to vector<512xi32>
    %swap3A_330 = vector.shape_cast %squeeze3A_324 : vector<512xi32> to vector<1x1x512xi32>
    tpu.vector_store %arg9[%swap3A_325, %swap3A_326, %swap3A_327], %swap3A_330 {strides = array<i32>} : memref<1x64x512xi32, #tpu.memory_space<vmem>>, vector<1x1x512xi32>,
    %squeeze3A_331 = vector.shape_cast %exp3A_323 : vector<1x512xf32> to vector<512xf32>
    %swap3A_332 = arith.constant 0 : index
    %swap3A_333 = arith.constant 5 : index
    %swap3A_334 = arith.constant 0 : index
    %swap3A_335 = vector.load %arg10[%swap3A_332, %swap3A_333, %swap3A_334] : memref<1x64x512xf32, #tpu.memory_space<vmem>>, vector<1x1x512xf32>
    %swap3A_336 = vector.shape_cast %swap3A_335 : vector<1x1x512xf32> to vector<512xf32>
    %swap3A_337 = vector.shape_cast %squeeze3A_331 : vector<512xf32> to vector<1x1x512xf32>
    tpu.vector_store %arg10[%swap3A_332, %swap3A_333, %swap3A_334], %swap3A_337 {strides = array<i32>} : memref<1x64x512xf32, #tpu.memory_space<vmem>>, vector<1x1x512xf32>,
    %gt3A_338 = vector.broadcast %broadcast_in_dim3A_310 : vector<1x512xi32> to vector<2048x512xi32>
    %gt3A_339 = arith.cmpi sgt, %or3A, %gt3A_338 : vector<2048x512xi32>
    %jit3A_340 = arith.constant 2147483647 : i32
    %broadcast_in_dim3A_341 = vector.broadcast %jit3A_340 : i32 to vector<2048x512xi32>
    %select_n3A_342 = arith.select %gt3A_339, %or3A, %broadcast_in_dim3A_341 : vector<2048x512xi1>, vector<2048x512xi32>
    %reduce_min3A_343 = arith.constant dense<2147483647> : vector<512xi32>
    %reduce_min3A_344 = vector.multi_reduction <minsi>, %select_n3A_342, %reduce_min3A_343 [0] : vector<2048x512xi32> to vector<512xi32>
    %broadcast_in_dim3A_345 = vector.shape_cast %reduce_min3A_344 : vector<512xi32> to vector<1x512xi32>
    %and3A_346 = arith.constant 2047 : i32
    %and3A_347 = vector.broadcast %and3A_346 : i32 to vector<1x512xi32>
    %and3A_348 = arith.andi %broadcast_in_dim3A_345, %and3A_347 : vector<1x512xi32>
    %not3A_349 = arith.constant 2047 : i32
    %not3A_350 = arith.constant -1 : i32
    %not3A_351 = arith.xori %not3A_349, %not3A_350 : i32
    %and3A_352 = vector.broadcast %not3A_351 : i32 to vector<1x512xi32>
    %and3A_353 = arith.andi %broadcast_in_dim3A_345, %and3A_352 : vector<1x512xi32>
    %bitcast_convert_type3A_354 = tpu.bitcast %and3A_353 : vector<1x512xi32> -> vector<1x512xf32>
    %mul3A_355 = arith.constant -1.000000e+01 : f32
    %mul3A_356 = vector.broadcast %mul3A_355 : f32 to vector<1x512xf32>
    %mul3A_357 = arith.mulf %mul3A_356, %bitcast_convert_type3A_354 : vector<1x512xf32>
    %exp3A_358 = math.exp %mul3A_357 : vector<1x512xf32>
    %squeeze3A_359 = vector.shape_cast %and3A_348 : vector<1x512xi32> to vector<512xi32>
    %swap3A_360 = arith.constant 0 : index
    %swap3A_361 = arith.constant 6 : index
    %swap3A_362 = arith.constant 0 : index
    %swap3A_363 = vector.load %arg9[%swap3A_360, %swap3A_361, %swap3A_362] : memref<1x64x512xi32, #tpu.memory_space<vmem>>, vector<1x1x512xi32>
    %swap3A_364 = vector.shape_cast %swap3A_363 : vector<1x1x512xi32> to vector<512xi32>
    %swap3A_365 = vector.shape_cast %squeeze3A_359 : vector<512xi32> to vector<1x1x512xi32>
    tpu.vector_store %arg9[%swap3A_360, %swap3A_361, %swap3A_362], %swap3A_365 {strides = array<i32>} : memref<1x64x512xi32, #tpu.memory_space<vmem>>, vector<1x1x512xi32>,
    %squeeze3A_366 = vector.shape_cast %exp3A_358 : vector<1x512xf32> to vector<512xf32>
    %swap3A_367 = arith.constant 0 : index
    %swap3A_368 = arith.constant 6 : index
    %swap3A_369 = arith.constant 0 : index
    %swap3A_370 = vector.load %arg10[%swap3A_367, %swap3A_368, %swap3A_369] : memref<1x64x512xf32, #tpu.memory_space<vmem>>, vector<1x1x512xf32>
    %swap3A_371 = vector.shape_cast %swap3A_370 : vector<1x1x512xf32> to vector<512xf32>
    %swap3A_372 = vector.shape_cast %squeeze3A_366 : vector<512xf32> to vector<1x1x512xf32>
    tpu.vector_store %arg10[%swap3A_367, %swap3A_368, %swap3A_369], %swap3A_372 {strides = array<i32>} : memref<1x64x512xf32, #tpu.memory_space<vmem>>, vector<1x1x512xf32>,
    %gt3A_373 = vector.broadcast %broadcast_in_dim3A_345 : vector<1x512xi32> to vector<2048x512xi32>
    %gt3A_374 = arith.cmpi sgt, %or3A, %gt3A_373 : vector<2048x512xi32>
    %jit3A_375 = arith.constant 2147483647 : i32
    %broadcast_in_dim3A_376 = vector.broadcast %jit3A_375 : i32 to vector<2048x512xi32>
    %select_n3A_377 = arith.select %gt3A_374, %or3A, %broadcast_in_dim3A_376 : vector<2048x512xi1>, vector<2048x512xi32>
    %reduce_min3A_378 = arith.constant dense<2147483647> : vector<512xi32>
    %reduce_min3A_379 = vector.multi_reduction <minsi>, %select_n3A_377, %reduce_min3A_378 [0] : vector<2048x512xi32> to vector<512xi32>
    %broadcast_in_dim3A_380 = vector.shape_cast %reduce_min3A_379 : vector<512xi32> to vector<1x512xi32>
    %and3A_381 = arith.constant 2047 : i32
    %and3A_382 = vector.broadcast %and3A_381 : i32 to vector<1x512xi32>
    %and3A_383 = arith.andi %broadcast_in_dim3A_380, %and3A_382 : vector<1x512xi32>
    %not3A_384 = arith.constant 2047 : i32
    %not3A_385 = arith.constant -1 : i32
    %not3A_386 = arith.xori %not3A_384, %not3A_385 : i32
    %and3A_387 = vector.broadcast %not3A_386 : i32 to vector<1x512xi32>
    %and3A_388 = arith.andi %broadcast_in_dim3A_380, %and3A_387 : vector<1x512xi32>
    %bitcast_convert_type3A_389 = tpu.bitcast %and3A_388 : vector<1x512xi32> -> vector<1x512xf32>
    %mul3A_390 = arith.constant -1.000000e+01 : f32
    %mul3A_391 = vector.broadcast %mul3A_390 : f32 to vector<1x512xf32>
    %mul3A_392 = arith.mulf %mul3A_391, %bitcast_convert_type3A_389 : vector<1x512xf32>
    %exp3A_393 = math.exp %mul3A_392 : vector<1x512xf32>
    %squeeze3A_394 = vector.shape_cast %and3A_383 : vector<1x512xi32> to vector<512xi32>
    %swap3A_395 = arith.constant 0 : index
    %swap3A_396 = arith.constant 7 : index
    %swap3A_397 = arith.constant 0 : index
    %swap3A_398 = vector.load %arg9[%swap3A_395, %swap3A_396, %swap3A_397] : memref<1x64x512xi32, #tpu.memory_space<vmem>>, vector<1x1x512xi32>
    %swap3A_399 = vector.shape_cast %swap3A_398 : vector<1x1x512xi32> to vector<512xi32>
    %swap3A_400 = vector.shape_cast %squeeze3A_394 : vector<512xi32> to vector<1x1x512xi32>
    tpu.vector_store %arg9[%swap3A_395, %swap3A_396, %swap3A_397], %swap3A_400 {strides = array<i32>} : memref<1x64x512xi32, #tpu.memory_space<vmem>>, vector<1x1x512xi32>,
    %squeeze3A_401 = vector.shape_cast %exp3A_393 : vector<1x512xf32> to vector<512xf32>
    %swap3A_402 = arith.constant 0 : index
    %swap3A_403 = arith.constant 7 : index
    %swap3A_404 = arith.constant 0 : index
    %swap3A_405 = vector.load %arg10[%swap3A_402, %swap3A_403, %swap3A_404] : memref<1x64x512xf32, #tpu.memory_space<vmem>>, vector<1x1x512xf32>
    %swap3A_406 = vector.shape_cast %swap3A_405 : vector<1x1x512xf32> to vector<512xf32>
    %swap3A_407 = vector.shape_cast %squeeze3A_401 : vector<512xf32> to vector<1x1x512xf32>
    tpu.vector_store %arg10[%swap3A_402, %swap3A_403, %swap3A_404], %swap3A_407 {strides = array<i32>} : memref<1x64x512xf32, #tpu.memory_space<vmem>>, vector<1x1x512xf32>,
    %gt3A_408 = vector.broadcast %broadcast_in_dim3A_380 : vector<1x512xi32> to vector<2048x512xi32>
    %gt3A_409 = arith.cmpi sgt, %or3A, %gt3A_408 : vector<2048x512xi32>
    %jit3A_410 = arith.constant 2147483647 : i32
    %broadcast_in_dim3A_411 = vector.broadcast %jit3A_410 : i32 to vector<2048x512xi32>
    %select_n3A_412 = arith.select %gt3A_409, %or3A, %broadcast_in_dim3A_411 : vector<2048x512xi1>, vector<2048x512xi32>
    %reduce_min3A_413 = arith.constant dense<2147483647> : vector<512xi32>
    %reduce_min3A_414 = vector.multi_reduction <minsi>, %select_n3A_412, %reduce_min3A_413 [0] : vector<2048x512xi32> to vector<512xi32>
    %broadcast_in_dim3A_415 = vector.shape_cast %reduce_min3A_414 : vector<512xi32> to vector<1x512xi32>
    %and3A_416 = arith.constant 2047 : i32
    %and3A_417 = vector.broadcast %and3A_416 : i32 to vector<1x512xi32>
    %and3A_418 = arith.andi %broadcast_in_dim3A_415, %and3A_417 : vector<1x512xi32>
    %not3A_419 = arith.constant 2047 : i32
    %not3A_420 = arith.constant -1 : i32
    %not3A_421 = arith.xori %not3A_419, %not3A_420 : i32
    %and3A_422 = vector.broadcast %not3A_421 : i32 to vector<1x512xi32>
    %and3A_423 = arith.andi %broadcast_in_dim3A_415, %and3A_422 : vector<1x512xi32>
    %bitcast_convert_type3A_424 = tpu.bitcast %and3A_423 : vector<1x512xi32> -> vector<1x512xf32>
    %mul3A_425 = arith.constant -1.000000e+01 : f32
    %mul3A_426 = vector.broadcast %mul3A_425 : f32 to vector<1x512xf32>
    %mul3A_427 = arith.mulf %mul3A_426, %bitcast_convert_type3A_424 : vector<1x512xf32>
    %exp3A_428 = math.exp %mul3A_427 : vector<1x512xf32>
    %squeeze3A_429 = vector.shape_cast %and3A_418 : vector<1x512xi32> to vector<512xi32>
    %swap3A_430 = arith.constant 0 : index
    %swap3A_431 = arith.constant 8 : index
    %swap3A_432 = arith.constant 0 : index
    %swap3A_433 = vector.load %arg9[%swap3A_430, %swap3A_431, %swap3A_432] : memref<1x64x512xi32, #tpu.memory_space<vmem>>, vector<1x1x512xi32>
    %swap3A_434 = vector.shape_cast %swap3A_433 : vector<1x1x512xi32> to vector<512xi32>
    %swap3A_435 = vector.shape_cast %squeeze3A_429 : vector<512xi32> to vector<1x1x512xi32>
    tpu.vector_store %arg9[%swap3A_430, %swap3A_431, %swap3A_432], %swap3A_435 {strides = array<i32>} : memref<1x64x512xi32, #tpu.memory_space<vmem>>, vector<1x1x512xi32>,
    %squeeze3A_436 = vector.shape_cast %exp3A_428 : vector<1x512xf32> to vector<512xf32>
    %swap3A_437 = arith.constant 0 : index
    %swap3A_438 = arith.constant 8 : index
    %swap3A_439 = arith.constant 0 : index
    %swap3A_440 = vector.load %arg10[%swap3A_437, %swap3A_438, %swap3A_439] : memref<1x64x512xf32, #tpu.memory_space<vmem>>, vector<1x1x512xf32>
    %swap3A_441 = vector.shape_cast %swap3A_440 : vector<1x1x512xf32> to vector<512xf32>
    %swap3A_442 = vector.shape_cast %squeeze3A_436 : vector<512xf32> to vector<1x1x512xf32>
    tpu.vector_store %arg10[%swap3A_437, %swap3A_438, %swap3A_439], %swap3A_442 {strides = array<i32>} : memref<1x64x512xf32, #tpu.memory_space<vmem>>, vector<1x1x512xf32>,
    %gt3A_443 = vector.broadcast %broadcast_in_dim3A_415 : vector<1x512xi32> to vector<2048x512xi32>
    %gt3A_444 = arith.cmpi sgt, %or3A, %gt3A_443 : vector<2048x512xi32>
    %jit3A_445 = arith.constant 2147483647 : i32
    %broadcast_in_dim3A_446 = vector.broadcast %jit3A_445 : i32 to vector<2048x512xi32>
    %select_n3A_447 = arith.select %gt3A_444, %or3A, %broadcast_in_dim3A_446 : vector<2048x512xi1>, vector<2048x512xi32>
    %reduce_min3A_448 = arith.constant dense<2147483647> : vector<512xi32>
    %reduce_min3A_449 = vector.multi_reduction <minsi>, %select_n3A_447, %reduce_min3A_448 [0] : vector<2048x512xi32> to vector<512xi32>
    %broadcast_in_dim3A_450 = vector.shape_cast %reduce_min3A_449 : vector<512xi32> to vector<1x512xi32>
    %and3A_451 = arith.constant 2047 : i32
    %and3A_452 = vector.broadcast %and3A_451 : i32 to vector<1x512xi32>
    %and3A_453 = arith.andi %broadcast_in_dim3A_450, %and3A_452 : vector<1x512xi32>
    %not3A_454 = arith.constant 2047 : i32
    %not3A_455 = arith.constant -1 : i32
    %not3A_456 = arith.xori %not3A_454, %not3A_455 : i32
    %and3A_457 = vector.broadcast %not3A_456 : i32 to vector<1x512xi32>
    %and3A_458 = arith.andi %broadcast_in_dim3A_450, %and3A_457 : vector<1x512xi32>
    %bitcast_convert_type3A_459 = tpu.bitcast %and3A_458 : vector<1x512xi32> -> vector<1x512xf32>
    %mul3A_460 = arith.constant -1.000000e+01 : f32
    %mul3A_461 = vector.broadcast %mul3A_460 : f32 to vector<1x512xf32>
    %mul3A_462 = arith.mulf %mul3A_461, %bitcast_convert_type3A_459 : vector<1x512xf32>
    %exp3A_463 = math.exp %mul3A_462 : vector<1x512xf32>
    %squeeze3A_464 = vector.shape_cast %and3A_453 : vector<1x512xi32> to vector<512xi32>
    %swap3A_465 = arith.constant 0 : index
    %swap3A_466 = arith.constant 9 : index
    %swap3A_467 = arith.constant 0 : index
    %swap3A_468 = vector.load %arg9[%swap3A_465, %swap3A_466, %swap3A_467] : memref<1x64x512xi32, #tpu.memory_space<vmem>>, vector<1x1x512xi32>
    %swap3A_469 = vector.shape_cast %swap3A_468 : vector<1x1x512xi32> to vector<512xi32>
    %swap3A_470 = vector.shape_cast %squeeze3A_464 : vector<512xi32> to vector<1x1x512xi32>
    tpu.vector_store %arg9[%swap3A_465, %swap3A_466, %swap3A_467], %swap3A_470 {strides = array<i32>} : memref<1x64x512xi32, #tpu.memory_space<vmem>>, vector<1x1x512xi32>,
    %squeeze3A_471 = vector.shape_cast %exp3A_463 : vector<1x512xf32> to vector<512xf32>
    %swap3A_472 = arith.constant 0 : index
    %swap3A_473 = arith.constant 9 : index
    %swap3A_474 = arith.constant 0 : index
    %swap3A_475 = vector.load %arg10[%swap3A_472, %swap3A_473, %swap3A_474] : memref<1x64x512xf32, #tpu.memory_space<vmem>>, vector<1x1x512xf32>
    %swap3A_476 = vector.shape_cast %swap3A_475 : vector<1x1x512xf32> to vector<512xf32>
    %swap3A_477 = vector.shape_cast %squeeze3A_471 : vector<512xf32> to vector<1x1x512xf32>
    tpu.vector_store %arg10[%swap3A_472, %swap3A_473, %swap3A_474], %swap3A_477 {strides = array<i32>} : memref<1x64x512xf32, #tpu.memory_space<vmem>>, vector<1x1x512xf32>,
    %gt3A_478 = vector.broadcast %broadcast_in_dim3A_450 : vector<1x512xi32> to vector<2048x512xi32>
    %gt3A_479 = arith.cmpi sgt, %or3A, %gt3A_478 : vector<2048x512xi32>
    %jit3A_480 = arith.constant 2147483647 : i32
    %broadcast_in_dim3A_481 = vector.broadcast %jit3A_480 : i32 to vector<2048x512xi32>
    %select_n3A_482 = arith.select %gt3A_479, %or3A, %broadcast_in_dim3A_481 : vector<2048x512xi1>, vector<2048x512xi32>
    %reduce_min3A_483 = arith.constant dense<2147483647> : vector<512xi32>
    %reduce_min3A_484 = vector.multi_reduction <minsi>, %select_n3A_482, %reduce_min3A_483 [0] : vector<2048x512xi32> to vector<512xi32>
    %broadcast_in_dim3A_485 = vector.shape_cast %reduce_min3A_484 : vector<512xi32> to vector<1x512xi32>
    %and3A_486 = arith.constant 2047 : i32
    %and3A_487 = vector.broadcast %and3A_486 : i32 to vector<1x512xi32>
    %and3A_488 = arith.andi %broadcast_in_dim3A_485, %and3A_487 : vector<1x512xi32>
    %not3A_489 = arith.constant 2047 : i32
    %not3A_490 = arith.constant -1 : i32
    %not3A_491 = arith.xori %not3A_489, %not3A_490 : i32
    %and3A_492 = vector.broadcast %not3A_491 : i32 to vector<1x512xi32>
    %and3A_493 = arith.andi %broadcast_in_dim3A_485, %and3A_492 : vector<1x512xi32>
    %bitcast_convert_type3A_494 = tpu.bitcast %and3A_493 : vector<1x512xi32> -> vector<1x512xf32>
    %mul3A_495 = arith.constant -1.000000e+01 : f32
    %mul3A_496 = vector.broadcast %mul3A_495 : f32 to vector<1x512xf32>
    %mul3A_497 = arith.mulf %mul3A_496, %bitcast_convert_type3A_494 : vector<1x512xf32>
    %exp3A_498 = math.exp %mul3A_497 : vector<1x512xf32>
    %squeeze3A_499 = vector.shape_cast %and3A_488 : vector<1x512xi32> to vector<512xi32>
    %swap3A_500 = arith.constant 0 : index
    %swap3A_501 = arith.constant 10 : index
    %swap3A_502 = arith.constant 0 : index
    %swap3A_503 = vector.load %arg9[%swap3A_500, %swap3A_501, %swap3A_502] : memref<1x64x512xi32, #tpu.memory_space<vmem>>, vector<1x1x512xi32>
    %swap3A_504 = vector.shape_cast %swap3A_503 : vector<1x1x512xi32> to vector<512xi32>
    %swap3A_505 = vector.shape_cast %squeeze3A_499 : vector<512xi32> to vector<1x1x512xi32>
    tpu.vector_store %arg9[%swap3A_500, %swap3A_501, %swap3A_502], %swap3A_505 {strides = array<i32>} : memref<1x64x512xi32, #tpu.memory_space<vmem>>, vector<1x1x512xi32>,
    %squeeze3A_506 = vector.shape_cast %exp3A_498 : vector<1x512xf32> to vector<512xf32>
    %swap3A_507 = arith.constant 0 : index
    %swap3A_508 = arith.constant 10 : index
    %swap3A_509 = arith.constant 0 : index
    %swap3A_510 = vector.load %arg10[%swap3A_507, %swap3A_508, %swap3A_509] : memref<1x64x512xf32, #tpu.memory_space<vmem>>, vector<1x1x512xf32>
    %swap3A_511 = vector.shape_cast %swap3A_510 : vector<1x1x512xf32> to vector<512xf32>
    %swap3A_512 = vector.shape_cast %squeeze3A_506 : vector<512xf32> to vector<1x1x512xf32>
    tpu.vector_store %arg10[%swap3A_507, %swap3A_508, %swap3A_509], %swap3A_512 {strides = array<i32>} : memref<1x64x512xf32, #tpu.memory_space<vmem>>, vector<1x1x512xf32>,
    %gt3A_513 = vector.broadcast %broadcast_in_dim3A_485 : vector<1x512xi32> to vector<2048x512xi32>
    %gt3A_514 = arith.cmpi sgt, %or3A, %gt3A_513 : vector<2048x512xi32>
    %jit3A_515 = arith.constant 2147483647 : i32
    %broadcast_in_dim3A_516 = vector.broadcast %jit3A_515 : i32 to vector<2048x512xi32>
    %select_n3A_517 = arith.select %gt3A_514, %or3A, %broadcast_in_dim3A_516 : vector<2048x512xi1>, vector<2048x512xi32>
    %reduce_min3A_518 = arith.constant dense<2147483647> : vector<512xi32>
    %reduce_min3A_519 = vector.multi_reduction <minsi>, %select_n3A_517, %reduce_min3A_518 [0] : vector<2048x512xi32> to vector<512xi32>
    %broadcast_in_dim3A_520 = vector.shape_cast %reduce_min3A_519 : vector<512xi32> to vector<1x512xi32>
    %and3A_521 = arith.constant 2047 : i32
    %and3A_522 = vector.broadcast %and3A_521 : i32 to vector<1x512xi32>
    %and3A_523 = arith.andi %broadcast_in_dim3A_520, %and3A_522 : vector<1x512xi32>
    %not3A_524 = arith.constant 2047 : i32
    %not3A_525 = arith.constant -1 : i32
    %not3A_526 = arith.xori %not3A_524, %not3A_525 : i32
    %and3A_527 = vector.broadcast %not3A_526 : i32 to vector<1x512xi32>
    %and3A_528 = arith.andi %broadcast_in_dim3A_520, %and3A_527 : vector<1x512xi32>
    %bitcast_convert_type3A_529 = tpu.bitcast %and3A_528 : vector<1x512xi32> -> vector<1x512xf32>
    %mul3A_530 = arith.constant -1.000000e+01 : f32
    %mul3A_531 = vector.broadcast %mul3A_530 : f32 to vector<1x512xf32>
    %mul3A_532 = arith.mulf %mul3A_531, %bitcast_convert_type3A_529 : vector<1x512xf32>
    %exp3A_533 = math.exp %mul3A_532 : vector<1x512xf32>
    %squeeze3A_534 = vector.shape_cast %and3A_523 : vector<1x512xi32> to vector<512xi32>
    %swap3A_535 = arith.constant 0 : index
    %swap3A_536 = arith.constant 11 : index
    %swap3A_537 = arith.constant 0 : index
    %swap3A_538 = vector.load %arg9[%swap3A_535, %swap3A_536, %swap3A_537] : memref<1x64x512xi32, #tpu.memory_space<vmem>>, vector<1x1x512xi32>
    %swap3A_539 = vector.shape_cast %swap3A_538 : vector<1x1x512xi32> to vector<512xi32>
    %swap3A_540 = vector.shape_cast %squeeze3A_534 : vector<512xi32> to vector<1x1x512xi32>
    tpu.vector_store %arg9[%swap3A_535, %swap3A_536, %swap3A_537], %swap3A_540 {strides = array<i32>} : memref<1x64x512xi32, #tpu.memory_space<vmem>>, vector<1x1x512xi32>,
    %squeeze3A_541 = vector.shape_cast %exp3A_533 : vector<1x512xf32> to vector<512xf32>
    %swap3A_542 = arith.constant 0 : index
    %swap3A_543 = arith.constant 11 : index
    %swap3A_544 = arith.constant 0 : index
    %swap3A_545 = vector.load %arg10[%swap3A_542, %swap3A_543, %swap3A_544] : memref<1x64x512xf32, #tpu.memory_space<vmem>>, vector<1x1x512xf32>
    %swap3A_546 = vector.shape_cast %swap3A_545 : vector<1x1x512xf32> to vector<512xf32>
    %swap3A_547 = vector.shape_cast %squeeze3A_541 : vector<512xf32> to vector<1x1x512xf32>
    tpu.vector_store %arg10[%swap3A_542, %swap3A_543, %swap3A_544], %swap3A_547 {strides = array<i32>} : memref<1x64x512xf32, #tpu.memory_space<vmem>>, vector<1x1x512xf32>,
    %gt3A_548 = vector.broadcast %broadcast_in_dim3A_520 : vector<1x512xi32> to vector<2048x512xi32>
    %gt3A_549 = arith.cmpi sgt, %or3A, %gt3A_548 : vector<2048x512xi32>
    %jit3A_550 = arith.constant 2147483647 : i32
    %broadcast_in_dim3A_551 = vector.broadcast %jit3A_550 : i32 to vector<2048x512xi32>
    %select_n3A_552 = arith.select %gt3A_549, %or3A, %broadcast_in_dim3A_551 : vector<2048x512xi1>, vector<2048x512xi32>
    %reduce_min3A_553 = arith.constant dense<2147483647> : vector<512xi32>
    %reduce_min3A_554 = vector.multi_reduction <minsi>, %select_n3A_552, %reduce_min3A_553 [0] : vector<2048x512xi32> to vector<512xi32>
    %broadcast_in_dim3A_555 = vector.shape_cast %reduce_min3A_554 : vector<512xi32> to vector<1x512xi32>
    %and3A_556 = arith.constant 2047 : i32
    %and3A_557 = vector.broadcast %and3A_556 : i32 to vector<1x512xi32>
    %and3A_558 = arith.andi %broadcast_in_dim3A_555, %and3A_557 : vector<1x512xi32>
    %not3A_559 = arith.constant 2047 : i32
    %not3A_560 = arith.constant -1 : i32
    %not3A_561 = arith.xori %not3A_559, %not3A_560 : i32
    %and3A_562 = vector.broadcast %not3A_561 : i32 to vector<1x512xi32>
    %and3A_563 = arith.andi %broadcast_in_dim3A_555, %and3A_562 : vector<1x512xi32>
    %bitcast_convert_type3A_564 = tpu.bitcast %and3A_563 : vector<1x512xi32> -> vector<1x512xf32>
    %mul3A_565 = arith.constant -1.000000e+01 : f32
    %mul3A_566 = vector.broadcast %mul3A_565 : f32 to vector<1x512xf32>
    %mul3A_567 = arith.mulf %mul3A_566, %bitcast_convert_type3A_564 : vector<1x512xf32>
    %exp3A_568 = math.exp %mul3A_567 : vector<1x512xf32>
    %squeeze3A_569 = vector.shape_cast %and3A_558 : vector<1x512xi32> to vector<512xi32>
    %swap3A_570 = arith.constant 0 : index
    %swap3A_571 = arith.constant 12 : index
    %swap3A_572 = arith.constant 0 : index
    %swap3A_573 = vector.load %arg9[%swap3A_570, %swap3A_571, %swap3A_572] : memref<1x64x512xi32, #tpu.memory_space<vmem>>, vector<1x1x512xi32>
    %swap3A_574 = vector.shape_cast %swap3A_573 : vector<1x1x512xi32> to vector<512xi32>
    %swap3A_575 = vector.shape_cast %squeeze3A_569 : vector<512xi32> to vector<1x1x512xi32>
    tpu.vector_store %arg9[%swap3A_570, %swap3A_571, %swap3A_572], %swap3A_575 {strides = array<i32>} : memref<1x64x512xi32, #tpu.memory_space<vmem>>, vector<1x1x512xi32>,
    %squeeze3A_576 = vector.shape_cast %exp3A_568 : vector<1x512xf32> to vector<512xf32>
    %swap3A_577 = arith.constant 0 : index
    %swap3A_578 = arith.constant 12 : index
    %swap3A_579 = arith.constant 0 : index
    %swap3A_580 = vector.load %arg10[%swap3A_577, %swap3A_578, %swap3A_579] : memref<1x64x512xf32, #tpu.memory_space<vmem>>, vector<1x1x512xf32>
    %swap3A_581 = vector.shape_cast %swap3A_580 : vector<1x1x512xf32> to vector<512xf32>
    %swap3A_582 = vector.shape_cast %squeeze3A_576 : vector<512xf32> to vector<1x1x512xf32>
    tpu.vector_store %arg10[%swap3A_577, %swap3A_578, %swap3A_579], %swap3A_582 {strides = array<i32>} : memref<1x64x512xf32, #tpu.memory_space<vmem>>, vector<1x1x512xf32>,
    %gt3A_583 = vector.broadcast %broadcast_in_dim3A_555 : vector<1x512xi32> to vector<2048x512xi32>
    %gt3A_584 = arith.cmpi sgt, %or3A, %gt3A_583 : vector<2048x512xi32>
    %jit3A_585 = arith.constant 2147483647 : i32
    %broadcast_in_dim3A_586 = vector.broadcast %jit3A_585 : i32 to vector<2048x512xi32>
    %select_n3A_587 = arith.select %gt3A_584, %or3A, %broadcast_in_dim3A_586 : vector<2048x512xi1>, vector<2048x512xi32>
    %reduce_min3A_588 = arith.constant dense<2147483647> : vector<512xi32>
    %reduce_min3A_589 = vector.multi_reduction <minsi>, %select_n3A_587, %reduce_min3A_588 [0] : vector<2048x512xi32> to vector<512xi32>
    %broadcast_in_dim3A_590 = vector.shape_cast %reduce_min3A_589 : vector<512xi32> to vector<1x512xi32>
    %and3A_591 = arith.constant 2047 : i32
    %and3A_592 = vector.broadcast %and3A_591 : i32 to vector<1x512xi32>
    %and3A_593 = arith.andi %broadcast_in_dim3A_590, %and3A_592 : vector<1x512xi32>
    %not3A_594 = arith.constant 2047 : i32
    %not3A_595 = arith.constant -1 : i32
    %not3A_596 = arith.xori %not3A_594, %not3A_595 : i32
    %and3A_597 = vector.broadcast %not3A_596 : i32 to vector<1x512xi32>
    %and3A_598 = arith.andi %broadcast_in_dim3A_590, %and3A_597 : vector<1x512xi32>
    %bitcast_convert_type3A_599 = tpu.bitcast %and3A_598 : vector<1x512xi32> -> vector<1x512xf32>
    %mul3A_600 = arith.constant -1.000000e+01 : f32
    %mul3A_601 = vector.broadcast %mul3A_600 : f32 to vector<1x512xf32>
    %mul3A_602 = arith.mulf %mul3A_601, %bitcast_convert_type3A_599 : vector<1x512xf32>
    %exp3A_603 = math.exp %mul3A_602 : vector<1x512xf32>
    %squeeze3A_604 = vector.shape_cast %and3A_593 : vector<1x512xi32> to vector<512xi32>
    %swap3A_605 = arith.constant 0 : index
    %swap3A_606 = arith.constant 13 : index
    %swap3A_607 = arith.constant 0 : index
    %swap3A_608 = vector.load %arg9[%swap3A_605, %swap3A_606, %swap3A_607] : memref<1x64x512xi32, #tpu.memory_space<vmem>>, vector<1x1x512xi32>
    %swap3A_609 = vector.shape_cast %swap3A_608 : vector<1x1x512xi32> to vector<512xi32>
    %swap3A_610 = vector.shape_cast %squeeze3A_604 : vector<512xi32> to vector<1x1x512xi32>
    tpu.vector_store %arg9[%swap3A_605, %swap3A_606, %swap3A_607], %swap3A_610 {strides = array<i32>} : memref<1x64x512xi32, #tpu.memory_space<vmem>>, vector<1x1x512xi32>,
    %squeeze3A_611 = vector.shape_cast %exp3A_603 : vector<1x512xf32> to vector<512xf32>
    %swap3A_612 = arith.constant 0 : index
    %swap3A_613 = arith.constant 13 : index
    %swap3A_614 = arith.constant 0 : index
    %swap3A_615 = vector.load %arg10[%swap3A_612, %swap3A_613, %swap3A_614] : memref<1x64x512xf32, #tpu.memory_space<vmem>>, vector<1x1x512xf32>
    %swap3A_616 = vector.shape_cast %swap3A_615 : vector<1x1x512xf32> to vector<512xf32>
    %swap3A_617 = vector.shape_cast %squeeze3A_611 : vector<512xf32> to vector<1x1x512xf32>
    tpu.vector_store %arg10[%swap3A_612, %swap3A_613, %swap3A_614], %swap3A_617 {strides = array<i32>} : memref<1x64x512xf32, #tpu.memory_space<vmem>>, vector<1x1x512xf32>,
    %gt3A_618 = vector.broadcast %broadcast_in_dim3A_590 : vector<1x512xi32> to vector<2048x512xi32>
    %gt3A_619 = arith.cmpi sgt, %or3A, %gt3A_618 : vector<2048x512xi32>
    %jit3A_620 = arith.constant 2147483647 : i32
    %broadcast_in_dim3A_621 = vector.broadcast %jit3A_620 : i32 to vector<2048x512xi32>
    %select_n3A_622 = arith.select %gt3A_619, %or3A, %broadcast_in_dim3A_621 : vector<2048x512xi1>, vector<2048x512xi32>
    %reduce_min3A_623 = arith.constant dense<2147483647> : vector<512xi32>
    %reduce_min3A_624 = vector.multi_reduction <minsi>, %select_n3A_622, %reduce_min3A_623 [0] : vector<2048x512xi32> to vector<512xi32>
    %broadcast_in_dim3A_625 = vector.shape_cast %reduce_min3A_624 : vector<512xi32> to vector<1x512xi32>
    %and3A_626 = arith.constant 2047 : i32
    %and3A_627 = vector.broadcast %and3A_626 : i32 to vector<1x512xi32>
    %and3A_628 = arith.andi %broadcast_in_dim3A_625, %and3A_627 : vector<1x512xi32>
    %not3A_629 = arith.constant 2047 : i32
    %not3A_630 = arith.constant -1 : i32
    %not3A_631 = arith.xori %not3A_629, %not3A_630 : i32
    %and3A_632 = vector.broadcast %not3A_631 : i32 to vector<1x512xi32>
    %and3A_633 = arith.andi %broadcast_in_dim3A_625, %and3A_632 : vector<1x512xi32>
    %bitcast_convert_type3A_634 = tpu.bitcast %and3A_633 : vector<1x512xi32> -> vector<1x512xf32>
    %mul3A_635 = arith.constant -1.000000e+01 : f32
    %mul3A_636 = vector.broadcast %mul3A_635 : f32 to vector<1x512xf32>
    %mul3A_637 = arith.mulf %mul3A_636, %bitcast_convert_type3A_634 : vector<1x512xf32>
    %exp3A_638 = math.exp %mul3A_637 : vector<1x512xf32>
    %squeeze3A_639 = vector.shape_cast %and3A_628 : vector<1x512xi32> to vector<512xi32>
    %swap3A_640 = arith.constant 0 : index
    %swap3A_641 = arith.constant 14 : index
    %swap3A_642 = arith.constant 0 : index
    %swap3A_643 = vector.load %arg9[%swap3A_640, %swap3A_641, %swap3A_642] : memref<1x64x512xi32, #tpu.memory_space<vmem>>, vector<1x1x512xi32>
    %swap3A_644 = vector.shape_cast %swap3A_643 : vector<1x1x512xi32> to vector<512xi32>
    %swap3A_645 = vector.shape_cast %squeeze3A_639 : vector<512xi32> to vector<1x1x512xi32>
    tpu.vector_store %arg9[%swap3A_640, %swap3A_641, %swap3A_642], %swap3A_645 {strides = array<i32>} : memref<1x64x512xi32, #tpu.memory_space<vmem>>, vector<1x1x512xi32>,
    %squeeze3A_646 = vector.shape_cast %exp3A_638 : vector<1x512xf32> to vector<512xf32>
    %swap3A_647 = arith.constant 0 : index
    %swap3A_648 = arith.constant 14 : index
    %swap3A_649 = arith.constant 0 : index
    %swap3A_650 = vector.load %arg10[%swap3A_647, %swap3A_648, %swap3A_649] : memref<1x64x512xf32, #tpu.memory_space<vmem>>, vector<1x1x512xf32>
    %swap3A_651 = vector.shape_cast %swap3A_650 : vector<1x1x512xf32> to vector<512xf32>
    %swap3A_652 = vector.shape_cast %squeeze3A_646 : vector<512xf32> to vector<1x1x512xf32>
    tpu.vector_store %arg10[%swap3A_647, %swap3A_648, %swap3A_649], %swap3A_652 {strides = array<i32>} : memref<1x64x512xf32, #tpu.memory_space<vmem>>, vector<1x1x512xf32>,
    %gt3A_653 = vector.broadcast %broadcast_in_dim3A_625 : vector<1x512xi32> to vector<2048x512xi32>
    %gt3A_654 = arith.cmpi sgt, %or3A, %gt3A_653 : vector<2048x512xi32>
    %jit3A_655 = arith.constant 2147483647 : i32
    %broadcast_in_dim3A_656 = vector.broadcast %jit3A_655 : i32 to vector<2048x512xi32>
    %select_n3A_657 = arith.select %gt3A_654, %or3A, %broadcast_in_dim3A_656 : vector<2048x512xi1>, vector<2048x512xi32>
    %reduce_min3A_658 = arith.constant dense<2147483647> : vector<512xi32>
    %reduce_min3A_659 = vector.multi_reduction <minsi>, %select_n3A_657, %reduce_min3A_658 [0] : vector<2048x512xi32> to vector<512xi32>
    %broadcast_in_dim3A_660 = vector.shape_cast %reduce_min3A_659 : vector<512xi32> to vector<1x512xi32>
    %and3A_661 = arith.constant 2047 : i32
    %and3A_662 = vector.broadcast %and3A_661 : i32 to vector<1x512xi32>
    %and3A_663 = arith.andi %broadcast_in_dim3A_660, %and3A_662 : vector<1x512xi32>
    %not3A_664 = arith.constant 2047 : i32
    %not3A_665 = arith.constant -1 : i32
    %not3A_666 = arith.xori %not3A_664, %not3A_665 : i32
    %and3A_667 = vector.broadcast %not3A_666 : i32 to vector<1x512xi32>
    %and3A_668 = arith.andi %broadcast_in_dim3A_660, %and3A_667 : vector<1x512xi32>
    %bitcast_convert_type3A_669 = tpu.bitcast %and3A_668 : vector<1x512xi32> -> vector<1x512xf32>
    %mul3A_670 = arith.constant -1.000000e+01 : f32
    %mul3A_671 = vector.broadcast %mul3A_670 : f32 to vector<1x512xf32>
    %mul3A_672 = arith.mulf %mul3A_671, %bitcast_convert_type3A_669 : vector<1x512xf32>
    %exp3A_673 = math.exp %mul3A_672 : vector<1x512xf32>
    %squeeze3A_674 = vector.shape_cast %and3A_663 : vector<1x512xi32> to vector<512xi32>
    %swap3A_675 = arith.constant 0 : index
    %swap3A_676 = arith.constant 15 : index
    %swap3A_677 = arith.constant 0 : index
    %swap3A_678 = vector.load %arg9[%swap3A_675, %swap3A_676, %swap3A_677] : memref<1x64x512xi32, #tpu.memory_space<vmem>>, vector<1x1x512xi32>
    %swap3A_679 = vector.shape_cast %swap3A_678 : vector<1x1x512xi32> to vector<512xi32>
    %swap3A_680 = vector.shape_cast %squeeze3A_674 : vector<512xi32> to vector<1x1x512xi32>
    tpu.vector_store %arg9[%swap3A_675, %swap3A_676, %swap3A_677], %swap3A_680 {strides = array<i32>} : memref<1x64x512xi32, #tpu.memory_space<vmem>>, vector<1x1x512xi32>,
    %squeeze3A_681 = vector.shape_cast %exp3A_673 : vector<1x512xf32> to vector<512xf32>
    %swap3A_682 = arith.constant 0 : index
    %swap3A_683 = arith.constant 15 : index
    %swap3A_684 = arith.constant 0 : index
    %swap3A_685 = vector.load %arg10[%swap3A_682, %swap3A_683, %swap3A_684] : memref<1x64x512xf32, #tpu.memory_space<vmem>>, vector<1x1x512xf32>
    %swap3A_686 = vector.shape_cast %swap3A_685 : vector<1x1x512xf32> to vector<512xf32>
    %swap3A_687 = vector.shape_cast %squeeze3A_681 : vector<512xf32> to vector<1x1x512xf32>
    tpu.vector_store %arg10[%swap3A_682, %swap3A_683, %swap3A_684], %swap3A_687 {strides = array<i32>} : memref<1x64x512xf32, #tpu.memory_space<vmem>>, vector<1x1x512xf32>,
    %gt3A_688 = vector.broadcast %broadcast_in_dim3A_660 : vector<1x512xi32> to vector<2048x512xi32>
    %gt3A_689 = arith.cmpi sgt, %or3A, %gt3A_688 : vector<2048x512xi32>
    %jit3A_690 = arith.constant 2147483647 : i32
    %broadcast_in_dim3A_691 = vector.broadcast %jit3A_690 : i32 to vector<2048x512xi32>
    %select_n3A_692 = arith.select %gt3A_689, %or3A, %broadcast_in_dim3A_691 : vector<2048x512xi1>, vector<2048x512xi32>
    %reduce_min3A_693 = arith.constant dense<2147483647> : vector<512xi32>
    %reduce_min3A_694 = vector.multi_reduction <minsi>, %select_n3A_692, %reduce_min3A_693 [0] : vector<2048x512xi32> to vector<512xi32>
    %broadcast_in_dim3A_695 = vector.shape_cast %reduce_min3A_694 : vector<512xi32> to vector<1x512xi32>
    %and3A_696 = arith.constant 2047 : i32
    %and3A_697 = vector.broadcast %and3A_696 : i32 to vector<1x512xi32>
    %and3A_698 = arith.andi %broadcast_in_dim3A_695, %and3A_697 : vector<1x512xi32>
    %not3A_699 = arith.constant 2047 : i32
    %not3A_700 = arith.constant -1 : i32
    %not3A_701 = arith.xori %not3A_699, %not3A_700 : i32
    %and3A_702 = vector.broadcast %not3A_701 : i32 to vector<1x512xi32>
    %and3A_703 = arith.andi %broadcast_in_dim3A_695, %and3A_702 : vector<1x512xi32>
    %bitcast_convert_type3A_704 = tpu.bitcast %and3A_703 : vector<1x512xi32> -> vector<1x512xf32>
    %mul3A_705 = arith.constant -1.000000e+01 : f32
    %mul3A_706 = vector.broadcast %mul3A_705 : f32 to vector<1x512xf32>
    %mul3A_707 = arith.mulf %mul3A_706, %bitcast_convert_type3A_704 : vector<1x512xf32>
    %exp3A_708 = math.exp %mul3A_707 : vector<1x512xf32>
    %squeeze3A_709 = vector.shape_cast %and3A_698 : vector<1x512xi32> to vector<512xi32>
    %swap3A_710 = arith.constant 0 : index
    %swap3A_711 = arith.constant 16 : index
    %swap3A_712 = arith.constant 0 : index
    %swap3A_713 = vector.load %arg9[%swap3A_710, %swap3A_711, %swap3A_712] : memref<1x64x512xi32, #tpu.memory_space<vmem>>, vector<1x1x512xi32>
    %swap3A_714 = vector.shape_cast %swap3A_713 : vector<1x1x512xi32> to vector<512xi32>
    %swap3A_715 = vector.shape_cast %squeeze3A_709 : vector<512xi32> to vector<1x1x512xi32>
    tpu.vector_store %arg9[%swap3A_710, %swap3A_711, %swap3A_712], %swap3A_715 {strides = array<i32>} : memref<1x64x512xi32, #tpu.memory_space<vmem>>, vector<1x1x512xi32>,
    %squeeze3A_716 = vector.shape_cast %exp3A_708 : vector<1x512xf32> to vector<512xf32>
    %swap3A_717 = arith.constant 0 : index
    %swap3A_718 = arith.constant 16 : index
    %swap3A_719 = arith.constant 0 : index
    %swap3A_720 = vector.load %arg10[%swap3A_717, %swap3A_718, %swap3A_719] : memref<1x64x512xf32, #tpu.memory_space<vmem>>, vector<1x1x512xf32>
    %swap3A_721 = vector.shape_cast %swap3A_720 : vector<1x1x512xf32> to vector<512xf32>
    %swap3A_722 = vector.shape_cast %squeeze3A_716 : vector<512xf32> to vector<1x1x512xf32>
    tpu.vector_store %arg10[%swap3A_717, %swap3A_718, %swap3A_719], %swap3A_722 {strides = array<i32>} : memref<1x64x512xf32, #tpu.memory_space<vmem>>, vector<1x1x512xf32>,
    %gt3A_723 = vector.broadcast %broadcast_in_dim3A_695 : vector<1x512xi32> to vector<2048x512xi32>
    %gt3A_724 = arith.cmpi sgt, %or3A, %gt3A_723 : vector<2048x512xi32>
    %jit3A_725 = arith.constant 2147483647 : i32
    %broadcast_in_dim3A_726 = vector.broadcast %jit3A_725 : i32 to vector<2048x512xi32>
    %select_n3A_727 = arith.select %gt3A_724, %or3A, %broadcast_in_dim3A_726 : vector<2048x512xi1>, vector<2048x512xi32>
    %reduce_min3A_728 = arith.constant dense<2147483647> : vector<512xi32>
    %reduce_min3A_729 = vector.multi_reduction <minsi>, %select_n3A_727, %reduce_min3A_728 [0] : vector<2048x512xi32> to vector<512xi32>
    %broadcast_in_dim3A_730 = vector.shape_cast %reduce_min3A_729 : vector<512xi32> to vector<1x512xi32>
    %and3A_731 = arith.constant 2047 : i32
    %and3A_732 = vector.broadcast %and3A_731 : i32 to vector<1x512xi32>
    %and3A_733 = arith.andi %broadcast_in_dim3A_730, %and3A_732 : vector<1x512xi32>
    %not3A_734 = arith.constant 2047 : i32
    %not3A_735 = arith.constant -1 : i32
    %not3A_736 = arith.xori %not3A_734, %not3A_735 : i32
    %and3A_737 = vector.broadcast %not3A_736 : i32 to vector<1x512xi32>
    %and3A_738 = arith.andi %broadcast_in_dim3A_730, %and3A_737 : vector<1x512xi32>
    %bitcast_convert_type3A_739 = tpu.bitcast %and3A_738 : vector<1x512xi32> -> vector<1x512xf32>
    %mul3A_740 = arith.constant -1.000000e+01 : f32
    %mul3A_741 = vector.broadcast %mul3A_740 : f32 to vector<1x512xf32>
    %mul3A_742 = arith.mulf %mul3A_741, %bitcast_convert_type3A_739 : vector<1x512xf32>
    %exp3A_743 = math.exp %mul3A_742 : vector<1x512xf32>
    %squeeze3A_744 = vector.shape_cast %and3A_733 : vector<1x512xi32> to vector<512xi32>
    %swap3A_745 = arith.constant 0 : index
    %swap3A_746 = arith.constant 17 : index
    %swap3A_747 = arith.constant 0 : index
    %swap3A_748 = vector.load %arg9[%swap3A_745, %swap3A_746, %swap3A_747] : memref<1x64x512xi32, #tpu.memory_space<vmem>>, vector<1x1x512xi32>
    %swap3A_749 = vector.shape_cast %swap3A_748 : vector<1x1x512xi32> to vector<512xi32>
    %swap3A_750 = vector.shape_cast %squeeze3A_744 : vector<512xi32> to vector<1x1x512xi32>
    tpu.vector_store %arg9[%swap3A_745, %swap3A_746, %swap3A_747], %swap3A_750 {strides = array<i32>} : memref<1x64x512xi32, #tpu.memory_space<vmem>>, vector<1x1x512xi32>,
    %squeeze3A_751 = vector.shape_cast %exp3A_743 : vector<1x512xf32> to vector<512xf32>
    %swap3A_752 = arith.constant 0 : index
    %swap3A_753 = arith.constant 17 : index
    %swap3A_754 = arith.constant 0 : index
    %swap3A_755 = vector.load %arg10[%swap3A_752, %swap3A_753, %swap3A_754] : memref<1x64x512xf32, #tpu.memory_space<vmem>>, vector<1x1x512xf32>
    %swap3A_756 = vector.shape_cast %swap3A_755 : vector<1x1x512xf32> to vector<512xf32>
    %swap3A_757 = vector.shape_cast %squeeze3A_751 : vector<512xf32> to vector<1x1x512xf32>
    tpu.vector_store %arg10[%swap3A_752, %swap3A_753, %swap3A_754], %swap3A_757 {strides = array<i32>} : memref<1x64x512xf32, #tpu.memory_space<vmem>>, vector<1x1x512xf32>,
    %gt3A_758 = vector.broadcast %broadcast_in_dim3A_730 : vector<1x512xi32> to vector<2048x512xi32>
    %gt3A_759 = arith.cmpi sgt, %or3A, %gt3A_758 : vector<2048x512xi32>
    %jit3A_760 = arith.constant 2147483647 : i32
    %broadcast_in_dim3A_761 = vector.broadcast %jit3A_760 : i32 to vector<2048x512xi32>
    %select_n3A_762 = arith.select %gt3A_759, %or3A, %broadcast_in_dim3A_761 : vector<2048x512xi1>, vector<2048x512xi32>
    %reduce_min3A_763 = arith.constant dense<2147483647> : vector<512xi32>
    %reduce_min3A_764 = vector.multi_reduction <minsi>, %select_n3A_762, %reduce_min3A_763 [0] : vector<2048x512xi32> to vector<512xi32>
    %broadcast_in_dim3A_765 = vector.shape_cast %reduce_min3A_764 : vector<512xi32> to vector<1x512xi32>
    %and3A_766 = arith.constant 2047 : i32
    %and3A_767 = vector.broadcast %and3A_766 : i32 to vector<1x512xi32>
    %and3A_768 = arith.andi %broadcast_in_dim3A_765, %and3A_767 : vector<1x512xi32>
    %not3A_769 = arith.constant 2047 : i32
    %not3A_770 = arith.constant -1 : i32
    %not3A_771 = arith.xori %not3A_769, %not3A_770 : i32
    %and3A_772 = vector.broadcast %not3A_771 : i32 to vector<1x512xi32>
    %and3A_773 = arith.andi %broadcast_in_dim3A_765, %and3A_772 : vector<1x512xi32>
    %bitcast_convert_type3A_774 = tpu.bitcast %and3A_773 : vector<1x512xi32> -> vector<1x512xf32>
    %mul3A_775 = arith.constant -1.000000e+01 : f32
    %mul3A_776 = vector.broadcast %mul3A_775 : f32 to vector<1x512xf32>
    %mul3A_777 = arith.mulf %mul3A_776, %bitcast_convert_type3A_774 : vector<1x512xf32>
    %exp3A_778 = math.exp %mul3A_777 : vector<1x512xf32>
    %squeeze3A_779 = vector.shape_cast %and3A_768 : vector<1x512xi32> to vector<512xi32>
    %swap3A_780 = arith.constant 0 : index
    %swap3A_781 = arith.constant 18 : index
    %swap3A_782 = arith.constant 0 : index
    %swap3A_783 = vector.load %arg9[%swap3A_780, %swap3A_781, %swap3A_782] : memref<1x64x512xi32, #tpu.memory_space<vmem>>, vector<1x1x512xi32>
    %swap3A_784 = vector.shape_cast %swap3A_783 : vector<1x1x512xi32> to vector<512xi32>
    %swap3A_785 = vector.shape_cast %squeeze3A_779 : vector<512xi32> to vector<1x1x512xi32>
    tpu.vector_store %arg9[%swap3A_780, %swap3A_781, %swap3A_782], %swap3A_785 {strides = array<i32>} : memref<1x64x512xi32, #tpu.memory_space<vmem>>, vector<1x1x512xi32>,
    %squeeze3A_786 = vector.shape_cast %exp3A_778 : vector<1x512xf32> to vector<512xf32>
    %swap3A_787 = arith.constant 0 : index
    %swap3A_788 = arith.constant 18 : index
    %swap3A_789 = arith.constant 0 : index
    %swap3A_790 = vector.load %arg10[%swap3A_787, %swap3A_788, %swap3A_789] : memref<1x64x512xf32, #tpu.memory_space<vmem>>, vector<1x1x512xf32>
    %swap3A_791 = vector.shape_cast %swap3A_790 : vector<1x1x512xf32> to vector<512xf32>
    %swap3A_792 = vector.shape_cast %squeeze3A_786 : vector<512xf32> to vector<1x1x512xf32>
    tpu.vector_store %arg10[%swap3A_787, %swap3A_788, %swap3A_789], %swap3A_792 {strides = array<i32>} : memref<1x64x512xf32, #tpu.memory_space<vmem>>, vector<1x1x512xf32>,
    %gt3A_793 = vector.broadcast %broadcast_in_dim3A_765 : vector<1x512xi32> to vector<2048x512xi32>
    %gt3A_794 = arith.cmpi sgt, %or3A, %gt3A_793 : vector<2048x512xi32>
    %jit3A_795 = arith.constant 2147483647 : i32
    %broadcast_in_dim3A_796 = vector.broadcast %jit3A_795 : i32 to vector<2048x512xi32>
    %select_n3A_797 = arith.select %gt3A_794, %or3A, %broadcast_in_dim3A_796 : vector<2048x512xi1>, vector<2048x512xi32>
    %reduce_min3A_798 = arith.constant dense<2147483647> : vector<512xi32>
    %reduce_min3A_799 = vector.multi_reduction <minsi>, %select_n3A_797, %reduce_min3A_798 [0] : vector<2048x512xi32> to vector<512xi32>
    %broadcast_in_dim3A_800 = vector.shape_cast %reduce_min3A_799 : vector<512xi32> to vector<1x512xi32>
    %and3A_801 = arith.constant 2047 : i32
    %and3A_802 = vector.broadcast %and3A_801 : i32 to vector<1x512xi32>
    %and3A_803 = arith.andi %broadcast_in_dim3A_800, %and3A_802 : vector<1x512xi32>
    %not3A_804 = arith.constant 2047 : i32
    %not3A_805 = arith.constant -1 : i32
    %not3A_806 = arith.xori %not3A_804, %not3A_805 : i32
    %and3A_807 = vector.broadcast %not3A_806 : i32 to vector<1x512xi32>
    %and3A_808 = arith.andi %broadcast_in_dim3A_800, %and3A_807 : vector<1x512xi32>
    %bitcast_convert_type3A_809 = tpu.bitcast %and3A_808 : vector<1x512xi32> -> vector<1x512xf32>
    %mul3A_810 = arith.constant -1.000000e+01 : f32
    %mul3A_811 = vector.broadcast %mul3A_810 : f32 to vector<1x512xf32>
    %mul3A_812 = arith.mulf %mul3A_811, %bitcast_convert_type3A_809 : vector<1x512xf32>
    %exp3A_813 = math.exp %mul3A_812 : vector<1x512xf32>
    %squeeze3A_814 = vector.shape_cast %and3A_803 : vector<1x512xi32> to vector<512xi32>
    %swap3A_815 = arith.constant 0 : index
    %swap3A_816 = arith.constant 19 : index
    %swap3A_817 = arith.constant 0 : index
    %swap3A_818 = vector.load %arg9[%swap3A_815, %swap3A_816, %swap3A_817] : memref<1x64x512xi32, #tpu.memory_space<vmem>>, vector<1x1x512xi32>
    %swap3A_819 = vector.shape_cast %swap3A_818 : vector<1x1x512xi32> to vector<512xi32>
    %swap3A_820 = vector.shape_cast %squeeze3A_814 : vector<512xi32> to vector<1x1x512xi32>
    tpu.vector_store %arg9[%swap3A_815, %swap3A_816, %swap3A_817], %swap3A_820 {strides = array<i32>} : memref<1x64x512xi32, #tpu.memory_space<vmem>>, vector<1x1x512xi32>,
    %squeeze3A_821 = vector.shape_cast %exp3A_813 : vector<1x512xf32> to vector<512xf32>
    %swap3A_822 = arith.constant 0 : index
    %swap3A_823 = arith.constant 19 : index
    %swap3A_824 = arith.constant 0 : index
    %swap3A_825 = vector.load %arg10[%swap3A_822, %swap3A_823, %swap3A_824] : memref<1x64x512xf32, #tpu.memory_space<vmem>>, vector<1x1x512xf32>
    %swap3A_826 = vector.shape_cast %swap3A_825 : vector<1x1x512xf32> to vector<512xf32>
    %swap3A_827 = vector.shape_cast %squeeze3A_821 : vector<512xf32> to vector<1x1x512xf32>
    tpu.vector_store %arg10[%swap3A_822, %swap3A_823, %swap3A_824], %swap3A_827 {strides = array<i32>} : memref<1x64x512xf32, #tpu.memory_space<vmem>>, vector<1x1x512xf32>,
    %gt3A_828 = vector.broadcast %broadcast_in_dim3A_800 : vector<1x512xi32> to vector<2048x512xi32>
    %gt3A_829 = arith.cmpi sgt, %or3A, %gt3A_828 : vector<2048x512xi32>
    %jit3A_830 = arith.constant 2147483647 : i32
    %broadcast_in_dim3A_831 = vector.broadcast %jit3A_830 : i32 to vector<2048x512xi32>
    %select_n3A_832 = arith.select %gt3A_829, %or3A, %broadcast_in_dim3A_831 : vector<2048x512xi1>, vector<2048x512xi32>
    %reduce_min3A_833 = arith.constant dense<2147483647> : vector<512xi32>
    %reduce_min3A_834 = vector.multi_reduction <minsi>, %select_n3A_832, %reduce_min3A_833 [0] : vector<2048x512xi32> to vector<512xi32>
    %broadcast_in_dim3A_835 = vector.shape_cast %reduce_min3A_834 : vector<512xi32> to vector<1x512xi32>
    %and3A_836 = arith.constant 2047 : i32
    %and3A_837 = vector.broadcast %and3A_836 : i32 to vector<1x512xi32>
    %and3A_838 = arith.andi %broadcast_in_dim3A_835, %and3A_837 : vector<1x512xi32>
    %not3A_839 = arith.constant 2047 : i32
    %not3A_840 = arith.constant -1 : i32
    %not3A_841 = arith.xori %not3A_839, %not3A_840 : i32
    %and3A_842 = vector.broadcast %not3A_841 : i32 to vector<1x512xi32>
    %and3A_843 = arith.andi %broadcast_in_dim3A_835, %and3A_842 : vector<1x512xi32>
    %bitcast_convert_type3A_844 = tpu.bitcast %and3A_843 : vector<1x512xi32> -> vector<1x512xf32>
    %mul3A_845 = arith.constant -1.000000e+01 : f32
    %mul3A_846 = vector.broadcast %mul3A_845 : f32 to vector<1x512xf32>
    %mul3A_847 = arith.mulf %mul3A_846, %bitcast_convert_type3A_844 : vector<1x512xf32>
    %exp3A_848 = math.exp %mul3A_847 : vector<1x512xf32>
    %squeeze3A_849 = vector.shape_cast %and3A_838 : vector<1x512xi32> to vector<512xi32>
    %swap3A_850 = arith.constant 0 : index
    %swap3A_851 = arith.constant 20 : index
    %swap3A_852 = arith.constant 0 : index
    %swap3A_853 = vector.load %arg9[%swap3A_850, %swap3A_851, %swap3A_852] : memref<1x64x512xi32, #tpu.memory_space<vmem>>, vector<1x1x512xi32>
    %swap3A_854 = vector.shape_cast %swap3A_853 : vector<1x1x512xi32> to vector<512xi32>
    %swap3A_855 = vector.shape_cast %squeeze3A_849 : vector<512xi32> to vector<1x1x512xi32>
    tpu.vector_store %arg9[%swap3A_850, %swap3A_851, %swap3A_852], %swap3A_855 {strides = array<i32>} : memref<1x64x512xi32, #tpu.memory_space<vmem>>, vector<1x1x512xi32>,
    %squeeze3A_856 = vector.shape_cast %exp3A_848 : vector<1x512xf32> to vector<512xf32>
    %swap3A_857 = arith.constant 0 : index
    %swap3A_858 = arith.constant 20 : index
    %swap3A_859 = arith.constant 0 : index
    %swap3A_860 = vector.load %arg10[%swap3A_857, %swap3A_858, %swap3A_859] : memref<1x64x512xf32, #tpu.memory_space<vmem>>, vector<1x1x512xf32>
    %swap3A_861 = vector.shape_cast %swap3A_860 : vector<1x1x512xf32> to vector<512xf32>
    %swap3A_862 = vector.shape_cast %squeeze3A_856 : vector<512xf32> to vector<1x1x512xf32>
    tpu.vector_store %arg10[%swap3A_857, %swap3A_858, %swap3A_859], %swap3A_862 {strides = array<i32>} : memref<1x64x512xf32, #tpu.memory_space<vmem>>, vector<1x1x512xf32>,
    %gt3A_863 = vector.broadcast %broadcast_in_dim3A_835 : vector<1x512xi32> to vector<2048x512xi32>
    %gt3A_864 = arith.cmpi sgt, %or3A, %gt3A_863 : vector<2048x512xi32>
    %jit3A_865 = arith.constant 2147483647 : i32
    %broadcast_in_dim3A_866 = vector.broadcast %jit3A_865 : i32 to vector<2048x512xi32>
    %select_n3A_867 = arith.select %gt3A_864, %or3A, %broadcast_in_dim3A_866 : vector<2048x512xi1>, vector<2048x512xi32>
    %reduce_min3A_868 = arith.constant dense<2147483647> : vector<512xi32>
    %reduce_min3A_869 = vector.multi_reduction <minsi>, %select_n3A_867, %reduce_min3A_868 [0] : vector<2048x512xi32> to vector<512xi32>
    %broadcast_in_dim3A_870 = vector.shape_cast %reduce_min3A_869 : vector<512xi32> to vector<1x512xi32>
    %and3A_871 = arith.constant 2047 : i32
    %and3A_872 = vector.broadcast %and3A_871 : i32 to vector<1x512xi32>
    %and3A_873 = arith.andi %broadcast_in_dim3A_870, %and3A_872 : vector<1x512xi32>
    %not3A_874 = arith.constant 2047 : i32
    %not3A_875 = arith.constant -1 : i32
    %not3A_876 = arith.xori %not3A_874, %not3A_875 : i32
    %and3A_877 = vector.broadcast %not3A_876 : i32 to vector<1x512xi32>
    %and3A_878 = arith.andi %broadcast_in_dim3A_870, %and3A_877 : vector<1x512xi32>
    %bitcast_convert_type3A_879 = tpu.bitcast %and3A_878 : vector<1x512xi32> -> vector<1x512xf32>
    %mul3A_880 = arith.constant -1.000000e+01 : f32
    %mul3A_881 = vector.broadcast %mul3A_880 : f32 to vector<1x512xf32>
    %mul3A_882 = arith.mulf %mul3A_881, %bitcast_convert_type3A_879 : vector<1x512xf32>
    %exp3A_883 = math.exp %mul3A_882 : vector<1x512xf32>
    %squeeze3A_884 = vector.shape_cast %and3A_873 : vector<1x512xi32> to vector<512xi32>
    %swap3A_885 = arith.constant 0 : index
    %swap3A_886 = arith.constant 21 : index
    %swap3A_887 = arith.constant 0 : index
    %swap3A_888 = vector.load %arg9[%swap3A_885, %swap3A_886, %swap3A_887] : memref<1x64x512xi32, #tpu.memory_space<vmem>>, vector<1x1x512xi32>
    %swap3A_889 = vector.shape_cast %swap3A_888 : vector<1x1x512xi32> to vector<512xi32>
    %swap3A_890 = vector.shape_cast %squeeze3A_884 : vector<512xi32> to vector<1x1x512xi32>
    tpu.vector_store %arg9[%swap3A_885, %swap3A_886, %swap3A_887], %swap3A_890 {strides = array<i32>} : memref<1x64x512xi32, #tpu.memory_space<vmem>>, vector<1x1x512xi32>,
    %squeeze3A_891 = vector.shape_cast %exp3A_883 : vector<1x512xf32> to vector<512xf32>
    %swap3A_892 = arith.constant 0 : index
    %swap3A_893 = arith.constant 21 : index
    %swap3A_894 = arith.constant 0 : index
    %swap3A_895 = vector.load %arg10[%swap3A_892, %swap3A_893, %swap3A_894] : memref<1x64x512xf32, #tpu.memory_space<vmem>>, vector<1x1x512xf32>
    %swap3A_896 = vector.shape_cast %swap3A_895 : vector<1x1x512xf32> to vector<512xf32>
    %swap3A_897 = vector.shape_cast %squeeze3A_891 : vector<512xf32> to vector<1x1x512xf32>
    tpu.vector_store %arg10[%swap3A_892, %swap3A_893, %swap3A_894], %swap3A_897 {strides = array<i32>} : memref<1x64x512xf32, #tpu.memory_space<vmem>>, vector<1x1x512xf32>,
    %gt3A_898 = vector.broadcast %broadcast_in_dim3A_870 : vector<1x512xi32> to vector<2048x512xi32>
    %gt3A_899 = arith.cmpi sgt, %or3A, %gt3A_898 : vector<2048x512xi32>
    %jit3A_900 = arith.constant 2147483647 : i32
    %broadcast_in_dim3A_901 = vector.broadcast %jit3A_900 : i32 to vector<2048x512xi32>
    %select_n3A_902 = arith.select %gt3A_899, %or3A, %broadcast_in_dim3A_901 : vector<2048x512xi1>, vector<2048x512xi32>
    %reduce_min3A_903 = arith.constant dense<2147483647> : vector<512xi32>
    %reduce_min3A_904 = vector.multi_reduction <minsi>, %select_n3A_902, %reduce_min3A_903 [0] : vector<2048x512xi32> to vector<512xi32>
    %broadcast_in_dim3A_905 = vector.shape_cast %reduce_min3A_904 : vector<512xi32> to vector<1x512xi32>
    %and3A_906 = arith.constant 2047 : i32
    %and3A_907 = vector.broadcast %and3A_906 : i32 to vector<1x512xi32>
    %and3A_908 = arith.andi %broadcast_in_dim3A_905, %and3A_907 : vector<1x512xi32>
    %not3A_909 = arith.constant 2047 : i32
    %not3A_910 = arith.constant -1 : i32
    %not3A_911 = arith.xori %not3A_909, %not3A_910 : i32
    %and3A_912 = vector.broadcast %not3A_911 : i32 to vector<1x512xi32>
    %and3A_913 = arith.andi %broadcast_in_dim3A_905, %and3A_912 : vector<1x512xi32>
    %bitcast_convert_type3A_914 = tpu.bitcast %and3A_913 : vector<1x512xi32> -> vector<1x512xf32>
    %mul3A_915 = arith.constant -1.000000e+01 : f32
    %mul3A_916 = vector.broadcast %mul3A_915 : f32 to vector<1x512xf32>
    %mul3A_917 = arith.mulf %mul3A_916, %bitcast_convert_type3A_914 : vector<1x512xf32>
    %exp3A_918 = math.exp %mul3A_917 : vector<1x512xf32>
    %squeeze3A_919 = vector.shape_cast %and3A_908 : vector<1x512xi32> to vector<512xi32>
    %swap3A_920 = arith.constant 0 : index
    %swap3A_921 = arith.constant 22 : index
    %swap3A_922 = arith.constant 0 : index
    %swap3A_923 = vector.load %arg9[%swap3A_920, %swap3A_921, %swap3A_922] : memref<1x64x512xi32, #tpu.memory_space<vmem>>, vector<1x1x512xi32>
    %swap3A_924 = vector.shape_cast %swap3A_923 : vector<1x1x512xi32> to vector<512xi32>
    %swap3A_925 = vector.shape_cast %squeeze3A_919 : vector<512xi32> to vector<1x1x512xi32>
    tpu.vector_store %arg9[%swap3A_920, %swap3A_921, %swap3A_922], %swap3A_925 {strides = array<i32>} : memref<1x64x512xi32, #tpu.memory_space<vmem>>, vector<1x1x512xi32>,
    %squeeze3A_926 = vector.shape_cast %exp3A_918 : vector<1x512xf32> to vector<512xf32>
    %swap3A_927 = arith.constant 0 : index
    %swap3A_928 = arith.constant 22 : index
    %swap3A_929 = arith.constant 0 : index
    %swap3A_930 = vector.load %arg10[%swap3A_927, %swap3A_928, %swap3A_929] : memref<1x64x512xf32, #tpu.memory_space<vmem>>, vector<1x1x512xf32>
    %swap3A_931 = vector.shape_cast %swap3A_930 : vector<1x1x512xf32> to vector<512xf32>
    %swap3A_932 = vector.shape_cast %squeeze3A_926 : vector<512xf32> to vector<1x1x512xf32>
    tpu.vector_store %arg10[%swap3A_927, %swap3A_928, %swap3A_929], %swap3A_932 {strides = array<i32>} : memref<1x64x512xf32, #tpu.memory_space<vmem>>, vector<1x1x512xf32>,
    %gt3A_933 = vector.broadcast %broadcast_in_dim3A_905 : vector<1x512xi32> to vector<2048x512xi32>
    %gt3A_934 = arith.cmpi sgt, %or3A, %gt3A_933 : vector<2048x512xi32>
    %jit3A_935 = arith.constant 2147483647 : i32
    %broadcast_in_dim3A_936 = vector.broadcast %jit3A_935 : i32 to vector<2048x512xi32>
    %select_n3A_937 = arith.select %gt3A_934, %or3A, %broadcast_in_dim3A_936 : vector<2048x512xi1>, vector<2048x512xi32>
    %reduce_min3A_938 = arith.constant dense<2147483647> : vector<512xi32>
    %reduce_min3A_939 = vector.multi_reduction <minsi>, %select_n3A_937, %reduce_min3A_938 [0] : vector<2048x512xi32> to vector<512xi32>
    %broadcast_in_dim3A_940 = vector.shape_cast %reduce_min3A_939 : vector<512xi32> to vector<1x512xi32>
    %and3A_941 = arith.constant 2047 : i32
    %and3A_942 = vector.broadcast %and3A_941 : i32 to vector<1x512xi32>
    %and3A_943 = arith.andi %broadcast_in_dim3A_940, %and3A_942 : vector<1x512xi32>
    %not3A_944 = arith.constant 2047 : i32
    %not3A_945 = arith.constant -1 : i32
    %not3A_946 = arith.xori %not3A_944, %not3A_945 : i32
    %and3A_947 = vector.broadcast %not3A_946 : i32 to vector<1x512xi32>
    %and3A_948 = arith.andi %broadcast_in_dim3A_940, %and3A_947 : vector<1x512xi32>
    %bitcast_convert_type3A_949 = tpu.bitcast %and3A_948 : vector<1x512xi32> -> vector<1x512xf32>
    %mul3A_950 = arith.constant -1.000000e+01 : f32
    %mul3A_951 = vector.broadcast %mul3A_950 : f32 to vector<1x512xf32>
    %mul3A_952 = arith.mulf %mul3A_951, %bitcast_convert_type3A_949 : vector<1x512xf32>
    %exp3A_953 = math.exp %mul3A_952 : vector<1x512xf32>
    %squeeze3A_954 = vector.shape_cast %and3A_943 : vector<1x512xi32> to vector<512xi32>
    %swap3A_955 = arith.constant 0 : index
    %swap3A_956 = arith.constant 23 : index
    %swap3A_957 = arith.constant 0 : index
    %swap3A_958 = vector.load %arg9[%swap3A_955, %swap3A_956, %swap3A_957] : memref<1x64x512xi32, #tpu.memory_space<vmem>>, vector<1x1x512xi32>
    %swap3A_959 = vector.shape_cast %swap3A_958 : vector<1x1x512xi32> to vector<512xi32>
    %swap3A_960 = vector.shape_cast %squeeze3A_954 : vector<512xi32> to vector<1x1x512xi32>
    tpu.vector_store %arg9[%swap3A_955, %swap3A_956, %swap3A_957], %swap3A_960 {strides = array<i32>} : memref<1x64x512xi32, #tpu.memory_space<vmem>>, vector<1x1x512xi32>,
    %squeeze3A_961 = vector.shape_cast %exp3A_953 : vector<1x512xf32> to vector<512xf32>
    %swap3A_962 = arith.constant 0 : index
    %swap3A_963 = arith.constant 23 : index
    %swap3A_964 = arith.constant 0 : index
    %swap3A_965 = vector.load %arg10[%swap3A_962, %swap3A_963, %swap3A_964] : memref<1x64x512xf32, #tpu.memory_space<vmem>>, vector<1x1x512xf32>
    %swap3A_966 = vector.shape_cast %swap3A_965 : vector<1x1x512xf32> to vector<512xf32>
    %swap3A_967 = vector.shape_cast %squeeze3A_961 : vector<512xf32> to vector<1x1x512xf32>
    tpu.vector_store %arg10[%swap3A_962, %swap3A_963, %swap3A_964], %swap3A_967 {strides = array<i32>} : memref<1x64x512xf32, #tpu.memory_space<vmem>>, vector<1x1x512xf32>,
    %gt3A_968 = vector.broadcast %broadcast_in_dim3A_940 : vector<1x512xi32> to vector<2048x512xi32>
    %gt3A_969 = arith.cmpi sgt, %or3A, %gt3A_968 : vector<2048x512xi32>
    %jit3A_970 = arith.constant 2147483647 : i32
    %broadcast_in_dim3A_971 = vector.broadcast %jit3A_970 : i32 to vector<2048x512xi32>
    %select_n3A_972 = arith.select %gt3A_969, %or3A, %broadcast_in_dim3A_971 : vector<2048x512xi1>, vector<2048x512xi32>
    %reduce_min3A_973 = arith.constant dense<2147483647> : vector<512xi32>
    %reduce_min3A_974 = vector.multi_reduction <minsi>, %select_n3A_972, %reduce_min3A_973 [0] : vector<2048x512xi32> to vector<512xi32>
    %broadcast_in_dim3A_975 = vector.shape_cast %reduce_min3A_974 : vector<512xi32> to vector<1x512xi32>
    %and3A_976 = arith.constant 2047 : i32
    %and3A_977 = vector.broadcast %and3A_976 : i32 to vector<1x512xi32>
    %and3A_978 = arith.andi %broadcast_in_dim3A_975, %and3A_977 : vector<1x512xi32>
    %not3A_979 = arith.constant 2047 : i32
    %not3A_980 = arith.constant -1 : i32
    %not3A_981 = arith.xori %not3A_979, %not3A_980 : i32
    %and3A_982 = vector.broadcast %not3A_981 : i32 to vector<1x512xi32>
    %and3A_983 = arith.andi %broadcast_in_dim3A_975, %and3A_982 : vector<1x512xi32>
    %bitcast_convert_type3A_984 = tpu.bitcast %and3A_983 : vector<1x512xi32> -> vector<1x512xf32>
    %mul3A_985 = arith.constant -1.000000e+01 : f32
    %mul3A_986 = vector.broadcast %mul3A_985 : f32 to vector<1x512xf32>
    %mul3A_987 = arith.mulf %mul3A_986, %bitcast_convert_type3A_984 : vector<1x512xf32>
    %exp3A_988 = math.exp %mul3A_987 : vector<1x512xf32>
    %squeeze3A_989 = vector.shape_cast %and3A_978 : vector<1x512xi32> to vector<512xi32>
    %swap3A_990 = arith.constant 0 : index
    %swap3A_991 = arith.constant 24 : index
    %swap3A_992 = arith.constant 0 : index
    %swap3A_993 = vector.load %arg9[%swap3A_990, %swap3A_991, %swap3A_992] : memref<1x64x512xi32, #tpu.memory_space<vmem>>, vector<1x1x512xi32>
    %swap3A_994 = vector.shape_cast %swap3A_993 : vector<1x1x512xi32> to vector<512xi32>
    %swap3A_995 = vector.shape_cast %squeeze3A_989 : vector<512xi32> to vector<1x1x512xi32>
    tpu.vector_store %arg9[%swap3A_990, %swap3A_991, %swap3A_992], %swap3A_995 {strides = array<i32>} : memref<1x64x512xi32, #tpu.memory_space<vmem>>, vector<1x1x512xi32>,
    %squeeze3A_996 = vector.shape_cast %exp3A_988 : vector<1x512xf32> to vector<512xf32>
    %swap3A_997 = arith.constant 0 : index
    %swap3A_998 = arith.constant 24 : index
    %swap3A_999 = arith.constant 0 : index
    %swap3A_1000 = vector.load %arg10[%swap3A_997, %swap3A_998, %swap3A_999] : memref<1x64x512xf32, #tpu.memory_space<vmem>>, vector<1x1x512xf32>
    %swap3A_1001 = vector.shape_cast %swap3A_1000 : vector<1x1x512xf32> to vector<512xf32>
    %swap3A_1002 = vector.shape_cast %squeeze3A_996 : vector<512xf32> to vector<1x1x512xf32>
    tpu.vector_store %arg10[%swap3A_997, %swap3A_998, %swap3A_999], %swap3A_1002 {strides = array<i32>} : memref<1x64x512xf32, #tpu.memory_space<vmem>>, vector<1x1x512xf32>,
    %gt3A_1003 = vector.broadcast %broadcast_in_dim3A_975 : vector<1x512xi32> to vector<2048x512xi32>
    %gt3A_1004 = arith.cmpi sgt, %or3A, %gt3A_1003 : vector<2048x512xi32>
    %jit3A_1005 = arith.constant 2147483647 : i32
    %broadcast_in_dim3A_1006 = vector.broadcast %jit3A_1005 : i32 to vector<2048x512xi32>
    %select_n3A_1007 = arith.select %gt3A_1004, %or3A, %broadcast_in_dim3A_1006 : vector<2048x512xi1>, vector<2048x512xi32>
    %reduce_min3A_1008 = arith.constant dense<2147483647> : vector<512xi32>
    %reduce_min3A_1009 = vector.multi_reduction <minsi>, %select_n3A_1007, %reduce_min3A_1008 [0] : vector<2048x512xi32> to vector<512xi32>
    %broadcast_in_dim3A_1010 = vector.shape_cast %reduce_min3A_1009 : vector<512xi32> to vector<1x512xi32>
    %and3A_1011 = arith.constant 2047 : i32
    %and3A_1012 = vector.broadcast %and3A_1011 : i32 to vector<1x512xi32>
    %and3A_1013 = arith.andi %broadcast_in_dim3A_1010, %and3A_1012 : vector<1x512xi32>
    %not3A_1014 = arith.constant 2047 : i32
    %not3A_1015 = arith.constant -1 : i32
    %not3A_1016 = arith.xori %not3A_1014, %not3A_1015 : i32
    %and3A_1017 = vector.broadcast %not3A_1016 : i32 to vector<1x512xi32>
    %and3A_1018 = arith.andi %broadcast_in_dim3A_1010, %and3A_1017 : vector<1x512xi32>
    %bitcast_convert_type3A_1019 = tpu.bitcast %and3A_1018 : vector<1x512xi32> -> vector<1x512xf32>
    %mul3A_1020 = arith.constant -1.000000e+01 : f32
    %mul3A_1021 = vector.broadcast %mul3A_1020 : f32 to vector<1x512xf32>
    %mul3A_1022 = arith.mulf %mul3A_1021, %bitcast_convert_type3A_1019 : vector<1x512xf32>
    %exp3A_1023 = math.exp %mul3A_1022 : vector<1x512xf32>
    %squeeze3A_1024 = vector.shape_cast %and3A_1013 : vector<1x512xi32> to vector<512xi32>
    %swap3A_1025 = arith.constant 0 : index
    %swap3A_1026 = arith.constant 25 : index
    %swap3A_1027 = arith.constant 0 : index
    %swap3A_1028 = vector.load %arg9[%swap3A_1025, %swap3A_1026, %swap3A_1027] : memref<1x64x512xi32, #tpu.memory_space<vmem>>, vector<1x1x512xi32>
    %swap3A_1029 = vector.shape_cast %swap3A_1028 : vector<1x1x512xi32> to vector<512xi32>
    %swap3A_1030 = vector.shape_cast %squeeze3A_1024 : vector<512xi32> to vector<1x1x512xi32>
    tpu.vector_store %arg9[%swap3A_1025, %swap3A_1026, %swap3A_1027], %swap3A_1030 {strides = array<i32>} : memref<1x64x512xi32, #tpu.memory_space<vmem>>, vector<1x1x512xi32>,
    %squeeze3A_1031 = vector.shape_cast %exp3A_1023 : vector<1x512xf32> to vector<512xf32>
    %swap3A_1032 = arith.constant 0 : index
    %swap3A_1033 = arith.constant 25 : index
    %swap3A_1034 = arith.constant 0 : index
    %swap3A_1035 = vector.load %arg10[%swap3A_1032, %swap3A_1033, %swap3A_1034] : memref<1x64x512xf32, #tpu.memory_space<vmem>>, vector<1x1x512xf32>
    %swap3A_1036 = vector.shape_cast %swap3A_1035 : vector<1x1x512xf32> to vector<512xf32>
    %swap3A_1037 = vector.shape_cast %squeeze3A_1031 : vector<512xf32> to vector<1x1x512xf32>
    tpu.vector_store %arg10[%swap3A_1032, %swap3A_1033, %swap3A_1034], %swap3A_1037 {strides = array<i32>} : memref<1x64x512xf32, #tpu.memory_space<vmem>>, vector<1x1x512xf32>,
    %gt3A_1038 = vector.broadcast %broadcast_in_dim3A_1010 : vector<1x512xi32> to vector<2048x512xi32>
    %gt3A_1039 = arith.cmpi sgt, %or3A, %gt3A_1038 : vector<2048x512xi32>
    %jit3A_1040 = arith.constant 2147483647 : i32
    %broadcast_in_dim3A_1041 = vector.broadcast %jit3A_1040 : i32 to vector<2048x512xi32>
    %select_n3A_1042 = arith.select %gt3A_1039, %or3A, %broadcast_in_dim3A_1041 : vector<2048x512xi1>, vector<2048x512xi32>
    %reduce_min3A_1043 = arith.constant dense<2147483647> : vector<512xi32>
    %reduce_min3A_1044 = vector.multi_reduction <minsi>, %select_n3A_1042, %reduce_min3A_1043 [0] : vector<2048x512xi32> to vector<512xi32>
    %broadcast_in_dim3A_1045 = vector.shape_cast %reduce_min3A_1044 : vector<512xi32> to vector<1x512xi32>
    %and3A_1046 = arith.constant 2047 : i32
    %and3A_1047 = vector.broadcast %and3A_1046 : i32 to vector<1x512xi32>
    %and3A_1048 = arith.andi %broadcast_in_dim3A_1045, %and3A_1047 : vector<1x512xi32>
    %not3A_1049 = arith.constant 2047 : i32
    %not3A_1050 = arith.constant -1 : i32
    %not3A_1051 = arith.xori %not3A_1049, %not3A_1050 : i32
    %and3A_1052 = vector.broadcast %not3A_1051 : i32 to vector<1x512xi32>
    %and3A_1053 = arith.andi %broadcast_in_dim3A_1045, %and3A_1052 : vector<1x512xi32>
    %bitcast_convert_type3A_1054 = tpu.bitcast %and3A_1053 : vector<1x512xi32> -> vector<1x512xf32>
    %mul3A_1055 = arith.constant -1.000000e+01 : f32
    %mul3A_1056 = vector.broadcast %mul3A_1055 : f32 to vector<1x512xf32>
    %mul3A_1057 = arith.mulf %mul3A_1056, %bitcast_convert_type3A_1054 : vector<1x512xf32>
    %exp3A_1058 = math.exp %mul3A_1057 : vector<1x512xf32>
    %squeeze3A_1059 = vector.shape_cast %and3A_1048 : vector<1x512xi32> to vector<512xi32>
    %swap3A_1060 = arith.constant 0 : index
    %swap3A_1061 = arith.constant 26 : index
    %swap3A_1062 = arith.constant 0 : index
    %swap3A_1063 = vector.load %arg9[%swap3A_1060, %swap3A_1061, %swap3A_1062] : memref<1x64x512xi32, #tpu.memory_space<vmem>>, vector<1x1x512xi32>
    %swap3A_1064 = vector.shape_cast %swap3A_1063 : vector<1x1x512xi32> to vector<512xi32>
    %swap3A_1065 = vector.shape_cast %squeeze3A_1059 : vector<512xi32> to vector<1x1x512xi32>
    tpu.vector_store %arg9[%swap3A_1060, %swap3A_1061, %swap3A_1062], %swap3A_1065 {strides = array<i32>} : memref<1x64x512xi32, #tpu.memory_space<vmem>>, vector<1x1x512xi32>,
    %squeeze3A_1066 = vector.shape_cast %exp3A_1058 : vector<1x512xf32> to vector<512xf32>
    %swap3A_1067 = arith.constant 0 : index
    %swap3A_1068 = arith.constant 26 : index
    %swap3A_1069 = arith.constant 0 : index
    %swap3A_1070 = vector.load %arg10[%swap3A_1067, %swap3A_1068, %swap3A_1069] : memref<1x64x512xf32, #tpu.memory_space<vmem>>, vector<1x1x512xf32>
    %swap3A_1071 = vector.shape_cast %swap3A_1070 : vector<1x1x512xf32> to vector<512xf32>
    %swap3A_1072 = vector.shape_cast %squeeze3A_1066 : vector<512xf32> to vector<1x1x512xf32>
    tpu.vector_store %arg10[%swap3A_1067, %swap3A_1068, %swap3A_1069], %swap3A_1072 {strides = array<i32>} : memref<1x64x512xf32, #tpu.memory_space<vmem>>, vector<1x1x512xf32>,
    %gt3A_1073 = vector.broadcast %broadcast_in_dim3A_1045 : vector<1x512xi32> to vector<2048x512xi32>
    %gt3A_1074 = arith.cmpi sgt, %or3A, %gt3A_1073 : vector<2048x512xi32>
    %jit3A_1075 = arith.constant 2147483647 : i32
    %broadcast_in_dim3A_1076 = vector.broadcast %jit3A_1075 : i32 to vector<2048x512xi32>
    %select_n3A_1077 = arith.select %gt3A_1074, %or3A, %broadcast_in_dim3A_1076 : vector<2048x512xi1>, vector<2048x512xi32>
    %reduce_min3A_1078 = arith.constant dense<2147483647> : vector<512xi32>
    %reduce_min3A_1079 = vector.multi_reduction <minsi>, %select_n3A_1077, %reduce_min3A_1078 [0] : vector<2048x512xi32> to vector<512xi32>
    %broadcast_in_dim3A_1080 = vector.shape_cast %reduce_min3A_1079 : vector<512xi32> to vector<1x512xi32>
    %and3A_1081 = arith.constant 2047 : i32
    %and3A_1082 = vector.broadcast %and3A_1081 : i32 to vector<1x512xi32>
    %and3A_1083 = arith.andi %broadcast_in_dim3A_1080, %and3A_1082 : vector<1x512xi32>
    %not3A_1084 = arith.constant 2047 : i32
    %not3A_1085 = arith.constant -1 : i32
    %not3A_1086 = arith.xori %not3A_1084, %not3A_1085 : i32
    %and3A_1087 = vector.broadcast %not3A_1086 : i32 to vector<1x512xi32>
    %and3A_1088 = arith.andi %broadcast_in_dim3A_1080, %and3A_1087 : vector<1x512xi32>
    %bitcast_convert_type3A_1089 = tpu.bitcast %and3A_1088 : vector<1x512xi32> -> vector<1x512xf32>
    %mul3A_1090 = arith.constant -1.000000e+01 : f32
    %mul3A_1091 = vector.broadcast %mul3A_1090 : f32 to vector<1x512xf32>
    %mul3A_1092 = arith.mulf %mul3A_1091, %bitcast_convert_type3A_1089 : vector<1x512xf32>
    %exp3A_1093 = math.exp %mul3A_1092 : vector<1x512xf32>
    %squeeze3A_1094 = vector.shape_cast %and3A_1083 : vector<1x512xi32> to vector<512xi32>
    %swap3A_1095 = arith.constant 0 : index
    %swap3A_1096 = arith.constant 27 : index
    %swap3A_1097 = arith.constant 0 : index
    %swap3A_1098 = vector.load %arg9[%swap3A_1095, %swap3A_1096, %swap3A_1097] : memref<1x64x512xi32, #tpu.memory_space<vmem>>, vector<1x1x512xi32>
    %swap3A_1099 = vector.shape_cast %swap3A_1098 : vector<1x1x512xi32> to vector<512xi32>
    %swap3A_1100 = vector.shape_cast %squeeze3A_1094 : vector<512xi32> to vector<1x1x512xi32>
    tpu.vector_store %arg9[%swap3A_1095, %swap3A_1096, %swap3A_1097], %swap3A_1100 {strides = array<i32>} : memref<1x64x512xi32, #tpu.memory_space<vmem>>, vector<1x1x512xi32>,
    %squeeze3A_1101 = vector.shape_cast %exp3A_1093 : vector<1x512xf32> to vector<512xf32>
    %swap3A_1102 = arith.constant 0 : index
    %swap3A_1103 = arith.constant 27 : index
    %swap3A_1104 = arith.constant 0 : index
    %swap3A_1105 = vector.load %arg10[%swap3A_1102, %swap3A_1103, %swap3A_1104] : memref<1x64x512xf32, #tpu.memory_space<vmem>>, vector<1x1x512xf32>
    %swap3A_1106 = vector.shape_cast %swap3A_1105 : vector<1x1x512xf32> to vector<512xf32>
    %swap3A_1107 = vector.shape_cast %squeeze3A_1101 : vector<512xf32> to vector<1x1x512xf32>
    tpu.vector_store %arg10[%swap3A_1102, %swap3A_1103, %swap3A_1104], %swap3A_1107 {strides = array<i32>} : memref<1x64x512xf32, #tpu.memory_space<vmem>>, vector<1x1x512xf32>,
    %gt3A_1108 = vector.broadcast %broadcast_in_dim3A_1080 : vector<1x512xi32> to vector<2048x512xi32>
    %gt3A_1109 = arith.cmpi sgt, %or3A, %gt3A_1108 : vector<2048x512xi32>
    %jit3A_1110 = arith.constant 2147483647 : i32
    %broadcast_in_dim3A_1111 = vector.broadcast %jit3A_1110 : i32 to vector<2048x512xi32>
    %select_n3A_1112 = arith.select %gt3A_1109, %or3A, %broadcast_in_dim3A_1111 : vector<2048x512xi1>, vector<2048x512xi32>
    %reduce_min3A_1113 = arith.constant dense<2147483647> : vector<512xi32>
    %reduce_min3A_1114 = vector.multi_reduction <minsi>, %select_n3A_1112, %reduce_min3A_1113 [0] : vector<2048x512xi32> to vector<512xi32>
    %broadcast_in_dim3A_1115 = vector.shape_cast %reduce_min3A_1114 : vector<512xi32> to vector<1x512xi32>
    %and3A_1116 = arith.constant 2047 : i32
    %and3A_1117 = vector.broadcast %and3A_1116 : i32 to vector<1x512xi32>
    %and3A_1118 = arith.andi %broadcast_in_dim3A_1115, %and3A_1117 : vector<1x512xi32>
    %not3A_1119 = arith.constant 2047 : i32
    %not3A_1120 = arith.constant -1 : i32
    %not3A_1121 = arith.xori %not3A_1119, %not3A_1120 : i32
    %and3A_1122 = vector.broadcast %not3A_1121 : i32 to vector<1x512xi32>
    %and3A_1123 = arith.andi %broadcast_in_dim3A_1115, %and3A_1122 : vector<1x512xi32>
    %bitcast_convert_type3A_1124 = tpu.bitcast %and3A_1123 : vector<1x512xi32> -> vector<1x512xf32>
    %mul3A_1125 = arith.constant -1.000000e+01 : f32
    %mul3A_1126 = vector.broadcast %mul3A_1125 : f32 to vector<1x512xf32>
    %mul3A_1127 = arith.mulf %mul3A_1126, %bitcast_convert_type3A_1124 : vector<1x512xf32>
    %exp3A_1128 = math.exp %mul3A_1127 : vector<1x512xf32>
    %squeeze3A_1129 = vector.shape_cast %and3A_1118 : vector<1x512xi32> to vector<512xi32>
    %swap3A_1130 = arith.constant 0 : index
    %swap3A_1131 = arith.constant 28 : index
    %swap3A_1132 = arith.constant 0 : index
    %swap3A_1133 = vector.load %arg9[%swap3A_1130, %swap3A_1131, %swap3A_1132] : memref<1x64x512xi32, #tpu.memory_space<vmem>>, vector<1x1x512xi32>
    %swap3A_1134 = vector.shape_cast %swap3A_1133 : vector<1x1x512xi32> to vector<512xi32>
    %swap3A_1135 = vector.shape_cast %squeeze3A_1129 : vector<512xi32> to vector<1x1x512xi32>
    tpu.vector_store %arg9[%swap3A_1130, %swap3A_1131, %swap3A_1132], %swap3A_1135 {strides = array<i32>} : memref<1x64x512xi32, #tpu.memory_space<vmem>>, vector<1x1x512xi32>,
    %squeeze3A_1136 = vector.shape_cast %exp3A_1128 : vector<1x512xf32> to vector<512xf32>
    %swap3A_1137 = arith.constant 0 : index
    %swap3A_1138 = arith.constant 28 : index
    %swap3A_1139 = arith.constant 0 : index
    %swap3A_1140 = vector.load %arg10[%swap3A_1137, %swap3A_1138, %swap3A_1139] : memref<1x64x512xf32, #tpu.memory_space<vmem>>, vector<1x1x512xf32>
    %swap3A_1141 = vector.shape_cast %swap3A_1140 : vector<1x1x512xf32> to vector<512xf32>
    %swap3A_1142 = vector.shape_cast %squeeze3A_1136 : vector<512xf32> to vector<1x1x512xf32>
    tpu.vector_store %arg10[%swap3A_1137, %swap3A_1138, %swap3A_1139], %swap3A_1142 {strides = array<i32>} : memref<1x64x512xf32, #tpu.memory_space<vmem>>, vector<1x1x512xf32>,
    %gt3A_1143 = vector.broadcast %broadcast_in_dim3A_1115 : vector<1x512xi32> to vector<2048x512xi32>
    %gt3A_1144 = arith.cmpi sgt, %or3A, %gt3A_1143 : vector<2048x512xi32>
    %jit3A_1145 = arith.constant 2147483647 : i32
    %broadcast_in_dim3A_1146 = vector.broadcast %jit3A_1145 : i32 to vector<2048x512xi32>
    %select_n3A_1147 = arith.select %gt3A_1144, %or3A, %broadcast_in_dim3A_1146 : vector<2048x512xi1>, vector<2048x512xi32>
    %reduce_min3A_1148 = arith.constant dense<2147483647> : vector<512xi32>
    %reduce_min3A_1149 = vector.multi_reduction <minsi>, %select_n3A_1147, %reduce_min3A_1148 [0] : vector<2048x512xi32> to vector<512xi32>
    %broadcast_in_dim3A_1150 = vector.shape_cast %reduce_min3A_1149 : vector<512xi32> to vector<1x512xi32>
    %and3A_1151 = arith.constant 2047 : i32
    %and3A_1152 = vector.broadcast %and3A_1151 : i32 to vector<1x512xi32>
    %and3A_1153 = arith.andi %broadcast_in_dim3A_1150, %and3A_1152 : vector<1x512xi32>
    %not3A_1154 = arith.constant 2047 : i32
    %not3A_1155 = arith.constant -1 : i32
    %not3A_1156 = arith.xori %not3A_1154, %not3A_1155 : i32
    %and3A_1157 = vector.broadcast %not3A_1156 : i32 to vector<1x512xi32>
    %and3A_1158 = arith.andi %broadcast_in_dim3A_1150, %and3A_1157 : vector<1x512xi32>
    %bitcast_convert_type3A_1159 = tpu.bitcast %and3A_1158 : vector<1x512xi32> -> vector<1x512xf32>
    %mul3A_1160 = arith.constant -1.000000e+01 : f32
    %mul3A_1161 = vector.broadcast %mul3A_1160 : f32 to vector<1x512xf32>
    %mul3A_1162 = arith.mulf %mul3A_1161, %bitcast_convert_type3A_1159 : vector<1x512xf32>
    %exp3A_1163 = math.exp %mul3A_1162 : vector<1x512xf32>
    %squeeze3A_1164 = vector.shape_cast %and3A_1153 : vector<1x512xi32> to vector<512xi32>
    %swap3A_1165 = arith.constant 0 : index
    %swap3A_1166 = arith.constant 29 : index
    %swap3A_1167 = arith.constant 0 : index
    %swap3A_1168 = vector.load %arg9[%swap3A_1165, %swap3A_1166, %swap3A_1167] : memref<1x64x512xi32, #tpu.memory_space<vmem>>, vector<1x1x512xi32>
    %swap3A_1169 = vector.shape_cast %swap3A_1168 : vector<1x1x512xi32> to vector<512xi32>
    %swap3A_1170 = vector.shape_cast %squeeze3A_1164 : vector<512xi32> to vector<1x1x512xi32>
    tpu.vector_store %arg9[%swap3A_1165, %swap3A_1166, %swap3A_1167], %swap3A_1170 {strides = array<i32>} : memref<1x64x512xi32, #tpu.memory_space<vmem>>, vector<1x1x512xi32>,
    %squeeze3A_1171 = vector.shape_cast %exp3A_1163 : vector<1x512xf32> to vector<512xf32>
    %swap3A_1172 = arith.constant 0 : index
    %swap3A_1173 = arith.constant 29 : index
    %swap3A_1174 = arith.constant 0 : index
    %swap3A_1175 = vector.load %arg10[%swap3A_1172, %swap3A_1173, %swap3A_1174] : memref<1x64x512xf32, #tpu.memory_space<vmem>>, vector<1x1x512xf32>
    %swap3A_1176 = vector.shape_cast %swap3A_1175 : vector<1x1x512xf32> to vector<512xf32>
    %swap3A_1177 = vector.shape_cast %squeeze3A_1171 : vector<512xf32> to vector<1x1x512xf32>
    tpu.vector_store %arg10[%swap3A_1172, %swap3A_1173, %swap3A_1174], %swap3A_1177 {strides = array<i32>} : memref<1x64x512xf32, #tpu.memory_space<vmem>>, vector<1x1x512xf32>,
    %gt3A_1178 = vector.broadcast %broadcast_in_dim3A_1150 : vector<1x512xi32> to vector<2048x512xi32>
    %gt3A_1179 = arith.cmpi sgt, %or3A, %gt3A_1178 : vector<2048x512xi32>
    %jit3A_1180 = arith.constant 2147483647 : i32
    %broadcast_in_dim3A_1181 = vector.broadcast %jit3A_1180 : i32 to vector<2048x512xi32>
    %select_n3A_1182 = arith.select %gt3A_1179, %or3A, %broadcast_in_dim3A_1181 : vector<2048x512xi1>, vector<2048x512xi32>
    %reduce_min3A_1183 = arith.constant dense<2147483647> : vector<512xi32>
    %reduce_min3A_1184 = vector.multi_reduction <minsi>, %select_n3A_1182, %reduce_min3A_1183 [0] : vector<2048x512xi32> to vector<512xi32>
    %broadcast_in_dim3A_1185 = vector.shape_cast %reduce_min3A_1184 : vector<512xi32> to vector<1x512xi32>
    %and3A_1186 = arith.constant 2047 : i32
    %and3A_1187 = vector.broadcast %and3A_1186 : i32 to vector<1x512xi32>
    %and3A_1188 = arith.andi %broadcast_in_dim3A_1185, %and3A_1187 : vector<1x512xi32>
    %not3A_1189 = arith.constant 2047 : i32
    %not3A_1190 = arith.constant -1 : i32
    %not3A_1191 = arith.xori %not3A_1189, %not3A_1190 : i32
    %and3A_1192 = vector.broadcast %not3A_1191 : i32 to vector<1x512xi32>
    %and3A_1193 = arith.andi %broadcast_in_dim3A_1185, %and3A_1192 : vector<1x512xi32>
    %bitcast_convert_type3A_1194 = tpu.bitcast %and3A_1193 : vector<1x512xi32> -> vector<1x512xf32>
    %mul3A_1195 = arith.constant -1.000000e+01 : f32
    %mul3A_1196 = vector.broadcast %mul3A_1195 : f32 to vector<1x512xf32>
    %mul3A_1197 = arith.mulf %mul3A_1196, %bitcast_convert_type3A_1194 : vector<1x512xf32>
    %exp3A_1198 = math.exp %mul3A_1197 : vector<1x512xf32>
    %squeeze3A_1199 = vector.shape_cast %and3A_1188 : vector<1x512xi32> to vector<512xi32>
    %swap3A_1200 = arith.constant 0 : index
    %swap3A_1201 = arith.constant 30 : index
    %swap3A_1202 = arith.constant 0 : index
    %swap3A_1203 = vector.load %arg9[%swap3A_1200, %swap3A_1201, %swap3A_1202] : memref<1x64x512xi32, #tpu.memory_space<vmem>>, vector<1x1x512xi32>
    %swap3A_1204 = vector.shape_cast %swap3A_1203 : vector<1x1x512xi32> to vector<512xi32>
    %swap3A_1205 = vector.shape_cast %squeeze3A_1199 : vector<512xi32> to vector<1x1x512xi32>
    tpu.vector_store %arg9[%swap3A_1200, %swap3A_1201, %swap3A_1202], %swap3A_1205 {strides = array<i32>} : memref<1x64x512xi32, #tpu.memory_space<vmem>>, vector<1x1x512xi32>,
    %squeeze3A_1206 = vector.shape_cast %exp3A_1198 : vector<1x512xf32> to vector<512xf32>
    %swap3A_1207 = arith.constant 0 : index
    %swap3A_1208 = arith.constant 30 : index
    %swap3A_1209 = arith.constant 0 : index
    %swap3A_1210 = vector.load %arg10[%swap3A_1207, %swap3A_1208, %swap3A_1209] : memref<1x64x512xf32, #tpu.memory_space<vmem>>, vector<1x1x512xf32>
    %swap3A_1211 = vector.shape_cast %swap3A_1210 : vector<1x1x512xf32> to vector<512xf32>
    %swap3A_1212 = vector.shape_cast %squeeze3A_1206 : vector<512xf32> to vector<1x1x512xf32>
    tpu.vector_store %arg10[%swap3A_1207, %swap3A_1208, %swap3A_1209], %swap3A_1212 {strides = array<i32>} : memref<1x64x512xf32, #tpu.memory_space<vmem>>, vector<1x1x512xf32>,
    %gt3A_1213 = vector.broadcast %broadcast_in_dim3A_1185 : vector<1x512xi32> to vector<2048x512xi32>
    %gt3A_1214 = arith.cmpi sgt, %or3A, %gt3A_1213 : vector<2048x512xi32>
    %jit3A_1215 = arith.constant 2147483647 : i32
    %broadcast_in_dim3A_1216 = vector.broadcast %jit3A_1215 : i32 to vector<2048x512xi32>
    %select_n3A_1217 = arith.select %gt3A_1214, %or3A, %broadcast_in_dim3A_1216 : vector<2048x512xi1>, vector<2048x512xi32>
    %reduce_min3A_1218 = arith.constant dense<2147483647> : vector<512xi32>
    %reduce_min3A_1219 = vector.multi_reduction <minsi>, %select_n3A_1217, %reduce_min3A_1218 [0] : vector<2048x512xi32> to vector<512xi32>
    %broadcast_in_dim3A_1220 = vector.shape_cast %reduce_min3A_1219 : vector<512xi32> to vector<1x512xi32>
    %and3A_1221 = arith.constant 2047 : i32
    %and3A_1222 = vector.broadcast %and3A_1221 : i32 to vector<1x512xi32>
    %and3A_1223 = arith.andi %broadcast_in_dim3A_1220, %and3A_1222 : vector<1x512xi32>
    %not3A_1224 = arith.constant 2047 : i32
    %not3A_1225 = arith.constant -1 : i32
    %not3A_1226 = arith.xori %not3A_1224, %not3A_1225 : i32
    %and3A_1227 = vector.broadcast %not3A_1226 : i32 to vector<1x512xi32>
    %and3A_1228 = arith.andi %broadcast_in_dim3A_1220, %and3A_1227 : vector<1x512xi32>
    %bitcast_convert_type3A_1229 = tpu.bitcast %and3A_1228 : vector<1x512xi32> -> vector<1x512xf32>
    %mul3A_1230 = arith.constant -1.000000e+01 : f32
    %mul3A_1231 = vector.broadcast %mul3A_1230 : f32 to vector<1x512xf32>
    %mul3A_1232 = arith.mulf %mul3A_1231, %bitcast_convert_type3A_1229 : vector<1x512xf32>
    %exp3A_1233 = math.exp %mul3A_1232 : vector<1x512xf32>
    %squeeze3A_1234 = vector.shape_cast %and3A_1223 : vector<1x512xi32> to vector<512xi32>
    %swap3A_1235 = arith.constant 0 : index
    %swap3A_1236 = arith.constant 31 : index
    %swap3A_1237 = arith.constant 0 : index
    %swap3A_1238 = vector.load %arg9[%swap3A_1235, %swap3A_1236, %swap3A_1237] : memref<1x64x512xi32, #tpu.memory_space<vmem>>, vector<1x1x512xi32>
    %swap3A_1239 = vector.shape_cast %swap3A_1238 : vector<1x1x512xi32> to vector<512xi32>
    %swap3A_1240 = vector.shape_cast %squeeze3A_1234 : vector<512xi32> to vector<1x1x512xi32>
    tpu.vector_store %arg9[%swap3A_1235, %swap3A_1236, %swap3A_1237], %swap3A_1240 {strides = array<i32>} : memref<1x64x512xi32, #tpu.memory_space<vmem>>, vector<1x1x512xi32>,
    %squeeze3A_1241 = vector.shape_cast %exp3A_1233 : vector<1x512xf32> to vector<512xf32>
    %swap3A_1242 = arith.constant 0 : index
    %swap3A_1243 = arith.constant 31 : index
    %swap3A_1244 = arith.constant 0 : index
    %swap3A_1245 = vector.load %arg10[%swap3A_1242, %swap3A_1243, %swap3A_1244] : memref<1x64x512xf32, #tpu.memory_space<vmem>>, vector<1x1x512xf32>
    %swap3A_1246 = vector.shape_cast %swap3A_1245 : vector<1x1x512xf32> to vector<512xf32>
    %swap3A_1247 = vector.shape_cast %squeeze3A_1241 : vector<512xf32> to vector<1x1x512xf32>
    tpu.vector_store %arg10[%swap3A_1242, %swap3A_1243, %swap3A_1244], %swap3A_1247 {strides = array<i32>} : memref<1x64x512xf32, #tpu.memory_space<vmem>>, vector<1x1x512xf32>,
    %gt3A_1248 = vector.broadcast %broadcast_in_dim3A_1220 : vector<1x512xi32> to vector<2048x512xi32>
    %gt3A_1249 = arith.cmpi sgt, %or3A, %gt3A_1248 : vector<2048x512xi32>
    %jit3A_1250 = arith.constant 2147483647 : i32
    %broadcast_in_dim3A_1251 = vector.broadcast %jit3A_1250 : i32 to vector<2048x512xi32>
    %select_n3A_1252 = arith.select %gt3A_1249, %or3A, %broadcast_in_dim3A_1251 : vector<2048x512xi1>, vector<2048x512xi32>
    %reduce_min3A_1253 = arith.constant dense<2147483647> : vector<512xi32>
    %reduce_min3A_1254 = vector.multi_reduction <minsi>, %select_n3A_1252, %reduce_min3A_1253 [0] : vector<2048x512xi32> to vector<512xi32>
    %broadcast_in_dim3A_1255 = vector.shape_cast %reduce_min3A_1254 : vector<512xi32> to vector<1x512xi32>
    %and3A_1256 = arith.constant 2047 : i32
    %and3A_1257 = vector.broadcast %and3A_1256 : i32 to vector<1x512xi32>
    %and3A_1258 = arith.andi %broadcast_in_dim3A_1255, %and3A_1257 : vector<1x512xi32>
    %not3A_1259 = arith.constant 2047 : i32
    %not3A_1260 = arith.constant -1 : i32
    %not3A_1261 = arith.xori %not3A_1259, %not3A_1260 : i32
    %and3A_1262 = vector.broadcast %not3A_1261 : i32 to vector<1x512xi32>
    %and3A_1263 = arith.andi %broadcast_in_dim3A_1255, %and3A_1262 : vector<1x512xi32>
    %bitcast_convert_type3A_1264 = tpu.bitcast %and3A_1263 : vector<1x512xi32> -> vector<1x512xf32>
    %mul3A_1265 = arith.constant -1.000000e+01 : f32
    %mul3A_1266 = vector.broadcast %mul3A_1265 : f32 to vector<1x512xf32>
    %mul3A_1267 = arith.mulf %mul3A_1266, %bitcast_convert_type3A_1264 : vector<1x512xf32>
    %exp3A_1268 = math.exp %mul3A_1267 : vector<1x512xf32>
    %squeeze3A_1269 = vector.shape_cast %and3A_1258 : vector<1x512xi32> to vector<512xi32>
    %swap3A_1270 = arith.constant 0 : index
    %swap3A_1271 = arith.constant 32 : index
    %swap3A_1272 = arith.constant 0 : index
    %swap3A_1273 = vector.load %arg9[%swap3A_1270, %swap3A_1271, %swap3A_1272] : memref<1x64x512xi32, #tpu.memory_space<vmem>>, vector<1x1x512xi32>
    %swap3A_1274 = vector.shape_cast %swap3A_1273 : vector<1x1x512xi32> to vector<512xi32>
    %swap3A_1275 = vector.shape_cast %squeeze3A_1269 : vector<512xi32> to vector<1x1x512xi32>
    tpu.vector_store %arg9[%swap3A_1270, %swap3A_1271, %swap3A_1272], %swap3A_1275 {strides = array<i32>} : memref<1x64x512xi32, #tpu.memory_space<vmem>>, vector<1x1x512xi32>,
    %squeeze3A_1276 = vector.shape_cast %exp3A_1268 : vector<1x512xf32> to vector<512xf32>
    %swap3A_1277 = arith.constant 0 : index
    %swap3A_1278 = arith.constant 32 : index
    %swap3A_1279 = arith.constant 0 : index
    %swap3A_1280 = vector.load %arg10[%swap3A_1277, %swap3A_1278, %swap3A_1279] : memref<1x64x512xf32, #tpu.memory_space<vmem>>, vector<1x1x512xf32>
    %swap3A_1281 = vector.shape_cast %swap3A_1280 : vector<1x1x512xf32> to vector<512xf32>
    %swap3A_1282 = vector.shape_cast %squeeze3A_1276 : vector<512xf32> to vector<1x1x512xf32>
    tpu.vector_store %arg10[%swap3A_1277, %swap3A_1278, %swap3A_1279], %swap3A_1282 {strides = array<i32>} : memref<1x64x512xf32, #tpu.memory_space<vmem>>, vector<1x1x512xf32>,
    %gt3A_1283 = vector.broadcast %broadcast_in_dim3A_1255 : vector<1x512xi32> to vector<2048x512xi32>
    %gt3A_1284 = arith.cmpi sgt, %or3A, %gt3A_1283 : vector<2048x512xi32>
    %jit3A_1285 = arith.constant 2147483647 : i32
    %broadcast_in_dim3A_1286 = vector.broadcast %jit3A_1285 : i32 to vector<2048x512xi32>
    %select_n3A_1287 = arith.select %gt3A_1284, %or3A, %broadcast_in_dim3A_1286 : vector<2048x512xi1>, vector<2048x512xi32>
    %reduce_min3A_1288 = arith.constant dense<2147483647> : vector<512xi32>
    %reduce_min3A_1289 = vector.multi_reduction <minsi>, %select_n3A_1287, %reduce_min3A_1288 [0] : vector<2048x512xi32> to vector<512xi32>
    %broadcast_in_dim3A_1290 = vector.shape_cast %reduce_min3A_1289 : vector<512xi32> to vector<1x512xi32>
    %and3A_1291 = arith.constant 2047 : i32
    %and3A_1292 = vector.broadcast %and3A_1291 : i32 to vector<1x512xi32>
    %and3A_1293 = arith.andi %broadcast_in_dim3A_1290, %and3A_1292 : vector<1x512xi32>
    %not3A_1294 = arith.constant 2047 : i32
    %not3A_1295 = arith.constant -1 : i32
    %not3A_1296 = arith.xori %not3A_1294, %not3A_1295 : i32
    %and3A_1297 = vector.broadcast %not3A_1296 : i32 to vector<1x512xi32>
    %and3A_1298 = arith.andi %broadcast_in_dim3A_1290, %and3A_1297 : vector<1x512xi32>
    %bitcast_convert_type3A_1299 = tpu.bitcast %and3A_1298 : vector<1x512xi32> -> vector<1x512xf32>
    %mul3A_1300 = arith.constant -1.000000e+01 : f32
    %mul3A_1301 = vector.broadcast %mul3A_1300 : f32 to vector<1x512xf32>
    %mul3A_1302 = arith.mulf %mul3A_1301, %bitcast_convert_type3A_1299 : vector<1x512xf32>
    %exp3A_1303 = math.exp %mul3A_1302 : vector<1x512xf32>
    %squeeze3A_1304 = vector.shape_cast %and3A_1293 : vector<1x512xi32> to vector<512xi32>
    %swap3A_1305 = arith.constant 0 : index
    %swap3A_1306 = arith.constant 33 : index
    %swap3A_1307 = arith.constant 0 : index
    %swap3A_1308 = vector.load %arg9[%swap3A_1305, %swap3A_1306, %swap3A_1307] : memref<1x64x512xi32, #tpu.memory_space<vmem>>, vector<1x1x512xi32>
    %swap3A_1309 = vector.shape_cast %swap3A_1308 : vector<1x1x512xi32> to vector<512xi32>
    %swap3A_1310 = vector.shape_cast %squeeze3A_1304 : vector<512xi32> to vector<1x1x512xi32>
    tpu.vector_store %arg9[%swap3A_1305, %swap3A_1306, %swap3A_1307], %swap3A_1310 {strides = array<i32>} : memref<1x64x512xi32, #tpu.memory_space<vmem>>, vector<1x1x512xi32>,
    %squeeze3A_1311 = vector.shape_cast %exp3A_1303 : vector<1x512xf32> to vector<512xf32>
    %swap3A_1312 = arith.constant 0 : index
    %swap3A_1313 = arith.constant 33 : index
    %swap3A_1314 = arith.constant 0 : index
    %swap3A_1315 = vector.load %arg10[%swap3A_1312, %swap3A_1313, %swap3A_1314] : memref<1x64x512xf32, #tpu.memory_space<vmem>>, vector<1x1x512xf32>
    %swap3A_1316 = vector.shape_cast %swap3A_1315 : vector<1x1x512xf32> to vector<512xf32>
    %swap3A_1317 = vector.shape_cast %squeeze3A_1311 : vector<512xf32> to vector<1x1x512xf32>
    tpu.vector_store %arg10[%swap3A_1312, %swap3A_1313, %swap3A_1314], %swap3A_1317 {strides = array<i32>} : memref<1x64x512xf32, #tpu.memory_space<vmem>>, vector<1x1x512xf32>,
    %gt3A_1318 = vector.broadcast %broadcast_in_dim3A_1290 : vector<1x512xi32> to vector<2048x512xi32>
    %gt3A_1319 = arith.cmpi sgt, %or3A, %gt3A_1318 : vector<2048x512xi32>
    %jit3A_1320 = arith.constant 2147483647 : i32
    %broadcast_in_dim3A_1321 = vector.broadcast %jit3A_1320 : i32 to vector<2048x512xi32>
    %select_n3A_1322 = arith.select %gt3A_1319, %or3A, %broadcast_in_dim3A_1321 : vector<2048x512xi1>, vector<2048x512xi32>
    %reduce_min3A_1323 = arith.constant dense<2147483647> : vector<512xi32>
    %reduce_min3A_1324 = vector.multi_reduction <minsi>, %select_n3A_1322, %reduce_min3A_1323 [0] : vector<2048x512xi32> to vector<512xi32>
    %broadcast_in_dim3A_1325 = vector.shape_cast %reduce_min3A_1324 : vector<512xi32> to vector<1x512xi32>
    %and3A_1326 = arith.constant 2047 : i32
    %and3A_1327 = vector.broadcast %and3A_1326 : i32 to vector<1x512xi32>
    %and3A_1328 = arith.andi %broadcast_in_dim3A_1325, %and3A_1327 : vector<1x512xi32>
    %not3A_1329 = arith.constant 2047 : i32
    %not3A_1330 = arith.constant -1 : i32
    %not3A_1331 = arith.xori %not3A_1329, %not3A_1330 : i32
    %and3A_1332 = vector.broadcast %not3A_1331 : i32 to vector<1x512xi32>
    %and3A_1333 = arith.andi %broadcast_in_dim3A_1325, %and3A_1332 : vector<1x512xi32>
    %bitcast_convert_type3A_1334 = tpu.bitcast %and3A_1333 : vector<1x512xi32> -> vector<1x512xf32>
    %mul3A_1335 = arith.constant -1.000000e+01 : f32
    %mul3A_1336 = vector.broadcast %mul3A_1335 : f32 to vector<1x512xf32>
    %mul3A_1337 = arith.mulf %mul3A_1336, %bitcast_convert_type3A_1334 : vector<1x512xf32>
    %exp3A_1338 = math.exp %mul3A_1337 : vector<1x512xf32>
    %squeeze3A_1339 = vector.shape_cast %and3A_1328 : vector<1x512xi32> to vector<512xi32>
    %swap3A_1340 = arith.constant 0 : index
    %swap3A_1341 = arith.constant 34 : index
    %swap3A_1342 = arith.constant 0 : index
    %swap3A_1343 = vector.load %arg9[%swap3A_1340, %swap3A_1341, %swap3A_1342] : memref<1x64x512xi32, #tpu.memory_space<vmem>>, vector<1x1x512xi32>
    %swap3A_1344 = vector.shape_cast %swap3A_1343 : vector<1x1x512xi32> to vector<512xi32>
    %swap3A_1345 = vector.shape_cast %squeeze3A_1339 : vector<512xi32> to vector<1x1x512xi32>
    tpu.vector_store %arg9[%swap3A_1340, %swap3A_1341, %swap3A_1342], %swap3A_1345 {strides = array<i32>} : memref<1x64x512xi32, #tpu.memory_space<vmem>>, vector<1x1x512xi32>,
    %squeeze3A_1346 = vector.shape_cast %exp3A_1338 : vector<1x512xf32> to vector<512xf32>
    %swap3A_1347 = arith.constant 0 : index
    %swap3A_1348 = arith.constant 34 : index
    %swap3A_1349 = arith.constant 0 : index
    %swap3A_1350 = vector.load %arg10[%swap3A_1347, %swap3A_1348, %swap3A_1349] : memref<1x64x512xf32, #tpu.memory_space<vmem>>, vector<1x1x512xf32>
    %swap3A_1351 = vector.shape_cast %swap3A_1350 : vector<1x1x512xf32> to vector<512xf32>
    %swap3A_1352 = vector.shape_cast %squeeze3A_1346 : vector<512xf32> to vector<1x1x512xf32>
    tpu.vector_store %arg10[%swap3A_1347, %swap3A_1348, %swap3A_1349], %swap3A_1352 {strides = array<i32>} : memref<1x64x512xf32, #tpu.memory_space<vmem>>, vector<1x1x512xf32>,
    %gt3A_1353 = vector.broadcast %broadcast_in_dim3A_1325 : vector<1x512xi32> to vector<2048x512xi32>
    %gt3A_1354 = arith.cmpi sgt, %or3A, %gt3A_1353 : vector<2048x512xi32>
    %jit3A_1355 = arith.constant 2147483647 : i32
    %broadcast_in_dim3A_1356 = vector.broadcast %jit3A_1355 : i32 to vector<2048x512xi32>
    %select_n3A_1357 = arith.select %gt3A_1354, %or3A, %broadcast_in_dim3A_1356 : vector<2048x512xi1>, vector<2048x512xi32>
    %reduce_min3A_1358 = arith.constant dense<2147483647> : vector<512xi32>
    %reduce_min3A_1359 = vector.multi_reduction <minsi>, %select_n3A_1357, %reduce_min3A_1358 [0] : vector<2048x512xi32> to vector<512xi32>
    %broadcast_in_dim3A_1360 = vector.shape_cast %reduce_min3A_1359 : vector<512xi32> to vector<1x512xi32>
    %and3A_1361 = arith.constant 2047 : i32
    %and3A_1362 = vector.broadcast %and3A_1361 : i32 to vector<1x512xi32>
    %and3A_1363 = arith.andi %broadcast_in_dim3A_1360, %and3A_1362 : vector<1x512xi32>
    %not3A_1364 = arith.constant 2047 : i32
    %not3A_1365 = arith.constant -1 : i32
    %not3A_1366 = arith.xori %not3A_1364, %not3A_1365 : i32
    %and3A_1367 = vector.broadcast %not3A_1366 : i32 to vector<1x512xi32>
    %and3A_1368 = arith.andi %broadcast_in_dim3A_1360, %and3A_1367 : vector<1x512xi32>
    %bitcast_convert_type3A_1369 = tpu.bitcast %and3A_1368 : vector<1x512xi32> -> vector<1x512xf32>
    %mul3A_1370 = arith.constant -1.000000e+01 : f32
    %mul3A_1371 = vector.broadcast %mul3A_1370 : f32 to vector<1x512xf32>
    %mul3A_1372 = arith.mulf %mul3A_1371, %bitcast_convert_type3A_1369 : vector<1x512xf32>
    %exp3A_1373 = math.exp %mul3A_1372 : vector<1x512xf32>
    %squeeze3A_1374 = vector.shape_cast %and3A_1363 : vector<1x512xi32> to vector<512xi32>
    %swap3A_1375 = arith.constant 0 : index
    %swap3A_1376 = arith.constant 35 : index
    %swap3A_1377 = arith.constant 0 : index
    %swap3A_1378 = vector.load %arg9[%swap3A_1375, %swap3A_1376, %swap3A_1377] : memref<1x64x512xi32, #tpu.memory_space<vmem>>, vector<1x1x512xi32>
    %swap3A_1379 = vector.shape_cast %swap3A_1378 : vector<1x1x512xi32> to vector<512xi32>
    %swap3A_1380 = vector.shape_cast %squeeze3A_1374 : vector<512xi32> to vector<1x1x512xi32>
    tpu.vector_store %arg9[%swap3A_1375, %swap3A_1376, %swap3A_1377], %swap3A_1380 {strides = array<i32>} : memref<1x64x512xi32, #tpu.memory_space<vmem>>, vector<1x1x512xi32>,
    %squeeze3A_1381 = vector.shape_cast %exp3A_1373 : vector<1x512xf32> to vector<512xf32>
    %swap3A_1382 = arith.constant 0 : index
    %swap3A_1383 = arith.constant 35 : index
    %swap3A_1384 = arith.constant 0 : index
    %swap3A_1385 = vector.load %arg10[%swap3A_1382, %swap3A_1383, %swap3A_1384] : memref<1x64x512xf32, #tpu.memory_space<vmem>>, vector<1x1x512xf32>
    %swap3A_1386 = vector.shape_cast %swap3A_1385 : vector<1x1x512xf32> to vector<512xf32>
    %swap3A_1387 = vector.shape_cast %squeeze3A_1381 : vector<512xf32> to vector<1x1x512xf32>
    tpu.vector_store %arg10[%swap3A_1382, %swap3A_1383, %swap3A_1384], %swap3A_1387 {strides = array<i32>} : memref<1x64x512xf32, #tpu.memory_space<vmem>>, vector<1x1x512xf32>,
    %gt3A_1388 = vector.broadcast %broadcast_in_dim3A_1360 : vector<1x512xi32> to vector<2048x512xi32>
    %gt3A_1389 = arith.cmpi sgt, %or3A, %gt3A_1388 : vector<2048x512xi32>
    %jit3A_1390 = arith.constant 2147483647 : i32
    %broadcast_in_dim3A_1391 = vector.broadcast %jit3A_1390 : i32 to vector<2048x512xi32>
    %select_n3A_1392 = arith.select %gt3A_1389, %or3A, %broadcast_in_dim3A_1391 : vector<2048x512xi1>, vector<2048x512xi32>
    %reduce_min3A_1393 = arith.constant dense<2147483647> : vector<512xi32>
    %reduce_min3A_1394 = vector.multi_reduction <minsi>, %select_n3A_1392, %reduce_min3A_1393 [0] : vector<2048x512xi32> to vector<512xi32>
    %broadcast_in_dim3A_1395 = vector.shape_cast %reduce_min3A_1394 : vector<512xi32> to vector<1x512xi32>
    %and3A_1396 = arith.constant 2047 : i32
    %and3A_1397 = vector.broadcast %and3A_1396 : i32 to vector<1x512xi32>
    %and3A_1398 = arith.andi %broadcast_in_dim3A_1395, %and3A_1397 : vector<1x512xi32>
    %not3A_1399 = arith.constant 2047 : i32
    %not3A_1400 = arith.constant -1 : i32
    %not3A_1401 = arith.xori %not3A_1399, %not3A_1400 : i32
    %and3A_1402 = vector.broadcast %not3A_1401 : i32 to vector<1x512xi32>
    %and3A_1403 = arith.andi %broadcast_in_dim3A_1395, %and3A_1402 : vector<1x512xi32>
    %bitcast_convert_type3A_1404 = tpu.bitcast %and3A_1403 : vector<1x512xi32> -> vector<1x512xf32>
    %mul3A_1405 = arith.constant -1.000000e+01 : f32
    %mul3A_1406 = vector.broadcast %mul3A_1405 : f32 to vector<1x512xf32>
    %mul3A_1407 = arith.mulf %mul3A_1406, %bitcast_convert_type3A_1404 : vector<1x512xf32>
    %exp3A_1408 = math.exp %mul3A_1407 : vector<1x512xf32>
    %squeeze3A_1409 = vector.shape_cast %and3A_1398 : vector<1x512xi32> to vector<512xi32>
    %swap3A_1410 = arith.constant 0 : index
    %swap3A_1411 = arith.constant 36 : index
    %swap3A_1412 = arith.constant 0 : index
    %swap3A_1413 = vector.load %arg9[%swap3A_1410, %swap3A_1411, %swap3A_1412] : memref<1x64x512xi32, #tpu.memory_space<vmem>>, vector<1x1x512xi32>
    %swap3A_1414 = vector.shape_cast %swap3A_1413 : vector<1x1x512xi32> to vector<512xi32>
    %swap3A_1415 = vector.shape_cast %squeeze3A_1409 : vector<512xi32> to vector<1x1x512xi32>
    tpu.vector_store %arg9[%swap3A_1410, %swap3A_1411, %swap3A_1412], %swap3A_1415 {strides = array<i32>} : memref<1x64x512xi32, #tpu.memory_space<vmem>>, vector<1x1x512xi32>,
    %squeeze3A_1416 = vector.shape_cast %exp3A_1408 : vector<1x512xf32> to vector<512xf32>
    %swap3A_1417 = arith.constant 0 : index
    %swap3A_1418 = arith.constant 36 : index
    %swap3A_1419 = arith.constant 0 : index
    %swap3A_1420 = vector.load %arg10[%swap3A_1417, %swap3A_1418, %swap3A_1419] : memref<1x64x512xf32, #tpu.memory_space<vmem>>, vector<1x1x512xf32>
    %swap3A_1421 = vector.shape_cast %swap3A_1420 : vector<1x1x512xf32> to vector<512xf32>
    %swap3A_1422 = vector.shape_cast %squeeze3A_1416 : vector<512xf32> to vector<1x1x512xf32>
    tpu.vector_store %arg10[%swap3A_1417, %swap3A_1418, %swap3A_1419], %swap3A_1422 {strides = array<i32>} : memref<1x64x512xf32, #tpu.memory_space<vmem>>, vector<1x1x512xf32>,
    %gt3A_1423 = vector.broadcast %broadcast_in_dim3A_1395 : vector<1x512xi32> to vector<2048x512xi32>
    %gt3A_1424 = arith.cmpi sgt, %or3A, %gt3A_1423 : vector<2048x512xi32>
    %jit3A_1425 = arith.constant 2147483647 : i32
    %broadcast_in_dim3A_1426 = vector.broadcast %jit3A_1425 : i32 to vector<2048x512xi32>
    %select_n3A_1427 = arith.select %gt3A_1424, %or3A, %broadcast_in_dim3A_1426 : vector<2048x512xi1>, vector<2048x512xi32>
    %reduce_min3A_1428 = arith.constant dense<2147483647> : vector<512xi32>
    %reduce_min3A_1429 = vector.multi_reduction <minsi>, %select_n3A_1427, %reduce_min3A_1428 [0] : vector<2048x512xi32> to vector<512xi32>
    %broadcast_in_dim3A_1430 = vector.shape_cast %reduce_min3A_1429 : vector<512xi32> to vector<1x512xi32>
    %and3A_1431 = arith.constant 2047 : i32
    %and3A_1432 = vector.broadcast %and3A_1431 : i32 to vector<1x512xi32>
    %and3A_1433 = arith.andi %broadcast_in_dim3A_1430, %and3A_1432 : vector<1x512xi32>
    %not3A_1434 = arith.constant 2047 : i32
    %not3A_1435 = arith.constant -1 : i32
    %not3A_1436 = arith.xori %not3A_1434, %not3A_1435 : i32
    %and3A_1437 = vector.broadcast %not3A_1436 : i32 to vector<1x512xi32>
    %and3A_1438 = arith.andi %broadcast_in_dim3A_1430, %and3A_1437 : vector<1x512xi32>
    %bitcast_convert_type3A_1439 = tpu.bitcast %and3A_1438 : vector<1x512xi32> -> vector<1x512xf32>
    %mul3A_1440 = arith.constant -1.000000e+01 : f32
    %mul3A_1441 = vector.broadcast %mul3A_1440 : f32 to vector<1x512xf32>
    %mul3A_1442 = arith.mulf %mul3A_1441, %bitcast_convert_type3A_1439 : vector<1x512xf32>
    %exp3A_1443 = math.exp %mul3A_1442 : vector<1x512xf32>
    %squeeze3A_1444 = vector.shape_cast %and3A_1433 : vector<1x512xi32> to vector<512xi32>
    %swap3A_1445 = arith.constant 0 : index
    %swap3A_1446 = arith.constant 37 : index
    %swap3A_1447 = arith.constant 0 : index
    %swap3A_1448 = vector.load %arg9[%swap3A_1445, %swap3A_1446, %swap3A_1447] : memref<1x64x512xi32, #tpu.memory_space<vmem>>, vector<1x1x512xi32>
    %swap3A_1449 = vector.shape_cast %swap3A_1448 : vector<1x1x512xi32> to vector<512xi32>
    %swap3A_1450 = vector.shape_cast %squeeze3A_1444 : vector<512xi32> to vector<1x1x512xi32>
    tpu.vector_store %arg9[%swap3A_1445, %swap3A_1446, %swap3A_1447], %swap3A_1450 {strides = array<i32>} : memref<1x64x512xi32, #tpu.memory_space<vmem>>, vector<1x1x512xi32>,
    %squeeze3A_1451 = vector.shape_cast %exp3A_1443 : vector<1x512xf32> to vector<512xf32>
    %swap3A_1452 = arith.constant 0 : index
    %swap3A_1453 = arith.constant 37 : index
    %swap3A_1454 = arith.constant 0 : index
    %swap3A_1455 = vector.load %arg10[%swap3A_1452, %swap3A_1453, %swap3A_1454] : memref<1x64x512xf32, #tpu.memory_space<vmem>>, vector<1x1x512xf32>
    %swap3A_1456 = vector.shape_cast %swap3A_1455 : vector<1x1x512xf32> to vector<512xf32>
    %swap3A_1457 = vector.shape_cast %squeeze3A_1451 : vector<512xf32> to vector<1x1x512xf32>
    tpu.vector_store %arg10[%swap3A_1452, %swap3A_1453, %swap3A_1454], %swap3A_1457 {strides = array<i32>} : memref<1x64x512xf32, #tpu.memory_space<vmem>>, vector<1x1x512xf32>,
    %gt3A_1458 = vector.broadcast %broadcast_in_dim3A_1430 : vector<1x512xi32> to vector<2048x512xi32>
    %gt3A_1459 = arith.cmpi sgt, %or3A, %gt3A_1458 : vector<2048x512xi32>
    %jit3A_1460 = arith.constant 2147483647 : i32
    %broadcast_in_dim3A_1461 = vector.broadcast %jit3A_1460 : i32 to vector<2048x512xi32>
    %select_n3A_1462 = arith.select %gt3A_1459, %or3A, %broadcast_in_dim3A_1461 : vector<2048x512xi1>, vector<2048x512xi32>
    %reduce_min3A_1463 = arith.constant dense<2147483647> : vector<512xi32>
    %reduce_min3A_1464 = vector.multi_reduction <minsi>, %select_n3A_1462, %reduce_min3A_1463 [0] : vector<2048x512xi32> to vector<512xi32>
    %broadcast_in_dim3A_1465 = vector.shape_cast %reduce_min3A_1464 : vector<512xi32> to vector<1x512xi32>
    %and3A_1466 = arith.constant 2047 : i32
    %and3A_1467 = vector.broadcast %and3A_1466 : i32 to vector<1x512xi32>
    %and3A_1468 = arith.andi %broadcast_in_dim3A_1465, %and3A_1467 : vector<1x512xi32>
    %not3A_1469 = arith.constant 2047 : i32
    %not3A_1470 = arith.constant -1 : i32
    %not3A_1471 = arith.xori %not3A_1469, %not3A_1470 : i32
    %and3A_1472 = vector.broadcast %not3A_1471 : i32 to vector<1x512xi32>
    %and3A_1473 = arith.andi %broadcast_in_dim3A_1465, %and3A_1472 : vector<1x512xi32>
    %bitcast_convert_type3A_1474 = tpu.bitcast %and3A_1473 : vector<1x512xi32> -> vector<1x512xf32>
    %mul3A_1475 = arith.constant -1.000000e+01 : f32
    %mul3A_1476 = vector.broadcast %mul3A_1475 : f32 to vector<1x512xf32>
    %mul3A_1477 = arith.mulf %mul3A_1476, %bitcast_convert_type3A_1474 : vector<1x512xf32>
    %exp3A_1478 = math.exp %mul3A_1477 : vector<1x512xf32>
    %squeeze3A_1479 = vector.shape_cast %and3A_1468 : vector<1x512xi32> to vector<512xi32>
    %swap3A_1480 = arith.constant 0 : index
    %swap3A_1481 = arith.constant 38 : index
    %swap3A_1482 = arith.constant 0 : index
    %swap3A_1483 = vector.load %arg9[%swap3A_1480, %swap3A_1481, %swap3A_1482] : memref<1x64x512xi32, #tpu.memory_space<vmem>>, vector<1x1x512xi32>
    %swap3A_1484 = vector.shape_cast %swap3A_1483 : vector<1x1x512xi32> to vector<512xi32>
    %swap3A_1485 = vector.shape_cast %squeeze3A_1479 : vector<512xi32> to vector<1x1x512xi32>
    tpu.vector_store %arg9[%swap3A_1480, %swap3A_1481, %swap3A_1482], %swap3A_1485 {strides = array<i32>} : memref<1x64x512xi32, #tpu.memory_space<vmem>>, vector<1x1x512xi32>,
    %squeeze3A_1486 = vector.shape_cast %exp3A_1478 : vector<1x512xf32> to vector<512xf32>
    %swap3A_1487 = arith.constant 0 : index
    %swap3A_1488 = arith.constant 38 : index
    %swap3A_1489 = arith.constant 0 : index
    %swap3A_1490 = vector.load %arg10[%swap3A_1487, %swap3A_1488, %swap3A_1489] : memref<1x64x512xf32, #tpu.memory_space<vmem>>, vector<1x1x512xf32>
    %swap3A_1491 = vector.shape_cast %swap3A_1490 : vector<1x1x512xf32> to vector<512xf32>
    %swap3A_1492 = vector.shape_cast %squeeze3A_1486 : vector<512xf32> to vector<1x1x512xf32>
    tpu.vector_store %arg10[%swap3A_1487, %swap3A_1488, %swap3A_1489], %swap3A_1492 {strides = array<i32>} : memref<1x64x512xf32, #tpu.memory_space<vmem>>, vector<1x1x512xf32>,
    return
  }
  func.func @transform_0(%arg0: i32, %arg1: i32) -> (i32, i32, i32) {
    %c0_i32 = arith.constant 0 : i32
    %c0_i32_0 = arith.constant 0 : i32
    %c0_i32_1 = arith.constant 0 : i32
    return %arg0, %c0_i32, %c0_i32_0 : i32, i32, i32
  }
  func.func @transform_1(%arg0: i32, %arg1: i32) -> (i32, i32, i32) {
    %c0_i32 = arith.constant 0 : i32
    %c0_i32_0 = arith.constant 0 : i32
    return %arg0, %arg1, %c0_i32 : i32, i32, i32
  }
  func.func @transform_2(%arg0: i32, %arg1: i32) -> (i32, i32) {
    %c0_i32 = arith.constant 0 : i32
    %c0_i32_0 = arith.constant 0 : i32
    %c0_i32_1 = arith.constant 0 : i32
    return %c0_i32, %c0_i32_0 : i32, i32
  }
  func.func @transform_3(%arg0: i32, %arg1: i32) -> (i32, i32) {
    %c0_i32 = arith.constant 0 : i32
    %c0_i32_0 = arith.constant 0 : i32
    %c0_i32_1 = arith.constant 0 : i32
    return %c0_i32, %c0_i32_0 : i32, i32
  }
  func.func @transform_4(%arg0: i32, %arg1: i32) -> (i32, i32) {
    %c0_i32 = arith.constant 0 : i32
    %c0_i32_0 = arith.constant 0 : i32
    %c0_i32_1 = arith.constant 0 : i32
    return %c0_i32, %c0_i32_0 : i32, i32
  }
  func.func @transform_5(%arg0: i32, %arg1: i32) -> (i32, i32) {
    %c0_i32 = arith.constant 0 : i32
    %c0_i32_0 = arith.constant 0 : i32
    %c0_i32_1 = arith.constant 0 : i32
    return %c0_i32, %c0_i32_0 : i32, i32
  }
  func.func @transform_6(%arg0: i32, %arg1: i32) -> (i32, i32, i32, i32) {
    %c0_i32 = arith.constant 0 : i32
    %c0_i32_0 = arith.constant 0 : i32
    %c0_i32_1 = arith.constant 0 : i32
    return %arg0, %c0_i32, %arg1, %c0_i32_0 : i32, i32, i32, i32
  }
  func.func @transform_7(%arg0: i32, %arg1: i32) -> (i32, i32, i32) {
    %c0_i32 = arith.constant 0 : i32
    %c0_i32_0 = arith.constant 0 : i32
    return %arg0, %c0_i32, %arg1 : i32, i32, i32
  }
  func.func @transform_8(%arg0: i32, %arg1: i32) -> (i32, i32, i32) {
    %c0_i32 = arith.constant 0 : i32
    %c0_i32_0 = arith.constant 0 : i32
    return %arg0, %c0_i32, %arg1 : i32, i32, i32
  }
}

module attributes {stable_mosaic.version = 14 : i64} {
  func.func @_final_body(%arg0: i32, %arg1: memref<2048x64xf32, #tpu.memory_space<vmem>>, %arg2: memref<1x2048x32xf32, #tpu.memory_space<vmem>>, %arg3: memref<1x2048x32xf32, #tpu.memory_space<vmem>>, %arg4: memref<128x64xf32, #tpu.memory_space<vmem>>, %arg5: memref<1x64xf32, #tpu.memory_space<vmem>>, %arg6: memref<2048x64xf32, #tpu.memory_space<vmem>>) attributes {dimension_semantics = [#tpu.dimension_semantics<parallel>], iteration_bounds = array<i64: 8>, scalar_prefetch = 0 : i64, scratch_operands = 0 : i64, tpu.core_type = #tpu.core_type<tc>, window_params = [{transform_indices = @transform_0, window_bounds = array<i64: 2048, 64>}, {transform_indices = @transform_1, window_bounds = array<i64: 1, 2048, 32>}, {transform_indices = @transform_2, window_bounds = array<i64: 1, 2048, 32>}, {pipeline_mode = #tpu.pipeline_mode<synchronous>, transform_indices = @transform_3, window_bounds = array<i64: 128, 64>}, {pipeline_mode = #tpu.pipeline_mode<synchronous>, transform_indices = @transform_4, window_bounds = array<i64: 1, 64>}, {transform_indices = @transform_5, window_bounds = array<i64: 2048, 64>}]} {
    %get3A = arith.constant 0 : index
    %get3A_0 = arith.constant 0 : index
    %get3A_1 = arith.constant 0 : index
    %get3A_2 = vector.load %arg2[%get3A, %get3A_0, %get3A_1] : memref<1x2048x32xf32, #tpu.memory_space<vmem>>, vector<1x2048x32xf32>
    %get3A_3 = vector.shape_cast %get3A_2 : vector<1x2048x32xf32> to vector<2048x32xf32>
    %get3A_4 = arith.constant 0 : index
    %get3A_5 = arith.constant 0 : index
    %get3A_6 = arith.constant 0 : index
    %get3A_7 = vector.load %arg3[%get3A_4, %get3A_5, %get3A_6] : memref<1x2048x32xf32, #tpu.memory_space<vmem>>, vector<1x2048x32xf32>
    %get3A_8 = vector.shape_cast %get3A_7 : vector<1x2048x32xf32> to vector<2048x32xf32>
    %get3A_9 = arith.constant 0 : index
    %get3A_10 = arith.constant 0 : index
    %get3A_11 = vector.load %arg1[%get3A_9, %get3A_10] : memref<2048x64xf32, #tpu.memory_space<vmem>>, vector<2048x64xf32>
    %slice3A = vector.extract_strided_slice %get3A_3 {offsets = [0, 0], sizes = [2048, 16], strides = [1, 1]} : vector<2048x32xf32> to vector<2048x16xf32>
    %slice3A_12 = vector.extract_strided_slice %get3A_8 {offsets = [0, 0], sizes = [2048, 16], strides = [1, 1]} : vector<2048x32xf32> to vector<2048x16xf32>
    %slice3A_13 = vector.extract_strided_slice %get3A_3 {offsets = [0, 16], sizes = [2048, 16], strides = [1, 1]} : vector<2048x32xf32> to vector<2048x16xf32>
    %slice3A_14 = vector.extract_strided_slice %get3A_8 {offsets = [0, 16], sizes = [2048, 16], strides = [1, 1]} : vector<2048x32xf32> to vector<2048x16xf32>
    %concatenate3A = tpu.concatenate %get3A_11, %slice3A, %slice3A_12, %slice3A_13, %slice3A_14 in 1 : vector<2048x64xf32>, vector<2048x16xf32>, vector<2048x16xf32>, vector<2048x16xf32>, vector<2048x16xf32> -> vector<2048x128xf32>
    %get3A_15 = arith.constant 0 : index
    %get3A_16 = arith.constant 0 : index
    %get3A_17 = vector.load %arg4[%get3A_15, %get3A_16] : memref<128x64xf32, #tpu.memory_space<vmem>>, vector<128x64xf32>
    %dot_general3A = arith.constant dense<0.000000e+00> : vector<2048x64xf32>
    %dot_general3A_18 = tpu.matmul %concatenate3A, %get3A_17, %dot_general3A {dimension_numbers = #tpu.dot_dimension_numbers<[1], [0], [0], [1], [0, 0, 1, 1], [], []>, transpose_lhs_hint = false} : vector<2048x128xf32>, vector<128x64xf32>, vector<2048x64xf32> -> vector<2048x64xf32>
    %get3A_19 = arith.constant 0 : index
    %get3A_20 = arith.constant 0 : index
    %get3A_21 = vector.load %arg5[%get3A_19, %get3A_20] : memref<1x64xf32, #tpu.memory_space<vmem>>, vector<1x64xf32>
    %add3A = vector.broadcast %get3A_21 : vector<1x64xf32> to vector<2048x64xf32>
    %add3A_22 = arith.addf %dot_general3A_18, %add3A : vector<2048x64xf32>
    %tanh3A = math.tanh %add3A_22 : vector<2048x64xf32>
    %swap3A = arith.constant 0 : index
    %swap3A_23 = arith.constant 0 : index
    %swap3A_24 = vector.load %arg6[%swap3A, %swap3A_23] : memref<2048x64xf32, #tpu.memory_space<vmem>>, vector<2048x64xf32>
    tpu.vector_store %arg6[%swap3A, %swap3A_23], %tanh3A {strides = array<i32>} : memref<2048x64xf32, #tpu.memory_space<vmem>>, vector<2048x64xf32>,
    return
  }
  func.func @transform_0(%arg0: i32) -> (i32, i32) {
    %c0_i32 = arith.constant 0 : i32
    %c0_i32_0 = arith.constant 0 : i32
    return %arg0, %c0_i32 : i32, i32
  }
  func.func @transform_1(%arg0: i32) -> (i32, i32, i32) {
    %c0_i32 = arith.constant 0 : i32
    %c0_i32_0 = arith.constant 0 : i32
    %c0_i32_1 = arith.constant 0 : i32
    return %c0_i32, %arg0, %c0_i32_0 : i32, i32, i32
  }
  func.func @transform_2(%arg0: i32) -> (i32, i32, i32) {
    %c1_i32 = arith.constant 1 : i32
    %c0_i32 = arith.constant 0 : i32
    %c0_i32_0 = arith.constant 0 : i32
    return %c1_i32, %arg0, %c0_i32 : i32, i32, i32
  }
  func.func @transform_3(%arg0: i32) -> (i32, i32) {
    %c0_i32 = arith.constant 0 : i32
    %c0_i32_0 = arith.constant 0 : i32
    %c0_i32_1 = arith.constant 0 : i32
    return %c0_i32, %c0_i32_0 : i32, i32
  }
  func.func @transform_4(%arg0: i32) -> (i32, i32) {
    %c0_i32 = arith.constant 0 : i32
    %c0_i32_0 = arith.constant 0 : i32
    %c0_i32_1 = arith.constant 0 : i32
    return %c0_i32, %c0_i32_0 : i32, i32
  }
  func.func @transform_5(%arg0: i32) -> (i32, i32) {
    %c0_i32 = arith.constant 0 : i32
    %c0_i32_0 = arith.constant 0 : i32
    return %arg0, %c0_i32 : i32, i32
  }
}

</mosaic_0001>

<sc_bundles>
// kernel: kernel.5.cloned.1.call-start
scs
__scs_entry_jumppad:
0x0: {  	(pc) =	sbr.rel $0x88, $3  }
0x1: {  	(tag) =	ssettag $0x0;
	lr =	simm.s32 $0x1  }
0x2: {  	[smem:$0x3F9A] =	sst lr;
	_ =	strace $0xD0000000  }
0x3: {  	_ = 	snop  }
0x4: {  	_ = 	snop  }
0x5: {  	_ = 	snop  }
0x6: {  	_ = 	snop  }
0x7: {  	_ = 	snop  }
__scs_overlays_trampoline_lowered:
0x8: {  	[smem:$0x3FA9] =	sst s0  }
0x9: {  	[smem:$0x3FAA] =	sst s1  }
0xa: {  	[smem:$0x3FAB] =	sst s2  }
0xb: {  	[smem:$0x3FAC] =	sst s3  }
0xc: {  	[smem:$0x3FAD] =	sst s4  }
0xd: {  	[smem:$0x3FAE] =	sst s5  }
0xe: {  	[smem:$0x3FAF] =	sst s6  }
0xf: {  	[smem:$0x3FB0] =	sst s7  }
0x10: {  	[smem:$0x3FB1] =	sst s8  }
0x11: {  	[smem:$0x3FB2] =	sst s9;
	s0 =	simm.s32 @!p0 $0x0  }
0x12: {  	s1 =	sld [smem:$0x3F98];
	s0 =	simm.s32 @p0 $0x1  }
0x13: {  	[smem:$0x3FB3] =	sst s0;
	s0 =	simm.s32 @!p1 $0x0  }
0x14: {  	s2 =	sld [smem:$0x3F97];
	s0 =	simm.s32 @p1 $0x1  }
0x15: {  	[smem:$0x3FB4] =	sst s0;
	s0 =	simm.s32 @!p2 $0x0  }
0x16: {  	s3 =	sld [smem:$0x3FDB];
	s0 =	simm.s32 @p2 $0x1  }
0x17: {  	s4 =	simm.s32 $0x1BF5;
	[smem:$0x3FB6] =	sst s0  }
0x18: {  	s0 =	sld [smem:$0x3F99];
	_ =	swait.ge [sflag:s4], $0x0  }
0x19: {  	s7 =	sld [smem:$0x3F9A]  }
0x1a: {  	s8 =	sadd.s32 $0xFFFFE003, lr  }
0x1b: {  	s9 =	sadd.s32 $0xFFFFFEF7, lr;
	s5 =	simm.s32 $0xFFFFFFFF;
	p2 =	slt.u32 s8, $0xFFFFF086  }
0x1c: {  	p1 =	slt.u32 s9, $0xF7A;
	s5 =	simm.s32 @!p2 $0x0  }
0x1d: {  	s5 =	simm.s32 @p1 $0x1;
	p0 =	seq.s32 s7, s2  }
0x1e: {  	s7 =	smul.u32 @!p0 $0xF7A, s2;
	p2 =	seq.s32 @!p0 s5, $0x0  }
0x1f: {  	s9 =	smul.u32 $0xF7A, s1;
	s8 =	simm.s32 @!p0 $0x1BF5;
	p2 =	por !p2, p0  }
0x20: {  	[sflag:s8] =	ssyncset.s32 @!p0 $0xFFFFF086;
	s6 =	sadd.s32 @!p0 s3, s7;
	s7 =	simm.s32 @!p0 $0x108  }
0x21: {  	s3 =	sadd.s32 s3, s9;
	s6 =	sadd.s32 @!p0 $0x88, s6;
	s7 =	simm.s32 @p2 $0x1082  }
0x22: {  	[simem:s7], [sflag:s8] =	dma.local @!p0 [hbm:s6], $0xF7A  }
0x23: {  	s9 =	sor.u32 $0xD0000000, s2;
	s6 =	simm.s32 $0x108;
	_ =	swait.ge @!p0 [sflag:s8], $0x0  }
0x24: {  	s3 =	sadd.s32 $0x88, s3;
	s6 =	simm.s32 @!p1 $0x1082;
	[sflag:s4] =	ssyncset.s32 $0xFFFFF086  }
0x25: {  	[simem:s6], [sflag:s4] =	dma.local [hbm:s3], $0xF7A  }
0x26: {  	[smem:$0x3F9A] =	sst s1;
	(tag) =	ssettag s2;
	_ =	strace s9  }
0x27: {  	s1 =	sld [smem:$0x3FAA]  }
0x28: {  	s2 =	sld [smem:$0x3FAB]  }
0x29: {  	s4 =	sld [smem:$0x3FAD]  }
0x2a: {  	p0 =	seq.s32 s5, $0x0;
	s5 =	sld [smem:$0x3FAE]  }
0x2b: {  	s6 =	sld [smem:$0x3FAF]  }
0x2c: {  	s7 =	sld [smem:$0x3FB0]  }
0x2d: {  	s3 =	simm.s32 $0x108;
	s8 =	sld [smem:$0x3FB1]  }
0x2e: {  	s3 =	simm.s32 @!p0 $0x1082;
	s9 =	sld [smem:$0x3FB2]  }
0x2f: {  	lr =	sadd.s32 s0, s3;
	s0 =	sld [smem:$0x3FA9]  }
0x30: {  	s3 =	sld [smem:$0x3FAC]  }
0x31: {  	[smem:$0x3FB5] =	sst s10  }
0x32: {  	s10 =	sld [smem:$0x3FB3];
	_ =	sdelay $0x3  }
0x33: {  	p0 =	seq.s32 s10, $0x1;
	s10 =	sld [smem:$0x3FB5];
	_ =	sdelay $0x3  }
0x34: {  	[smem:$0x3FB5] =	sst s10  }
0x35: {  	s10 =	sld [smem:$0x3FB4];
	_ =	sdelay $0x3  }
0x36: {  	p1 =	seq.s32 s10, $0x1;
	s10 =	sld [smem:$0x3FB5];
	_ =	sdelay $0x3  }
0x37: {  	[smem:$0x3FB5] =	sst s10  }
0x38: {  	s10 =	sld [smem:$0x3FB6]  }
0x39: {  	_ = 	snop;
	(pc) =	sbr.ind lr, $3  }
0x3a: {  	_ = 	snop  }
0x3b: {  	_ = 	snop  }
0x3c: {  	p2 =	seq.s32 s10, $0x1;
	s10 =	sld [smem:$0x3FB5]  }
0x3d: {  	_ =	shalt  }
0x3e: {  	_ =	shalt  }
0x3f: {  	_ =	shalt  }
0x40: {  	_ =	shalt  }
0x41: {  	_ =	shalt  }
0x42: {  	_ =	shalt  }
0x43: {  	_ =	shalt  }
0x44: {  	_ =	shalt  }
0x45: {  	_ =	shalt  }
0x46: {  	_ =	shalt  }
0x47: {  	_ =	shalt  }
0x48: {  	_ =	shalt  }
0x49: {  	_ =	shalt  }
0x4a: {  	_ =	shalt  }
0x4b: {  	_ =	shalt  }
0x4c: {  	_ =	shalt  }
0x4d: {  	_ =	shalt  }
0x4e: {  	_ =	shalt  }
0x4f: {  	_ =	shalt  }
0x50: {  	_ =	shalt  }
0x51: {  	_ =	shalt  }
0x52: {  	_ =	shalt  }
0x53: {  	_ =	shalt  }
0x54: {  	_ =	shalt  }
0x55: {  	_ =	shalt  }
0x56: {  	_ =	shalt  }
0x57: {  	_ =	shalt  }
0x58: {  	_ =	shalt  }
0x59: {  	_ =	shalt  }
0x5a: {  	_ =	shalt  }
0x5b: {  	_ =	shalt  }
0x5c: {  	_ =	shalt  }
0x5d: {  	_ =	shalt  }
0x5e: {  	_ =	shalt  }
0x5f: {  	_ =	shalt  }
0x60: {  	_ =	shalt  }
0x61: {  	_ =	shalt  }
0x62: {  	_ =	shalt  }
0x63: {  	_ =	shalt  }
0x64: {  	_ =	shalt  }
0x65: {  	_ =	shalt  }
0x66: {  	_ =	shalt  }
0x67: {  	_ =	shalt  }
0x68: {  	_ =	shalt  }
0x69: {  	_ =	shalt  }
0x6a: {  	_ =	shalt  }
0x6b: {  	_ =	shalt  }
0x6c: {  	_ =	shalt  }
0x6d: {  	_ =	shalt  }
0x6e: {  	_ =	shalt  }
0x6f: {  	_ =	shalt  }
0x70: {  	_ =	shalt  }
0x71: {  	_ =	shalt  }
0x72: {  	_ =	shalt  }
0x73: {  	_ =	shalt  }
0x74: {  	_ =	shalt  }
0x75: {  	_ =	shalt  }
0x76: {  	_ =	shalt  }
0x77: {  	_ =	shalt  }
0x78: {  	_ =	shalt  }
0x79: {  	_ =	shalt  }
0x7a: {  	_ =	shalt  }
0x7b: {  	_ =	shalt  }
0x7c: {  	_ =	shalt  }
0x7d: {  	_ =	shalt  }
0x7e: {  	_ =	shalt  }
0x7f: {  	_ =	shalt  }
0x80: {  	_ =	shalt  }
0x81: {  	_ =	shalt  }
0x82: {  	_ =	shalt  }
0x83: {  	_ =	shalt  }
0x84: {  	_ =	shalt  }
0x85: {  	_ =	shalt  }
0x86: {  	_ =	shalt  }
0x87: {  	_ =	shalt  }
.Lfunc_end0:
.L_simem_size_0:
called_computation_lowered:
.L_overlay_start_0:
0x88: {  	s2 =	sld [smem:$0x3FD9]  }
0x89: {  	s3 =	sld [smem:$0x3FFE];
	_ =	sdelay $0x1  }
0x8a: {  	s1 =	srdreg.scid  }
0x8b: {  	s0 =	sand.u32 $0x1, s1  }
0x8c: {  	s17 =	sshll.u32 s0, $0xA;
	s2 =	sadd.s32 s3, s2  }
0x8d: {  	s2 =	sadd.s32 s2, s17  }
0x8e: {  	[smem:$0x3FC1] =	sst s2  }
0x8f: {  	_ = 	snop  }
0x90: {  	s2 =	sld [smem:$0x3FD0];
	(tm) =	ssettm $0x1  }
0x91: {  	s18 =	sld [smem:$0x3FFB];
	_ =	sdelay $0x3  }
0x92: {  	_ =	strace s18  }
0x93: {  	s3 =	sld [smem:$0x3FFC];
	_ =	sdelay $0x3  }
0x94: {  	_ =	strace s3  }
0x95: {  	s3 =	sld [smem:$0x3FFD];
	_ =	sdelay $0x3  }
0x96: {  	_ =	strace s3  }
0x97: {  	_ =	strace $0x8FFFFFFF  }
0x98: {  	s19 =	sld [smem:$0x3FDB];
	_ =	sdelay $0x1  }
0x99: {  	s4 =	simm.s32 $_scs_section_size  }
0x9a: {  	s5 =	simm.s32 $_size__tile_overlayer_lowered;
	s6 =	simm.s32 $_tile_overlayer_lowered  }
0x9b: {  	s22 =	simm.s32 $0x1BFF;
	s21 =	sshll.u32 s6, $0x1;
	s3 =	sadd.s32 s4, s19  }
0x9c: {  	s7 =	simm.s32 $0x0;
	s20 =	sshll.u32 s5, $0x1;
	s5 =	sadd.s32 s21, s3  }
0x9d: {  	[timem:s7], [sflag:s22] =	dma.local [hbm:s5], s20  }
0x9e: {  	_ =	swait.ge [sflag:s22], s20  }
0x9f: {  	s4 =	ssub.s32 $0x0, s20;
	[sflag:s22] =	ssyncset.done $0x0  }
0xa0: {  	[sflag:s22] =	ssyncadd.s32 s4;
	_ =	sdelay $0x1  }
0xa1: {  	s23 =	simm.s32 $0x1B8B  }
0xa2: {  	_ =	swait.ge [sflag:s23], $0x1  }
0xa3: {  	[sflag:s23] =	ssyncset.done $0x0  }
0xa4: {  	s25 =	simm.s32 $0x1B8E;
	s24 =	sld [smem:$0x3FFE];
	[sflag:s23] =	ssyncadd.s32 $0xFFFFFFFF  }
0xa5: {  	s26 =	simm.s32 $execute0_lowered;
	[smem:$0x3FD2] =	sst s25  }
0xa6: {  	s5 =	sshll.u32 s26, $0x1;
	_ =	strace $0x80000046;
	[dreg:$0x1] =	wrdreg $0xFFFFFFFF  }
0xa7: {  	s28 =	simm.s32 $_size_execute0_lowered;
	s3 =	sadd.s32 s3, s5;
	[dreg:$0x0] =	wrdreg $0x0  }
0xa8: {  	s5 =	sshll.u32 s28, $0x1;
	[dreg:$0x2] =	wrdreg s3  }
0xa9: {  	[dreg:$0x3] =	wrdreg s5  }
0xaa: {  	[dreg:$0x4] =	wrdreg $0xC0  }
0xab: {  	_ =	task [dreg:s7], $0x5FFFF  }
0xac: {  	[dreg:$0x1] =	wrdreg $0xFFFFFFFF  }
0xad: {  	[dreg:$0x0] =	wrdreg $0x60  }
0xae: {  	[dreg:$0x2] =	wrdreg s24  }
0xaf: {  	[dreg:$0x3] =	wrdreg s2  }
0xb0: {  	[dreg:$0x4] =	wrdreg $0x9  }
0xb1: {  	_ =	task.clear_ibuf [dreg:s7], $0x5FFFF;
	_ =	strace $0x90000046  }
0xb2: {  	s29 =	simm.s32 $0x9;
	_ =	strace $0x80000048  }
0xb3: {  	_ =	swait.ge [sflag:s29], $0x1  }
0xb4: {  	[sflag:s29] =	ssyncadd.s32 $0xFFFFFFFF  }
0xb5: {  	_ =	strace $0x90000048  }
0xb6: {  	_ =	sfence  }
0xb7: {  	s30 =	sld [smem:$0x0];
	_ =	sdelay $0x2  }
0xb8: {  	s31 =	sshll.u32 s1, $0xD;
	s1 =	sshrl.u32 s1, $0x2  }
0xb9: {  	s3 =	sand.u32 $0x4000, s31;
	s1 =	sadd.s32 s1, s30  }
0xba: {  	s0 =	sor.u32 s3, s0;
	s1 =	sshll.u32 s1, $0x11  }
0xbb: {  	s0 =	sor.u32 s1, s0  }
0xbc: {  	s0 =	sadd.s32 $0x8F2B, s0  }
0xbd: {  	[sflag:s0] =	ssyncadd.remote.s32 $0x1  }
0xbe: {  	_ =	sfence.sel $0xFFFF  }
0xbf: {  	[dreg:$0x0] =	wrdreg $0xFFFFFFFF;
	(pc) =	sbr.abs _section_cstart, $3  }
0xc0: {  	[dreg:$0x1] =	wrdreg $0xFFFFFFFF  }
0xc1: {  	_ =	task.clear_ibuf [dreg:s7], $0x2FFFF;
	_ =	strace $0x9FFFFFFF  }
0xc2: {  	(tm) =	ssettm $0x7FFFFFFF  }
0xc3: {  	_ =	shalt  }
tec
execute0_lowered:
.L_overlay_start_1:
0x0: {  	(tag) =	ssettag $0x1  }
0x1: {  	s5 =	rddreg [dreg:$0x0]  }
0x2: {  	s2 =	rddreg [dreg:$0x1]  }
0x3: {  	s0 =	rddreg [dreg:$0x2]  }
0x4: {  	s3 =	simm.s32 $0x0;
	s1 =	stileid.u32;
	s4 =	srdreg.scid  }
0x5: {  	s10 =	simm.s32 $0x1000;
	s11 =	simm.s32 $0x10000;
	s12 =	simm.s32 $0x800  }
0x6: {  	s13 =	simm.s32 $0xC000;
	s14 =	simm.s32 $0x0;
	s23 =	simm.s32 $0x80  }
0x7: {  	[smem:$0x7FF] =	sst s3;
	s7 =	sshrl.u32 s1, $0x1;
	s8 =	sand.u32 $0x1, s4  }
0x8: {  	s4 =	sadd.s32 $0x1200, s5;
	s28 =	sand.u32 $0x1, s1;
	_ =	strace $0x80000047  }
0x9: {  	s6 =	sshll.u32 s7, $0xD;
	s26 =	sor.u32 s8, s1;
	p1 =	seq.s32 s8, $0x1  }
0xa: {  	s9 =	ssub.s32 $0x2, s8;
	s7 =	sshll.u32 s7, $0x11;
	p0 =	seq.s32 s26, $0x0  }
0xb: {  	s6 =	sadd.s32 s6, s5;
	p0 =	por !p0, !p1;
	p1 =	seq.s32 s28, $0x1  }
0xc: {  	s29 =	sshrl.u32 s9, $0x1;
	p0 =	por !p0, !p0;
	p2 =	por !p1, !p1  }
0xd: {  	s5 =	sshll.u32 s8, $0xA;
	s9 =	ssub.s32 s9, s29;
	p2 =	por @!p0 p1, p1  }
0xe: {  	s9 =	smax.u32 s9, $0x1;
	s10 =	simm.s32 @!p2 $0x0;
	s11 =	simm.s32 @!p2 $0x0  }
0xf: {  	v0 =	vlaneseq.u32;
	s30 =	sadd.s32 s10, s6;
	s31 =	sadd.s32 s11, s6;
	s10 =	simm.s32 $0x1  }
0x10: {  	v0 =	vmul.u32 $0x20, v0;
	s11 =	simm.s32 $0x80;
	s6 =	sadd.s32 $0x81200, s30;
	s8 =	sadd.s32 $0x21200, s31  }
.LBB2_1:
0x11: {  	[tilespmem:s3], [sflag:$0x1] =	stream.linear.gather [hbm4b:s6+s3], $0x8000, $0x38;
	[tilespmem:$0xD000] =	vst v63  }
0x12: {  	_ =	swait.ge [sflag:s10], $0x8000  }
0x13: {  	[sflag:s10] =	ssyncset.done $0x0  }
0x14: {  	s15 =	simm.s32 $0x0;
	[sflag:s10] =	ssyncadd.s32 $0xFFFF8000  }
.LBB2_2:
0x15: {  	s16 =	sshll.u32 s15, $0x7  }
0x16: {  	s16 =	sadd.s32 s5, s16  }
0x17: {  	s17 =	sadd.s32 s7, s16  }
0x18: {  	s18 =	sshrl.u32 s17, $0x3  }
0x19: {  	s17 =	simm.s32 $0x8000;
	s19 =	sadd.s32 s2, s18  }
0x1a: {  	[tilespmem:s17], [sflag:$0x1] =	stream.strided.gather [hbm4b:s19+s11], $0x2000, s12, s11, $0x38;
	[tilespmem:$0xD000] =	vst v63  }
0x1b: {  	_ =	swait.ge [sflag:s10], $0x2000  }
0x1c: {  	[sflag:s10] =	ssyncset.done $0x0  }
0x1d: {  	s31 =	sadd.s32 s4, s18;
	s18 =	simm.s32 $0xA000;
	[sflag:s10] =	ssyncadd.s32 $0xFFFFE000  }
0x1e: {  	[tilespmem:s18], [sflag:$0x1] =	stream.strided.gather [hbm4b:s31+s11], $0x2000, s12, s11, $0x38;
	[tilespmem:$0xD000] =	vst v63  }
0x1f: {  	_ =	swait.ge [sflag:s10], $0x2000  }
0x20: {  	[sflag:s10] =	ssyncset.done $0x0  }
0x21: {  	s19 =	simm.s32 $0x0;
	[sflag:s10] =	ssyncadd.s32 $0xFFFFE000  }
.LBB2_3:
0x22: {  	v2 =	vmov s17;
	_ =	sdelay $0x3  }
0x23: {  	s20 =	simm.s32 $0x0  }
0x24: {  	v3 =	vld.idx.msk [tilespmem:v2+s20+$0x0 ss:$0x1], $0xffff;
	_ =	sdelay $0x3  }
0x25: {  	v1 =	vmov s18  }
0x26: {  	v10 =	vshll.u32 v3, $0x4  }
0x27: {  	v3 =	vor.u32 $0x7, v10  }
0x28: {  	v4 =	vor.u32 $0x1, v10  }
0x29: {  	v5 =	vor.u32 $0x2, v10  }
0x2a: {  	v9 =	vld.idx.msk [tilespmem:v1+s20+$0x0 ss:$0x1], $0xffff;
	v13 =	vor.u32 $0x3, v10  }
0x2b: {  	v7 =	vld.idx.msk [tilespmem:v2+s23+$0x0 ss:$0x1], $0xffff;
	v16 =	vor.u32 $0x5, v10  }
0x2c: {  	v17 =	vor.u32 $0x6, v10;
	v11 =	vld.idx.msk [tilespmem:v3+s3+$0x0], $0xffff  }
0x2d: {  	v14 =	vor.u32 $0x4, v10;
	v4 =	vld.idx.msk [tilespmem:v4+s3+$0x0], $0xffff  }
0x2e: {  	v8 =	vimm.f32 $-Inf;
	v6 =	vimm.f32 $0.0e+00;
	v23 =	vimm.f32 $-Inf;
	v15 =	vld.idx.msk [tilespmem:v5+s3+$0x0], $0xffff  }
0x2f: {  	v22 =	vimm.f32 $0.0e+00;
	v19 =	vimm.f32 $0.0e+00;
	v24 =	vimm.f32 $0.0e+00;
	v28 =	vld.idx.msk [tilespmem:v13+s3+$0x0], $0xffff  }
0x30: {  	v20 =	vimm.f32 $-Inf;
	v21 =	vimm.f32 $0.0e+00;
	v3 =	vshll.u32 v7, $0x4;
	v31 =	vld.idx.msk [tilespmem:v16+s3+$0x0], $0xffff  }
0x31: {  	v13 =	vimm.f32 $-Inf;
	v32 =	vld.idx.msk [tilespmem:v17+s3+$0x0], $0xffff;
	v16 =	vimm.f32 $0.0e+00;
	v17 =	vimm.f32 $-Inf  }
0x32: {  	v30 =	vld.idx.msk [tilespmem:v14+s3+$0x0], $0xffff;
	v14 =	vimm.f32 $0.0e+00;
	v27 =	vor.u32 $0x1, v3;
	v29 =	vor.u32 $0x7, v3  }
0x33: {  	v26 =	vor.u32 $0x2, v3;
	v25 =	vor.u32 $0x3, v3;
	v12 =	vor.u32 $0x4, v3  }
0x34: {  	v7 =	vor.u32 $0x6, v3;
	v18 =	vmul.f32 v11, v9;
	v11 =	vor.u32 $0x5, v3  }
0x35: {  	v33 =	vld.idx.msk [tilespmem:v10+s3+$0x0], $0xffff;
	v35 =	vmul.f32 v4, v9;
	v34 =	vmul.f32 v15, v9;
	v15 =	vimm.f32 $-Inf  }
0x36: {  	s21 =	simm.s32 $0x100;
	s22 =	simm.s32 $0x600;
	s20 =	sshll.u32 s19, $0x4;
	v10 =	vld.idx.msk [tilespmem:v1+s23+$0x0 ss:$0x1], $0xffff;
	v5 =	vadd.f32 v18, v6;
	v4 =	vmax.f32 v8, v18;
	v18 =	vimm.f32 $-Inf  }
.LBB2_4:
0x37: {  	p0 =	sne.s32 s22, $0x4C00;
	v36 =	vld.idx.msk [tilespmem:v2+s21+$0x0 ss:$0x1], $0xffff;
	v28 =	vmul.f32 v28, v9;
	v30 =	vmul.f32 v30, v9  }
0x38: {  	v37 =	vld.idx.msk [tilespmem:v29+s3+$0x0], $0xffff;
	v8 =	vmax.f32 v8, v35;
	v6 =	vadd.f32 v35, v6;
	v29 =	vmul.f32 v31, v9  }
0x39: {  	v23 =	vmax.f32 v23, v34;
	v22 =	vadd.f32 v34, v22;
	v35 =	vld.idx.msk [tilespmem:v27+s3+$0x0], $0xffff;
	v27 =	vmul.f32 v32, v9  }
0x3a: {  	v13 =	vmax.f32 v13, v28;
	v16 =	vadd.f32 v28, v16;
	v34 =	vld.idx.msk [tilespmem:v26+s3+$0x0], $0xffff;
	v26 =	vmul.f32 v33, v9  }
0x3b: {  	v17 =	vmax.f32 v17, v30;
	v14 =	vadd.f32 v30, v14;
	v18 =	vmax.f32 v18, v29;
	v28 =	vld.idx.msk [tilespmem:v25+s3+$0x0], $0xffff  }
0x3c: {  	v19 =	vadd.f32 v29, v19;
	v15 =	vmax.f32 v15, v27;
	v24 =	vadd.f32 v27, v24;
	v30 =	vld.idx.msk [tilespmem:v12+s3+$0x0], $0xffff  }
.Ltmp0:
0x3d: {  	v9 =	vmovc v10;
	v36 =	vshll.u32 v36, $0x4;
	v20 =	vmax.f32 v20, v26;
	v21 =	vadd.f32 v26, v21;
	v31 =	vld.idx.msk [tilespmem:v11+s3+$0x0], $0xffff;
	(pc) =	sbr.rel @p0 .LBB2_4-.Ltmp0, $4  }
0x3e: {  	v27 =	vor.u32 $0x1, v36;
	v29 =	vor.u32 $0x7, v36;
	v37 =	vmul.f32 v37, v9;
	v32 =	vld.idx.msk [tilespmem:v7+s3+$0x0], $0xffff  }
0x3f: {  	v26 =	vor.u32 $0x2, v36;
	v25 =	vor.u32 $0x3, v36;
	v12 =	vor.u32 $0x4, v36;
	v33 =	vld.idx.msk [tilespmem:v3+s3+$0x0], $0xffff;
	v3 =	vmovc v36  }
0x40: {  	v5 =	vadd.f32 v37, v5;
	v11 =	vor.u32 $0x5, v3;
	v7 =	vor.u32 $0x6, v3  }
0x41: {  	v35 =	vmul.f32 v35, v9;
	v34 =	vmul.f32 v34, v9;
	v4 =	vmax.f32 v4, v37;
	v10 =	vld.idx.msk [tilespmem:v1+s21+$0x0 ss:$0x1], $0xffff;
	s21 =	sshra.s32 s22, $0x2;
	s22 =	sadd.s32 $0x200, s22  }
0x42: {  	_ =	sdelay $0x3  }
0x43: {  	v36 =	vld.idx.msk [tilespmem:v2+s21+$0x0 ss:$0x1], $0xffff  }
0x44: {  	v29 =	vld.idx.msk [tilespmem:v29+s3+$0x0], $0xffff  }
0x45: {  	v27 =	vld.idx.msk [tilespmem:v27+s3+$0x0], $0xffff  }
0x46: {  	v28 =	vmul.f32 v28, v9;
	v26 =	vld.idx.msk [tilespmem:v26+s3+$0x0], $0xffff  }
0x47: {  	v30 =	vmul.f32 v30, v9;
	v31 =	vmul.f32 v31, v9;
	v25 =	vld.idx.msk [tilespmem:v25+s3+$0x0], $0xffff  }
0x48: {  	v12 =	vld.idx.msk [tilespmem:v12+s3+$0x0], $0xffff;
	v8 =	vmax.f32 v8, v35;
	v6 =	vadd.f32 v35, v6;
	v23 =	vmax.f32 v23, v34  }
0x49: {  	v11 =	vld.idx.msk [tilespmem:v11+s3+$0x0], $0xffff;
	v22 =	vadd.f32 v34, v22;
	v32 =	vmul.f32 v32, v9;
	v9 =	vmul.f32 v33, v9  }
0x4a: {  	v7 =	vld.idx.msk [tilespmem:v7+s3+$0x0], $0xffff;
	v13 =	vmax.f32 v13, v28;
	v16 =	vadd.f32 v28, v16;
	v17 =	vmax.f32 v17, v30  }
0x4b: {  	v3 =	vld.idx.msk [tilespmem:v3+s3+$0x0], $0xffff;
	v14 =	vadd.f32 v30, v14;
	v18 =	vmax.f32 v18, v31;
	v19 =	vadd.f32 v31, v19  }
0x4c: {  	v15 =	vmax.f32 v15, v32;
	v24 =	vadd.f32 v32, v24;
	v20 =	vmax.f32 v20, v9  }
0x4d: {  	v28 =	vshll.u32 v36, $0x4;
	v29 =	vmul.f32 v29, v10;
	v27 =	vmul.f32 v27, v10  }
0x4e: {  	v9 =	vadd.f32 v9, v21;
	v26 =	vmul.f32 v26, v10;
	v25 =	vmul.f32 v25, v10  }
0x4f: {  	v12 =	vmul.f32 v12, v10;
	v11 =	vmul.f32 v11, v10;
	v21 =	vor.u32 $0x1, v28  }
0x50: {  	v7 =	vmul.f32 v7, v10;
	v10 =	vmul.f32 v3, v10;
	v31 =	vor.u32 $0x2, v28  }
0x51: {  	v62 =	vld.idx.msk [tilespmem:v1+s21+$0x0 ss:$0x1], $0xffff;
	v3 =	vmov s20;
	v30 =	vor.u32 $0x7, v28;
	v58 =	vor.u32 $0x3, v28  }
0x52: {  	v59 =	vor.u32 $0x4, v28;
	v8 =	vmax.f32 v8, v27;
	v6 =	vadd.f32 v27, v6;
	v27 =	vld.idx.msk [tilespmem:v28+s3+$0x0], $0xffff  }
0x53: {  	v60 =	vor.u32 $0x5, v28;
	v61 =	vor.u32 $0x6, v28;
	v3 =	vshll.u32 v3, $0x5  }
0x54: {  	v5 =	vadd.f32 v29, v5;
	v23 =	vmax.f32 v23, v26;
	v22 =	vadd.f32 v26, v22;
	v21 =	vld.idx.msk [tilespmem:v21+s3+$0x0], $0xffff  }
0x55: {  	v13 =	vmax.f32 v13, v25;
	v16 =	vadd.f32 v25, v16;
	v17 =	vmax.f32 v17, v12;
	v25 =	vld.idx.msk [tilespmem:v31+s3+$0x0], $0xffff  }
0x56: {  	v12 =	vadd.f32 v12, v14;
	v14 =	vmax.f32 v18, v11;
	v11 =	vadd.f32 v11, v19  }
0x57: {  	v9 =	vadd.f32 v10, v9;
	v3 =	vor.u32 v0, v3;
	v18 =	vld.idx.msk [tilespmem:v58+s3+$0x0], $0xffff;
	v19 =	vmul.f32 v27, v62  }
0x58: {  	v24 =	vadd.f32 v7, v24;
	v10 =	vmax.f32 v20, v10;
	v26 =	vld.idx.msk [tilespmem:v30+s3+$0x0], $0xffff;
	v27 =	vor.u32 $0x10, v3  }
0x59: {  	v20 =	vor.u32 $0x1, v3;
	v28 =	vld.idx.msk [tilespmem:v59+s3+$0x0], $0xffff;
	v21 =	vmul.f32 v21, v62;
	v9 =	vadd.f32 v19, v9  }
0x5a: {  	v30 =	vld.idx.msk [tilespmem:v60+s3+$0x0], $0xffff;
	v31 =	vor.u32 $0x11, v3;
	v25 =	vmul.f32 v25, v62;
	v10 =	vmax.f32 v10, v19  }
0x5b: {  	v63 =	vld.idx.msk [tilespmem:v61+s3+$0x0], $0xffff;
	v19 =	vor.u32 $0x2, v3;
	v6 =	vadd.f32 v21, v6;
	v9 =	vmul.f32 $2.564102600e-02, v9  }
0x5c: {  	v18 =	vmul.f32 v18, v62;
	v8 =	vmax.f32 v8, v21;
	[tilespmem:v3+s13+$0x0] =	vst.idx.msk $0xffff, v10;
	v10 =	vor.u32 $0x12, v3  }
0x5d: {  	v21 =	vadd.f32 v25, v22;
	v6 =	vmul.f32 $2.564102600e-02, v6;
	[tilespmem:v27+s13+$0x0] =	vst.idx.msk $0xffff, v9;
	v9 =	vor.u32 $0x3, v3  }
0x5e: {  	v22 =	vmul.f32 v28, v62;
	v23 =	vmax.f32 v23, v25;
	[tilespmem:v20+s13+$0x0] =	vst.idx.msk $0xffff, v8;
	v8 =	vor.u32 $0x13, v3  }
0x5f: {  	v16 =	vadd.f32 v18, v16;
	v20 =	vor.u32 $0x4, v3;
	[tilespmem:v31+s13+$0x0] =	vst.idx.msk $0xffff, v6;
	v6 =	vmul.f32 $2.564102600e-02, v21  }
0x60: {  	v13 =	vmax.f32 v13, v18;
	v18 =	vor.u32 $0x14, v3;
	v12 =	vadd.f32 v22, v12;
	[tilespmem:v19+s13+$0x0] =	vst.idx.msk $0xffff, v23  }
0x61: {  	v21 =	vmul.f32 v30, v62;
	[tilespmem:v10+s13+$0x0] =	vst.idx.msk $0xffff, v6;
	v6 =	vmul.f32 $2.564102600e-02, v16;
	v10 =	vor.u32 $0x5, v3  }
0x62: {  	v17 =	vmax.f32 v17, v22;
	v16 =	vmul.f32 v63, v62;
	[tilespmem:v9+s13+$0x0] =	vst.idx.msk $0xffff, v13;
	v9 =	vor.u32 $0x15, v3  }
0x63: {  	v11 =	vadd.f32 v21, v11;
	[tilespmem:v8+s13+$0x0] =	vst.idx.msk $0xffff, v6;
	v6 =	vmul.f32 $2.564102600e-02, v12;
	v8 =	vor.u32 $0x6, v3  }
0x64: {  	v13 =	vmax.f32 v14, v21;
	v14 =	vor.u32 $0x16, v3;
	v12 =	vmul.f32 v26, v62;
	[tilespmem:v20+s13+$0x0] =	vst.idx.msk $0xffff, v17  }
0x65: {  	v17 =	vadd.f32 v16, v24;
	[tilespmem:v18+s13+$0x0] =	vst.idx.msk $0xffff, v6;
	v6 =	vmul.f32 $2.564102600e-02, v11;
	v11 =	vor.u32 $0x7, v3  }
0x66: {  	v7 =	vmax.f32 v15, v7;
	[tilespmem:v10+s13+$0x0] =	vst.idx.msk $0xffff, v13;
	v10 =	vor.u32 $0x17, v3  }
0x67: {  	v7 =	vmax.f32 v7, v16;
	v5 =	vadd.f32 v12, v5;
	[tilespmem:v9+s13+$0x0] =	vst.idx.msk $0xffff, v6;
	v6 =	vmul.f32 $2.564102600e-02, v17  }
0x68: {  	v4 =	vmax.f32 v4, v29;
	[tilespmem:v8+s13+$0x0] =	vst.idx.msk $0xffff, v7  }
0x69: {  	v4 =	vmax.f32 v4, v12;
	v5 =	vmul.f32 $2.564102600e-02, v5;
	[tilespmem:v14+s13+$0x0] =	vst.idx.msk $0xffff, v6  }
0x6a: {  	[tilespmem:v11+s13+$0x0] =	vst.idx.msk $0xffff, v4  }
0x6b: {  	s31 =	simm.s32 $0x0;
	[tilespmem:v10+s13+$0x0] =	vst.idx.msk $0xffff, v5  }
0x6c: {  	v4 =	vld.idx.msk [tilespmem:v2+s31+$0x0 ss:$0x1], $0xffff;
	_ =	sdelay $0x4  }
0x6d: {  	v5 =	vshll.u32 v4, $0x4  }
0x6e: {  	v4 =	vor.u32 $0xF, v5  }
0x6f: {  	v6 =	vor.u32 $0x8, v5  }
0x70: {  	s22 =	simm.s32 $0x80;
	v7 =	vor.u32 $0x9, v5  }
0x71: {  	v9 =	vld.idx.msk [tilespmem:v2+s22+$0x0 ss:$0x1], $0xffff;
	v16 =	vor.u32 $0xB, v5  }
0x72: {  	v10 =	vld.idx.msk [tilespmem:v1+s31+$0x0 ss:$0x1], $0xffff;
	v17 =	vor.u32 $0xC, v5  }
0x73: {  	v20 =	vor.u32 $0xD, v5;
	v11 =	vld.idx.msk [tilespmem:v4+s3+$0x0], $0xffff  }
0x74: {  	v21 =	vor.u32 $0xE, v5;
	v15 =	vld.idx.msk [tilespmem:v6+s3+$0x0], $0xffff  }
0x75: {  	v25 =	vimm.f32 $-Inf;
	v14 =	vor.u32 $0xA, v5;
	v18 =	vld.idx.msk [tilespmem:v7+s3+$0x0], $0xffff  }
0x76: {  	v22 =	vimm.f32 $-Inf;
	v27 =	vimm.f32 $-Inf;
	v19 =	vimm.f32 $-Inf;
	v32 =	vld.idx.msk [tilespmem:v16+s3+$0x0], $0xffff  }
0x77: {  	v23 =	vimm.f32 $0.0e+00;
	v26 =	vimm.f32 $0.0e+00;
	v8 =	vimm.f32 $0.0e+00;
	v33 =	vld.idx.msk [tilespmem:v17+s3+$0x0], $0xffff  }
0x78: {  	v4 =	vimm.f32 $-Inf;
	v7 =	vshll.u32 v9, $0x4;
	v34 =	vld.idx.msk [tilespmem:v20+s3+$0x0], $0xffff;
	v16 =	vimm.f32 $0.0e+00  }
0x79: {  	v35 =	vld.idx.msk [tilespmem:v21+s3+$0x0], $0xffff;
	v20 =	vimm.f32 $-Inf;
	v17 =	vimm.f32 $0.0e+00;
	v21 =	vimm.f32 $0.0e+00  }
0x7a: {  	v30 =	vld.idx.msk [tilespmem:v14+s3+$0x0], $0xffff;
	v14 =	vimm.f32 $0.0e+00;
	v29 =	vor.u32 $0x8, v7;
	v31 =	vor.u32 $0xF, v7  }
0x7b: {  	v28 =	vor.u32 $0x9, v7;
	v24 =	vor.u32 $0xA, v7;
	v13 =	vor.u32 $0xB, v7  }
0x7c: {  	v12 =	vor.u32 $0xC, v7;
	v9 =	vor.u32 $0xD, v7;
	v5 =	vmul.f32 v11, v10  }
0x7d: {  	v7 =	vor.u32 $0xE, v7;
	v37 =	vmul.f32 v15, v10;
	v36 =	vmul.f32 v18, v10  }
0x7e: {  	s21 =	simm.s32 $0x600;
	s20 =	simm.s32 $0x100;
	v15 =	vimm.f32 $-Inf;
	v18 =	vimm.f32 $-Inf;
	v11 =	vld.idx.msk [tilespmem:v1+s22+$0x0 ss:$0x1], $0xffff;
	v6 =	vadd.f32 v5, v8  }
.LBB2_6:
0x7f: {  	p0 =	sne.s32 s21, $0x4C00;
	v38 =	vld.idx.msk [tilespmem:v2+s20+$0x0 ss:$0x1], $0xffff;
	v30 =	vmul.f32 v30, v10;
	v32 =	vmul.f32 v32, v10;
	v4 =	vmax.f32 v4, v5  }
0x80: {  	v5 =	vld.idx.msk [tilespmem:v31+s3+$0x0], $0xffff;
	v27 =	vmax.f32 v27, v37;
	v8 =	vadd.f32 v37, v8;
	v31 =	vmul.f32 v33, v10  }
0x81: {  	v25 =	vmax.f32 v25, v36;
	v26 =	vadd.f32 v36, v26;
	v37 =	vld.idx.msk [tilespmem:v29+s3+$0x0], $0xffff;
	v29 =	vmul.f32 v34, v10  }
0x82: {  	v19 =	vmax.f32 v19, v30;
	v23 =	vadd.f32 v30, v23;
	v36 =	vld.idx.msk [tilespmem:v28+s3+$0x0], $0xffff;
	v28 =	vmul.f32 v35, v10  }
0x83: {  	v15 =	vmax.f32 v15, v32;
	v16 =	vadd.f32 v32, v16;
	v20 =	vmax.f32 v20, v31;
	v30 =	vld.idx.msk [tilespmem:v24+s3+$0x0], $0xffff  }
0x84: {  	v17 =	vadd.f32 v31, v17;
	v18 =	vmax.f32 v18, v29;
	v21 =	vadd.f32 v29, v21;
	v32 =	vld.idx.msk [tilespmem:v13+s3+$0x0], $0xffff  }
.Ltmp1:
0x85: {  	v10 =	vmovc v11;
	v38 =	vshll.u32 v38, $0x4;
	v22 =	vmax.f32 v22, v28;
	v14 =	vadd.f32 v28, v14;
	v33 =	vld.idx.msk [tilespmem:v12+s3+$0x0], $0xffff;
	(pc) =	sbr.rel @p0 .LBB2_6-.Ltmp1, $4  }
0x86: {  	v29 =	vor.u32 $0x8, v38;
	v31 =	vor.u32 $0xF, v38;
	v5 =	vmul.f32 v5, v10;
	v34 =	vld.idx.msk [tilespmem:v9+s3+$0x0], $0xffff  }
0x87: {  	v28 =	vor.u32 $0x9, v38;
	v24 =	vor.u32 $0xA, v38;
	v13 =	vor.u32 $0xB, v38;
	v35 =	vld.idx.msk [tilespmem:v7+s3+$0x0], $0xffff  }
0x88: {  	v12 =	vor.u32 $0xC, v38;
	v9 =	vor.u32 $0xD, v38;
	v6 =	vadd.f32 v5, v6  }
0x89: {  	v37 =	vmul.f32 v37, v10;
	v7 =	vor.u32 $0xE, v38;
	v36 =	vmul.f32 v36, v10;
	v11 =	vld.idx.msk [tilespmem:v1+s20+$0x0 ss:$0x1], $0xffff;
	s20 =	sshra.s32 s21, $0x2;
	s21 =	sadd.s32 $0x200, s21  }
0x8a: {  	_ =	sdelay $0x2  }
0x8b: {  	v30 =	vmul.f32 v30, v10  }
0x8c: {  	v2 =	vld.idx.msk [tilespmem:v2+s20+$0x0 ss:$0x1], $0xffff;
	v32 =	vmul.f32 v32, v10;
	v33 =	vmul.f32 v33, v10  }
0x8d: {  	v31 =	vld.idx.msk [tilespmem:v31+s3+$0x0], $0xffff;
	v38 =	vor.u32 $0x18, v3;
	v40 =	vor.u32 $0x9, v3;
	v42 =	vor.u32 $0x19, v3  }
0x8e: {  	v29 =	vld.idx.msk [tilespmem:v29+s3+$0x0], $0xffff;
	v43 =	vor.u32 $0xA, v3;
	v44 =	vor.u32 $0x1A, v3;
	v46 =	vor.u32 $0xB, v3  }
0x8f: {  	v28 =	vld.idx.msk [tilespmem:v28+s3+$0x0], $0xffff;
	v48 =	vor.u32 $0x1B, v3;
	v27 =	vmax.f32 v27, v37;
	v8 =	vadd.f32 v37, v8  }
0x90: {  	v24 =	vld.idx.msk [tilespmem:v24+s3+$0x0], $0xffff;
	v25 =	vmax.f32 v25, v36;
	v26 =	vadd.f32 v36, v26;
	v34 =	vmul.f32 v34, v10  }
0x91: {  	v13 =	vld.idx.msk [tilespmem:v13+s3+$0x0], $0xffff;
	v37 =	vor.u32 $0x8, v3;
	v19 =	vmax.f32 v19, v30;
	v2 =	vshll.u32 v2, $0x4  }
0x92: {  	v12 =	vld.idx.msk [tilespmem:v12+s3+$0x0], $0xffff;
	v23 =	vadd.f32 v30, v23;
	v51 =	vmul.f32 v35, v10;
	v52 =	vor.u32 $0x8, v2  }
0x93: {  	v9 =	vld.idx.msk [tilespmem:v9+s3+$0x0], $0xffff;
	v15 =	vmax.f32 v15, v32;
	v16 =	vadd.f32 v32, v16;
	v20 =	vmax.f32 v20, v33  }
0x94: {  	v7 =	vld.idx.msk [tilespmem:v7+s3+$0x0], $0xffff;
	v17 =	vadd.f32 v33, v17;
	v18 =	vmax.f32 v18, v34;
	v54 =	vor.u32 $0x9, v2  }
0x95: {  	v21 =	vadd.f32 v34, v21;
	v31 =	vmul.f32 v31, v11;
	v55 =	vor.u32 $0xA, v2  }
0x96: {  	v1 =	vld.idx.msk [tilespmem:v1+s20+$0x0 ss:$0x1], $0xffff;
	v22 =	vmax.f32 v22, v51;
	v29 =	vmul.f32 v29, v11;
	v28 =	vmul.f32 v28, v11  }
0x97: {  	v24 =	vmul.f32 v24, v11;
	v13 =	vmul.f32 v13, v11;
	v56 =	vor.u32 $0xB, v2;
	v30 =	vld.idx.msk [tilespmem:v52+s3+$0x0], $0xffff  }
0x98: {  	v10 =	vadd.f32 v51, v14;
	v12 =	vmul.f32 v12, v11;
	v9 =	vmul.f32 v9, v11  }
0x99: {  	v7 =	vmul.f32 v7, v11;
	v53 =	vor.u32 $0xF, v2;
	v57 =	vor.u32 $0xC, v2;
	v59 =	vld.idx.msk [tilespmem:v54+s3+$0x0], $0xffff  }
0x9a: {  	v58 =	vor.u32 $0xD, v2;
	v2 =	vor.u32 $0xE, v2;
	v6 =	vadd.f32 v31, v6;
	v60 =	vld.idx.msk [tilespmem:v55+s3+$0x0], $0xffff  }
0x9b: {  	v27 =	vmax.f32 v27, v29;
	v8 =	vadd.f32 v29, v8;
	v25 =	vmax.f32 v25, v28  }
0x9c: {  	v26 =	vadd.f32 v28, v26;
	v19 =	vmax.f32 v19, v24;
	v62 =	vld.idx.msk [tilespmem:v56+s3+$0x0], $0xffff;
	v63 =	vmul.f32 v30, v1  }
0x9d: {  	v23 =	vadd.f32 v24, v23;
	v15 =	vmax.f32 v15, v13;
	v13 =	vadd.f32 v13, v16  }
0x9e: {  	v61 =	vmax.f32 v20, v12;
	v39 =	vld.idx.msk [tilespmem:v57+s3+$0x0], $0xffff;
	v28 =	vmul.f32 v59, v1;
	v8 =	vadd.f32 v63, v8  }
0x9f: {  	v12 =	vadd.f32 v12, v17;
	v18 =	vmax.f32 v18, v9;
	v14 =	vld.idx.msk [tilespmem:v53+s3+$0x0], $0xffff;
	v11 =	vmul.f32 v60, v1  }
0xa0: {  	v41 =	vld.idx.msk [tilespmem:v58+s3+$0x0], $0xffff;
	v20 =	vmax.f32 v27, v63;
	v26 =	vadd.f32 v28, v26;
	v8 =	vmul.f32 $2.564102600e-02, v8  }
0xa1: {  	v9 =	vadd.f32 v9, v21;
	v2 =	vld.idx.msk [tilespmem:v2+s3+$0x0], $0xffff;
	v17 =	vmul.f32 v62, v1;
	[tilespmem:v37+s13+$0x0] =	vst.idx.msk $0xffff, v20  }
0xa2: {  	v25 =	vmax.f32 v25, v28;
	v23 =	vadd.f32 v11, v23;
	v45 =	vmul.f32 $2.564102600e-02, v26;
	[tilespmem:v38+s13+$0x0] =	vst.idx.msk $0xffff, v8  }
0xa3: {  	v50 =	vor.u32 $0xC, v3;
	v10 =	vadd.f32 v7, v10;
	v47 =	vmul.f32 v39, v1;
	[tilespmem:v40+s13+$0x0] =	vst.idx.msk $0xffff, v25  }
0xa4: {  	v11 =	vmax.f32 v19, v11;
	v13 =	vadd.f32 v17, v13;
	v49 =	vmul.f32 $2.564102600e-02, v23;
	[tilespmem:v42+s13+$0x0] =	vst.idx.msk $0xffff, v45  }
0xa5: {  	v52 =	vor.u32 $0x1C, v3;
	v54 =	vor.u32 $0xD, v3;
	v51 =	vmul.f32 v41, v1;
	[tilespmem:v43+s13+$0x0] =	vst.idx.msk $0xffff, v11  }
0xa6: {  	v15 =	vmax.f32 v15, v17;
	v12 =	vadd.f32 v47, v12;
	v53 =	vmul.f32 $2.564102600e-02, v13;
	[tilespmem:v44+s13+$0x0] =	vst.idx.msk $0xffff, v49  }
0xa7: {  	v55 =	vor.u32 $0x1D, v3;
	v57 =	vor.u32 $0xE, v3;
	v2 =	vmul.f32 v2, v1;
	[tilespmem:v46+s13+$0x0] =	vst.idx.msk $0xffff, v15  }
0xa8: {  	v16 =	vmax.f32 v61, v47;
	v9 =	vadd.f32 v51, v9;
	v56 =	vmul.f32 $2.564102600e-02, v12;
	[tilespmem:v48+s13+$0x0] =	vst.idx.msk $0xffff, v53  }
0xa9: {  	v1 =	vmul.f32 v14, v1;
	v59 =	vor.u32 $0x1E, v3;
	v58 =	vmax.f32 v18, v51;
	[tilespmem:v50+s13+$0x0] =	vst.idx.msk $0xffff, v16  }
0xaa: {  	s19 =	sadd.s32 $0x1, s19;
	v10 =	vadd.f32 v2, v10;
	v61 =	vor.u32 $0xF, v3;
	v60 =	vmul.f32 $2.564102600e-02, v9;
	[tilespmem:v52+s13+$0x0] =	vst.idx.msk $0xffff, v56  }
0xab: {  	v4 =	vmax.f32 v4, v5;
	p0 =	sne.s32 s19, $0x8;
	v62 =	vmax.f32 v22, v7;
	v3 =	vor.u32 $0x1F, v3;
	[tilespmem:v54+s13+$0x0] =	vst.idx.msk $0xffff, v58  }
.Ltmp2:
0xac: {  	v6 =	vadd.f32 v1, v6;
	v2 =	vmax.f32 v62, v2;
	v63 =	vmul.f32 $2.564102600e-02, v10;
	[tilespmem:v55+s13+$0x0] =	vst.idx.msk $0xffff, v60;
	(pc) =	sbr.rel @p0 .LBB2_3-.Ltmp2, $4  }
0xad: {  	v4 =	vmax.f32 v4, v31;
	[tilespmem:v57+s13+$0x0] =	vst.idx.msk $0xffff, v2  }
0xae: {  	v1 =	vmax.f32 v4, v1;
	v2 =	vmul.f32 $2.564102600e-02, v6;
	[tilespmem:v59+s13+$0x0] =	vst.idx.msk $0xffff, v63  }
0xaf: {  	[tilespmem:v61+s13+$0x0] =	vst.idx.msk $0xffff, v1  }
0xb0: {  	s17 =	sadd.s32 $0x10, s17;
	s18 =	sadd.s32 $0x10, s18;
	[tilespmem:v3+s13+$0x0] =	vst.idx.msk $0xffff, v2  }
0xb1: {  	s15 =	sadd.s32 $0x1, s15  }
0xb2: {  	s16 =	sshll.u32 s16, $0x2;
	p0 =	sne.s32 s15, $0x8  }
.Ltmp3:
0xb3: {  	s16 =	sadd.s32 s16, s8;
	(pc) =	sbr.rel @p0 .LBB2_2-.Ltmp3, $4  }
0xb4: {  	[hbm4b:s16+s3] =	stream.linear.scatter [tilespmem:s13], [sflag:$0x1], $0x1000, $0x38;
	[tilespmem:$0xD000] =	vst v63  }
0xb5: {  	_ =	swait.ge [sflag:s10], $0x1000  }
0xb6: {  	[sflag:s10] =	ssyncset.done $0x0  }
0xb7: {  	[sflag:s10] =	ssyncadd.s32 $0xFFFFF000  }
0xb8: {  	s14 =	sadd.s32 $0x1, s14  }
0xb9: {  	p0 =	sne.s32 s14, s9  }
.Ltmp4:
0xba: {  	_ = 	snop;
	(pc) =	sbr.rel @p0 .LBB2_1-.Ltmp4, $1  }
0xbb: {  	_ =	sdelay $0x3  }
0xbc: {  	_ =	sfence.sel $0x180000  }
0xbd: {  	[bflag:$0x0] =	sbarrier.arrive $0xFFFF  }
0xbe: {  	p0 =	sne.s32 s1, $0x0;
	_ =	strace $0x90000047  }
0xbf: {  	s0 =	sadd.s32 @!p0 $0x100000, s0;
	[bflag:$0x2] =	sbarrier.arrive $0xFFFF  }
0xc0: {  	[sflag:s0] =	ssyncadd.tile.s32 @!p0 $0x1;
	_ =	shalt  }
.Lfunc_end2:
_tile_overlayer_lowered:
.L_overlay_start_2:
0xc1: {  	(tag) =	ssettag $0x2  }
0xc2: {  	s0 =	rddreg [dreg:$0x0];
	s2 =	stileid.u32  }
0xc3: {  	s1 =	rddreg [dreg:$0x1];
	p0 =	sne.s32 s2, $0x0  }
0xc4: {  	s3 =	rddreg [dreg:$0x2];
	[bflag:$0x3] =	sbarrier.arrive $0xFFFF;
	s2 =	simm.s32 @!p0 $0x1C01  }
0xc5: {  	[timem:s3], [sflag:s2] =	dma.local @!p0 [hbm:s0], s1  }
0xc6: {  	s0 =	simm.s32 @!p0 $0x1  }
0xc7: {  	_ =	swait.ge @!p0 [sflag:s0], s1  }
0xc8: {  	s1 =	ssub.s32 @!p0 $0x0, s1;
	[sflag:s0] =	ssyncset.done @!p0 $0x0  }
0xc9: {  	[sflag:s0] =	ssyncadd.s32 @!p0 s1  }
0xca: {  	[bflag:$0x3] =	sbarrier.arrive $0xFFFF  }
0xcb: {  	_ =	shalt  }

</sc_bundles>
